<compile_context>
chip_gen: v7x
topology: tpu7x:2x2x1
jax: 0.10.2.dev20260603
libtpu: 0.0.44.dev20260713+nightly
codegen_flags: <defaults>
</compile_context>

<pallas_src>
import functools

import jax
import jax.numpy as jnp
from jax import lax
from jax.experimental import pallas as pl
from jax.experimental.pallas import tpu as pltpu
from jax.experimental.pallas import tpu_sc as plsc

B = 16384
R = 8
V = 64
NDIMS = 7
NC, NS, L = 2, 16, 16
NW = NC * NS
BPW = B // NW
GROUPS = BPW // L
SE = R + 1
SM = R * R + 1


def _tt_body(idx_hbm, t0_hbm, t1_hbm, t2_hbm, t3_hbm, t4_hbm, t5_hbm,
             t6_hbm, out_hbm, idx_v, t0_v, t1_v, t2_v, t3_v, t4_v, t5_v,
             t6_v, out_v, sem):
    wid = lax.axis_index("s") * NC + lax.axis_index("c")
    base = wid * BPW

    copies = [
        pltpu.async_copy(t0_hbm, t0_v, sem),
        pltpu.async_copy(t1_hbm, t1_v, sem),
        pltpu.async_copy(t2_hbm, t2_v, sem),
        pltpu.async_copy(t3_hbm, t3_v, sem),
        pltpu.async_copy(t4_hbm, t4_v, sem),
        pltpu.async_copy(t5_hbm, t5_v, sem),
        pltpu.async_copy(t6_hbm, t6_v, sem),
        pltpu.async_copy(idx_hbm.at[pl.ds(wid * (NDIMS * BPW), NDIMS * BPW)],
                         idx_v, sem),
    ]
    for c in copies:
        c.wait()

    tmid = [t1_v, t2_v, t3_v, t4_v, t5_v]

    def group(g, carry):
        o = g * L
        i0 = idx_v[pl.ds(0 * BPW + o, L)] * SE
        res = [plsc.load_gather(t0_v, [i0 + j]) for j in range(R)]
        for k in range(1, 6):
            ik = idx_v[pl.ds(k * BPW + o, L)] * SM
            tk = tmid[k - 1]
            new = []
            for l in range(R):
                acc = res[0] * plsc.load_gather(tk, [ik + l])
                for j in range(1, R):
                    acc = acc + res[j] * plsc.load_gather(tk, [ik + (j * R + l)])
                new.append(acc)
            res = new
        i6 = idx_v[pl.ds(6 * BPW + o, L)] * SE
        q = res[0] * plsc.load_gather(t6_v, [i6 + 0])
        for j in range(1, R):
            q = q + res[j] * plsc.load_gather(t6_v, [i6 + j])
        out_v[pl.ds(o, L)] = q
        return carry

    lax.fori_loop(0, GROUPS, group, 0, unroll=False)
    pltpu.sync_copy(out_v, out_hbm.at[pl.ds(base, BPW)])


_tt_gather = functools.partial(
    pl.kernel,
    out_type=jax.ShapeDtypeStruct((B,), jnp.float32),
    mesh=plsc.VectorSubcoreMesh(core_axis_name="c", subcore_axis_name="s",
                                num_cores=NC, num_subcores=NS),
    compiler_params=pltpu.CompilerParams(needs_layout_passes=False),
    scratch_types=[
        pltpu.VMEM((NDIMS * BPW,), jnp.int32),
        pltpu.VMEM((V * SE,), jnp.float32),
        pltpu.VMEM((V * SM,), jnp.float32),
        pltpu.VMEM((V * SM,), jnp.float32),
        pltpu.VMEM((V * SM,), jnp.float32),
        pltpu.VMEM((V * SM,), jnp.float32),
        pltpu.VMEM((V * SM,), jnp.float32),
        pltpu.VMEM((V * SE,), jnp.float32),
        pltpu.VMEM((BPW,), jnp.float32),
        pltpu.SemaphoreType.DMA,
    ],
)(_tt_body)


def _pad_rows(t, stride):
    return jnp.pad(t, ((0, 0), (0, stride - t.shape[1]))).reshape(-1)


def kernel(states, actions, core0, core1, core2, core3, core4, core5, core6):
    idxp = (jnp.concatenate([states.T, actions.T], axis=0)
            .reshape(NDIMS, NW, BPW).transpose(1, 0, 2).reshape(-1))
    t0 = _pad_rows(core0.reshape(V, R), SE)
    tmid = [_pad_rows(jnp.transpose(c, (1, 0, 2)).reshape(V, R * R), SM)
            for c in (core1, core2, core3, core4, core5)]
    t6 = _pad_rows(jnp.transpose(core6, (1, 0, 2)).reshape(V, R), SE)
    return _tt_gather(idxp, t0, *tmid, t6)

# --- scband reference (transcript-rebuilt; emitter-appended) ---
"""Pipeline reference for scband-qtlayer-79396765434347 (READ-ONLY COPY).

The authoritative reference and input builder live on the scoring server;
editing this copy changes nothing except your own understanding.
"""

import jax, jax.numpy as jnp
import numpy as np

TT_SHAPE = [64, 64, 64, 64, 64, 64, 64]
TT_RANK = 8
BATCH = 16384
N_STATE_DIMS = 6


def setup_inputs(seed: int = 0) -> dict:
    key = jax.random.key(seed)
    ks = jax.random.split(key, 2 + len(TT_SHAPE))
    states = jax.random.randint(ks[0], (BATCH, N_STATE_DIMS), 0, 64, dtype=jnp.int32)
    actions = jax.random.randint(ks[1], (BATCH, 1), 0, 64, dtype=jnp.int32)
    d = len(TT_SHAPE)
    ranks = [1] + [TT_RANK] * (d - 1) + [1]
    inp = {"states": states, "actions": actions}
    for i in range(d):
        core = jax.random.normal(ks[2 + i], (ranks[i], TT_SHAPE[i], ranks[i + 1]), dtype=jnp.float32) * 0.001
        inp["core%d" % i] = core
    return inp


def reference(states, actions, core0, core1, core2, core3, core4, core5, core6):
    # QTLayer.call with mode='q_sa':
    # concat flattened state indices with action index, then t3f.gather_nd on the TT tensor Q.
    cores = [core0, core1, core2, core3, core4, core5, core6]
    reshaped_s = states.reshape(-1, N_STATE_DIMS)
    reshaped_a = actions.reshape(-1, 1)
    idx = jnp.concatenate([reshaped_s, reshaped_a], axis=1)  # [B, 7]
    # TT gather_nd: for each row of idx, multiply the selected core slices:
    # Q[i1,...,i7] = G1[:, i1, :] @ G2[:, i2, :] @ ... @ G7[:, i7, :]
    res = jnp.transpose(cores[0], (1, 0, 2))[idx[:, 0]]  # [B, 1, r]
    for k in range(1, len(cores)):
        sl = jnp.transpose(cores[k], (1, 0, 2))[idx[:, k]]  # [B, r, r']
        res = jnp.einsum('bij,bjk->bik', res, sl)
    q_values_sa = res[:, 0, 0]  # [B]
    return q_values_sa

if __name__ == "__main__":
    import jax
    _d = setup_inputs()
    print(jax.jit(kernel)(*tuple(_d.values())))

</pallas_src>

<mosaic_0001>
#map = affine_map<(d0, d1) -> (0)>
module attributes {stable_mosaic.version = 14 : i64} {
  func.func @_tt_body(%arg0: i32, %arg1: i32, %arg2: memref<114688xi32, #tpu.memory_space<hbm>>, %arg3: memref<576xf32, #tpu.memory_space<hbm>>, %arg4: memref<4160xf32, #tpu.memory_space<hbm>>, %arg5: memref<4160xf32, #tpu.memory_space<hbm>>, %arg6: memref<4160xf32, #tpu.memory_space<hbm>>, %arg7: memref<4160xf32, #tpu.memory_space<hbm>>, %arg8: memref<4160xf32, #tpu.memory_space<hbm>>, %arg9: memref<576xf32, #tpu.memory_space<hbm>>, %arg10: memref<16384xf32, #tpu.memory_space<hbm>>, %arg11: memref<3584xi32, #tpu.memory_space<vmem>>, %arg12: memref<576xf32, #tpu.memory_space<vmem>>, %arg13: memref<4160xf32, #tpu.memory_space<vmem>>, %arg14: memref<4160xf32, #tpu.memory_space<vmem>>, %arg15: memref<4160xf32, #tpu.memory_space<vmem>>, %arg16: memref<4160xf32, #tpu.memory_space<vmem>>, %arg17: memref<4160xf32, #tpu.memory_space<vmem>>, %arg18: memref<576xf32, #tpu.memory_space<vmem>>, %arg19: memref<512xf32, #tpu.memory_space<vmem>>, %arg20: memref<!tpu.dma_semaphore, #tpu.memory_space<semaphore_mem>>) attributes {dimension_semantics = [#tpu.dimension_semantics<core_parallel>, #tpu.dimension_semantics<subcore_parallel>], iteration_bounds = array<i64: 2, 16>, scalar_prefetch = 0 : i64, scratch_operands = 10 : i64, tpu.core_type = #tpu.core_type<sc_vector_subcore>, window_params = [{transform_indices = #map}, {transform_indices = #map}, {transform_indices = #map}, {transform_indices = #map}, {transform_indices = #map}, {transform_indices = #map}, {transform_indices = #map}, {transform_indices = #map}, {transform_indices = #map}]} {
    %mul3A = arith.constant 2 : i32
    %mul3A_0 = arith.muli %arg1, %mul3A : i32
    %add3A = arith.addi %mul3A_0, %arg0 : i32
    %mul3A_1 = arith.constant 512 : i32
    %mul3A_2 = arith.muli %add3A, %mul3A_1 : i32
    tpu.enqueue_dma source(%arg3 : memref<576xf32, #tpu.memory_space<hbm>>) target(%arg12 : memref<576xf32, #tpu.memory_space<vmem>>) target_semaphore(%arg20 : memref<!tpu.dma_semaphore, #tpu.memory_space<semaphore_mem>>)
    tpu.enqueue_dma source(%arg4 : memref<4160xf32, #tpu.memory_space<hbm>>) target(%arg13 : memref<4160xf32, #tpu.memory_space<vmem>>) target_semaphore(%arg20 : memref<!tpu.dma_semaphore, #tpu.memory_space<semaphore_mem>>)
    tpu.enqueue_dma source(%arg5 : memref<4160xf32, #tpu.memory_space<hbm>>) target(%arg14 : memref<4160xf32, #tpu.memory_space<vmem>>) target_semaphore(%arg20 : memref<!tpu.dma_semaphore, #tpu.memory_space<semaphore_mem>>)
    tpu.enqueue_dma source(%arg6 : memref<4160xf32, #tpu.memory_space<hbm>>) target(%arg15 : memref<4160xf32, #tpu.memory_space<vmem>>) target_semaphore(%arg20 : memref<!tpu.dma_semaphore, #tpu.memory_space<semaphore_mem>>)
    tpu.enqueue_dma source(%arg7 : memref<4160xf32, #tpu.memory_space<hbm>>) target(%arg16 : memref<4160xf32, #tpu.memory_space<vmem>>) target_semaphore(%arg20 : memref<!tpu.dma_semaphore, #tpu.memory_space<semaphore_mem>>)
    tpu.enqueue_dma source(%arg8 : memref<4160xf32, #tpu.memory_space<hbm>>) target(%arg17 : memref<4160xf32, #tpu.memory_space<vmem>>) target_semaphore(%arg20 : memref<!tpu.dma_semaphore, #tpu.memory_space<semaphore_mem>>)
    tpu.enqueue_dma source(%arg9 : memref<576xf32, #tpu.memory_space<hbm>>) target(%arg18 : memref<576xf32, #tpu.memory_space<vmem>>) target_semaphore(%arg20 : memref<!tpu.dma_semaphore, #tpu.memory_space<semaphore_mem>>)
    %mul3A_3 = arith.constant 3584 : i32
    %mul3A_4 = arith.muli %add3A, %mul3A_3 : i32
    %dma_start3A = tpu.memref_slice %arg2[%mul3A_4] : memref<114688xi32, #tpu.memory_space<hbm>> -> memref<3584xi32, #tpu.memory_space<hbm>>
    %dma_start3A_5 = tpu.memref_slice %arg2[%mul3A_4] : memref<114688xi32, #tpu.memory_space<hbm>> -> memref<3584xi32, #tpu.memory_space<hbm>>
    tpu.enqueue_dma source(%dma_start3A_5 : memref<3584xi32, #tpu.memory_space<hbm>>) target(%arg11 : memref<3584xi32, #tpu.memory_space<vmem>>) target_semaphore(%arg20 : memref<!tpu.dma_semaphore, #tpu.memory_space<semaphore_mem>>)
    tpu.wait_dma2 semaphore(%arg20 : memref<!tpu.dma_semaphore, #tpu.memory_space<semaphore_mem>>) src(%arg3 : memref<576xf32, #tpu.memory_space<hbm>>) dst(%arg12 : memref<576xf32, #tpu.memory_space<vmem>>)
    tpu.wait_dma2 semaphore(%arg20 : memref<!tpu.dma_semaphore, #tpu.memory_space<semaphore_mem>>) src(%arg4 : memref<4160xf32, #tpu.memory_space<hbm>>) dst(%arg13 : memref<4160xf32, #tpu.memory_space<vmem>>)
    tpu.wait_dma2 semaphore(%arg20 : memref<!tpu.dma_semaphore, #tpu.memory_space<semaphore_mem>>) src(%arg5 : memref<4160xf32, #tpu.memory_space<hbm>>) dst(%arg14 : memref<4160xf32, #tpu.memory_space<vmem>>)
    tpu.wait_dma2 semaphore(%arg20 : memref<!tpu.dma_semaphore, #tpu.memory_space<semaphore_mem>>) src(%arg6 : memref<4160xf32, #tpu.memory_space<hbm>>) dst(%arg15 : memref<4160xf32, #tpu.memory_space<vmem>>)
    tpu.wait_dma2 semaphore(%arg20 : memref<!tpu.dma_semaphore, #tpu.memory_space<semaphore_mem>>) src(%arg7 : memref<4160xf32, #tpu.memory_space<hbm>>) dst(%arg16 : memref<4160xf32, #tpu.memory_space<vmem>>)
    tpu.wait_dma2 semaphore(%arg20 : memref<!tpu.dma_semaphore, #tpu.memory_space<semaphore_mem>>) src(%arg8 : memref<4160xf32, #tpu.memory_space<hbm>>) dst(%arg17 : memref<4160xf32, #tpu.memory_space<vmem>>)
    tpu.wait_dma2 semaphore(%arg20 : memref<!tpu.dma_semaphore, #tpu.memory_space<semaphore_mem>>) src(%arg9 : memref<576xf32, #tpu.memory_space<hbm>>) dst(%arg18 : memref<576xf32, #tpu.memory_space<vmem>>)
    %dma_wait3A = tpu.memref_slice %arg2[%mul3A_4] : memref<114688xi32, #tpu.memory_space<hbm>> -> memref<3584xi32, #tpu.memory_space<hbm>>
    %dma_wait3A_6 = tpu.memref_slice %arg2[%mul3A_4] : memref<114688xi32, #tpu.memory_space<hbm>> -> memref<3584xi32, #tpu.memory_space<hbm>>
    tpu.wait_dma2 semaphore(%arg20 : memref<!tpu.dma_semaphore, #tpu.memory_space<semaphore_mem>>) src(%dma_wait3A_6 : memref<3584xi32, #tpu.memory_space<hbm>>) dst(%arg11 : memref<3584xi32, #tpu.memory_space<vmem>>)
    %scan3A = arith.constant 0 : i32
    %scan3A_7 = arith.constant 0 : i32
    %scan3A_8 = arith.constant 32 : i32
    %scan3A_9 = arith.addi %scan3A_7, %scan3A_8 : i32
    %scan3A_10 = arith.constant 1 : i32
    scf.for %scan3A_12 = %scan3A_7 to %scan3A_9 step %scan3A_10  : i32 {
      %mul3A_13 = arith.constant 16 : i32
      %mul3A_14 = arith.muli %scan3A_12, %mul3A_13 : i32
      %add3A_15 = arith.constant 0 : i32
      %add3A_16 = arith.addi %add3A_15, %mul3A_14 : i32
      %get3A = arith.index_cast %add3A_16 : i32 to index
      %get3A_17 = tpu.vector_load %arg11[%get3A] {strides = array<i32>} : memref<3584xi32, #tpu.memory_space<vmem>>, vector<16xi32>,
      %mul3A_18 = arith.constant 9 : i32
      %mul3A_19 = vector.broadcast %mul3A_18 : i32 to vector<16xi32>
      %mul3A_20 = arith.muli %get3A_17, %mul3A_19 : vector<16xi32>
      %add3A_21 = arith.constant 0 : i32
      %add3A_22 = vector.broadcast %add3A_21 : i32 to vector<16xi32>
      %add3A_23 = arith.addi %mul3A_20, %add3A_22 : vector<16xi32>
      %gather3A = tpu.vector_load_idx %arg12[%add3A_23] : memref<576xf32, #tpu.memory_space<vmem>>[vector<16xi32>], vector<16xf32>,
      %add3A_24 = arith.constant 1 : i32
      %add3A_25 = vector.broadcast %add3A_24 : i32 to vector<16xi32>
      %add3A_26 = arith.addi %mul3A_20, %add3A_25 : vector<16xi32>
      %gather3A_27 = tpu.vector_load_idx %arg12[%add3A_26] : memref<576xf32, #tpu.memory_space<vmem>>[vector<16xi32>], vector<16xf32>,
      %add3A_28 = arith.constant 2 : i32
      %add3A_29 = vector.broadcast %add3A_28 : i32 to vector<16xi32>
      %add3A_30 = arith.addi %mul3A_20, %add3A_29 : vector<16xi32>
      %gather3A_31 = tpu.vector_load_idx %arg12[%add3A_30] : memref<576xf32, #tpu.memory_space<vmem>>[vector<16xi32>], vector<16xf32>,
      %add3A_32 = arith.constant 3 : i32
      %add3A_33 = vector.broadcast %add3A_32 : i32 to vector<16xi32>
      %add3A_34 = arith.addi %mul3A_20, %add3A_33 : vector<16xi32>
      %gather3A_35 = tpu.vector_load_idx %arg12[%add3A_34] : memref<576xf32, #tpu.memory_space<vmem>>[vector<16xi32>], vector<16xf32>,
      %add3A_36 = arith.constant 4 : i32
      %add3A_37 = vector.broadcast %add3A_36 : i32 to vector<16xi32>
      %add3A_38 = arith.addi %mul3A_20, %add3A_37 : vector<16xi32>
      %gather3A_39 = tpu.vector_load_idx %arg12[%add3A_38] : memref<576xf32, #tpu.memory_space<vmem>>[vector<16xi32>], vector<16xf32>,
      %add3A_40 = arith.constant 5 : i32
      %add3A_41 = vector.broadcast %add3A_40 : i32 to vector<16xi32>
      %add3A_42 = arith.addi %mul3A_20, %add3A_41 : vector<16xi32>
      %gather3A_43 = tpu.vector_load_idx %arg12[%add3A_42] : memref<576xf32, #tpu.memory_space<vmem>>[vector<16xi32>], vector<16xf32>,
      %add3A_44 = arith.constant 6 : i32
      %add3A_45 = vector.broadcast %add3A_44 : i32 to vector<16xi32>
      %add3A_46 = arith.addi %mul3A_20, %add3A_45 : vector<16xi32>
      %gather3A_47 = tpu.vector_load_idx %arg12[%add3A_46] : memref<576xf32, #tpu.memory_space<vmem>>[vector<16xi32>], vector<16xf32>,
      %add3A_48 = arith.constant 7 : i32
      %add3A_49 = vector.broadcast %add3A_48 : i32 to vector<16xi32>
      %add3A_50 = arith.addi %mul3A_20, %add3A_49 : vector<16xi32>
      %gather3A_51 = tpu.vector_load_idx %arg12[%add3A_50] : memref<576xf32, #tpu.memory_space<vmem>>[vector<16xi32>], vector<16xf32>,
      %add3A_52 = arith.constant 512 : i32
      %add3A_53 = arith.addi %add3A_52, %mul3A_14 : i32
      %get3A_54 = arith.index_cast %add3A_53 : i32 to index
      %get3A_55 = tpu.vector_load %arg11[%get3A_54] {strides = array<i32>} : memref<3584xi32, #tpu.memory_space<vmem>>, vector<16xi32>,
      %mul3A_56 = arith.constant 65 : i32
      %mul3A_57 = vector.broadcast %mul3A_56 : i32 to vector<16xi32>
      %mul3A_58 = arith.muli %get3A_55, %mul3A_57 : vector<16xi32>
      %add3A_59 = arith.constant 0 : i32
      %add3A_60 = vector.broadcast %add3A_59 : i32 to vector<16xi32>
      %add3A_61 = arith.addi %mul3A_58, %add3A_60 : vector<16xi32>
      %gather3A_62 = tpu.vector_load_idx %arg13[%add3A_61] : memref<4160xf32, #tpu.memory_space<vmem>>[vector<16xi32>], vector<16xf32>,
      %mul3A_63 = arith.mulf %gather3A, %gather3A_62 : vector<16xf32>
      %add3A_64 = arith.constant 8 : i32
      %add3A_65 = vector.broadcast %add3A_64 : i32 to vector<16xi32>
      %add3A_66 = arith.addi %mul3A_58, %add3A_65 : vector<16xi32>
      %gather3A_67 = tpu.vector_load_idx %arg13[%add3A_66] : memref<4160xf32, #tpu.memory_space<vmem>>[vector<16xi32>], vector<16xf32>,
      %mul3A_68 = arith.mulf %gather3A_27, %gather3A_67 : vector<16xf32>
      %add3A_69 = arith.addf %mul3A_63, %mul3A_68 : vector<16xf32>
      %add3A_70 = arith.constant 16 : i32
      %add3A_71 = vector.broadcast %add3A_70 : i32 to vector<16xi32>
      %add3A_72 = arith.addi %mul3A_58, %add3A_71 : vector<16xi32>
      %gather3A_73 = tpu.vector_load_idx %arg13[%add3A_72] : memref<4160xf32, #tpu.memory_space<vmem>>[vector<16xi32>], vector<16xf32>,
      %mul3A_74 = arith.mulf %gather3A_31, %gather3A_73 : vector<16xf32>
      %add3A_75 = arith.addf %add3A_69, %mul3A_74 : vector<16xf32>
      %add3A_76 = arith.constant 24 : i32
      %add3A_77 = vector.broadcast %add3A_76 : i32 to vector<16xi32>
      %add3A_78 = arith.addi %mul3A_58, %add3A_77 : vector<16xi32>
      %gather3A_79 = tpu.vector_load_idx %arg13[%add3A_78] : memref<4160xf32, #tpu.memory_space<vmem>>[vector<16xi32>], vector<16xf32>,
      %mul3A_80 = arith.mulf %gather3A_35, %gather3A_79 : vector<16xf32>
      %add3A_81 = arith.addf %add3A_75, %mul3A_80 : vector<16xf32>
      %add3A_82 = arith.constant 32 : i32
      %add3A_83 = vector.broadcast %add3A_82 : i32 to vector<16xi32>
      %add3A_84 = arith.addi %mul3A_58, %add3A_83 : vector<16xi32>
      %gather3A_85 = tpu.vector_load_idx %arg13[%add3A_84] : memref<4160xf32, #tpu.memory_space<vmem>>[vector<16xi32>], vector<16xf32>,
      %mul3A_86 = arith.mulf %gather3A_39, %gather3A_85 : vector<16xf32>
      %add3A_87 = arith.addf %add3A_81, %mul3A_86 : vector<16xf32>
      %add3A_88 = arith.constant 40 : i32
      %add3A_89 = vector.broadcast %add3A_88 : i32 to vector<16xi32>
      %add3A_90 = arith.addi %mul3A_58, %add3A_89 : vector<16xi32>
      %gather3A_91 = tpu.vector_load_idx %arg13[%add3A_90] : memref<4160xf32, #tpu.memory_space<vmem>>[vector<16xi32>], vector<16xf32>,
      %mul3A_92 = arith.mulf %gather3A_43, %gather3A_91 : vector<16xf32>
      %add3A_93 = arith.addf %add3A_87, %mul3A_92 : vector<16xf32>
      %add3A_94 = arith.constant 48 : i32
      %add3A_95 = vector.broadcast %add3A_94 : i32 to vector<16xi32>
      %add3A_96 = arith.addi %mul3A_58, %add3A_95 : vector<16xi32>
      %gather3A_97 = tpu.vector_load_idx %arg13[%add3A_96] : memref<4160xf32, #tpu.memory_space<vmem>>[vector<16xi32>], vector<16xf32>,
      %mul3A_98 = arith.mulf %gather3A_47, %gather3A_97 : vector<16xf32>
      %add3A_99 = arith.addf %add3A_93, %mul3A_98 : vector<16xf32>
      %add3A_100 = arith.constant 56 : i32
      %add3A_101 = vector.broadcast %add3A_100 : i32 to vector<16xi32>
      %add3A_102 = arith.addi %mul3A_58, %add3A_101 : vector<16xi32>
      %gather3A_103 = tpu.vector_load_idx %arg13[%add3A_102] : memref<4160xf32, #tpu.memory_space<vmem>>[vector<16xi32>], vector<16xf32>,
      %mul3A_104 = arith.mulf %gather3A_51, %gather3A_103 : vector<16xf32>
      %add3A_105 = arith.addf %add3A_99, %mul3A_104 : vector<16xf32>
      %add3A_106 = arith.constant 1 : i32
      %add3A_107 = vector.broadcast %add3A_106 : i32 to vector<16xi32>
      %add3A_108 = arith.addi %mul3A_58, %add3A_107 : vector<16xi32>
      %gather3A_109 = tpu.vector_load_idx %arg13[%add3A_108] : memref<4160xf32, #tpu.memory_space<vmem>>[vector<16xi32>], vector<16xf32>,
      %mul3A_110 = arith.mulf %gather3A, %gather3A_109 : vector<16xf32>
      %add3A_111 = arith.constant 9 : i32
      %add3A_112 = vector.broadcast %add3A_111 : i32 to vector<16xi32>
      %add3A_113 = arith.addi %mul3A_58, %add3A_112 : vector<16xi32>
      %gather3A_114 = tpu.vector_load_idx %arg13[%add3A_113] : memref<4160xf32, #tpu.memory_space<vmem>>[vector<16xi32>], vector<16xf32>,
      %mul3A_115 = arith.mulf %gather3A_27, %gather3A_114 : vector<16xf32>
      %add3A_116 = arith.addf %mul3A_110, %mul3A_115 : vector<16xf32>
      %add3A_117 = arith.constant 17 : i32
      %add3A_118 = vector.broadcast %add3A_117 : i32 to vector<16xi32>
      %add3A_119 = arith.addi %mul3A_58, %add3A_118 : vector<16xi32>
      %gather3A_120 = tpu.vector_load_idx %arg13[%add3A_119] : memref<4160xf32, #tpu.memory_space<vmem>>[vector<16xi32>], vector<16xf32>,
      %mul3A_121 = arith.mulf %gather3A_31, %gather3A_120 : vector<16xf32>
      %add3A_122 = arith.addf %add3A_116, %mul3A_121 : vector<16xf32>
      %add3A_123 = arith.constant 25 : i32
      %add3A_124 = vector.broadcast %add3A_123 : i32 to vector<16xi32>
      %add3A_125 = arith.addi %mul3A_58, %add3A_124 : vector<16xi32>
      %gather3A_126 = tpu.vector_load_idx %arg13[%add3A_125] : memref<4160xf32, #tpu.memory_space<vmem>>[vector<16xi32>], vector<16xf32>,
      %mul3A_127 = arith.mulf %gather3A_35, %gather3A_126 : vector<16xf32>
      %add3A_128 = arith.addf %add3A_122, %mul3A_127 : vector<16xf32>
      %add3A_129 = arith.constant 33 : i32
      %add3A_130 = vector.broadcast %add3A_129 : i32 to vector<16xi32>
      %add3A_131 = arith.addi %mul3A_58, %add3A_130 : vector<16xi32>
      %gather3A_132 = tpu.vector_load_idx %arg13[%add3A_131] : memref<4160xf32, #tpu.memory_space<vmem>>[vector<16xi32>], vector<16xf32>,
      %mul3A_133 = arith.mulf %gather3A_39, %gather3A_132 : vector<16xf32>
      %add3A_134 = arith.addf %add3A_128, %mul3A_133 : vector<16xf32>
      %add3A_135 = arith.constant 41 : i32
      %add3A_136 = vector.broadcast %add3A_135 : i32 to vector<16xi32>
      %add3A_137 = arith.addi %mul3A_58, %add3A_136 : vector<16xi32>
      %gather3A_138 = tpu.vector_load_idx %arg13[%add3A_137] : memref<4160xf32, #tpu.memory_space<vmem>>[vector<16xi32>], vector<16xf32>,
      %mul3A_139 = arith.mulf %gather3A_43, %gather3A_138 : vector<16xf32>
      %add3A_140 = arith.addf %add3A_134, %mul3A_139 : vector<16xf32>
      %add3A_141 = arith.constant 49 : i32
      %add3A_142 = vector.broadcast %add3A_141 : i32 to vector<16xi32>
      %add3A_143 = arith.addi %mul3A_58, %add3A_142 : vector<16xi32>
      %gather3A_144 = tpu.vector_load_idx %arg13[%add3A_143] : memref<4160xf32, #tpu.memory_space<vmem>>[vector<16xi32>], vector<16xf32>,
      %mul3A_145 = arith.mulf %gather3A_47, %gather3A_144 : vector<16xf32>
      %add3A_146 = arith.addf %add3A_140, %mul3A_145 : vector<16xf32>
      %add3A_147 = arith.constant 57 : i32
      %add3A_148 = vector.broadcast %add3A_147 : i32 to vector<16xi32>
      %add3A_149 = arith.addi %mul3A_58, %add3A_148 : vector<16xi32>
      %gather3A_150 = tpu.vector_load_idx %arg13[%add3A_149] : memref<4160xf32, #tpu.memory_space<vmem>>[vector<16xi32>], vector<16xf32>,
      %mul3A_151 = arith.mulf %gather3A_51, %gather3A_150 : vector<16xf32>
      %add3A_152 = arith.addf %add3A_146, %mul3A_151 : vector<16xf32>
      %add3A_153 = arith.constant 2 : i32
      %add3A_154 = vector.broadcast %add3A_153 : i32 to vector<16xi32>
      %add3A_155 = arith.addi %mul3A_58, %add3A_154 : vector<16xi32>
      %gather3A_156 = tpu.vector_load_idx %arg13[%add3A_155] : memref<4160xf32, #tpu.memory_space<vmem>>[vector<16xi32>], vector<16xf32>,
      %mul3A_157 = arith.mulf %gather3A, %gather3A_156 : vector<16xf32>
      %add3A_158 = arith.constant 10 : i32
      %add3A_159 = vector.broadcast %add3A_158 : i32 to vector<16xi32>
      %add3A_160 = arith.addi %mul3A_58, %add3A_159 : vector<16xi32>
      %gather3A_161 = tpu.vector_load_idx %arg13[%add3A_160] : memref<4160xf32, #tpu.memory_space<vmem>>[vector<16xi32>], vector<16xf32>,
      %mul3A_162 = arith.mulf %gather3A_27, %gather3A_161 : vector<16xf32>
      %add3A_163 = arith.addf %mul3A_157, %mul3A_162 : vector<16xf32>
      %add3A_164 = arith.constant 18 : i32
      %add3A_165 = vector.broadcast %add3A_164 : i32 to vector<16xi32>
      %add3A_166 = arith.addi %mul3A_58, %add3A_165 : vector<16xi32>
      %gather3A_167 = tpu.vector_load_idx %arg13[%add3A_166] : memref<4160xf32, #tpu.memory_space<vmem>>[vector<16xi32>], vector<16xf32>,
      %mul3A_168 = arith.mulf %gather3A_31, %gather3A_167 : vector<16xf32>
      %add3A_169 = arith.addf %add3A_163, %mul3A_168 : vector<16xf32>
      %add3A_170 = arith.constant 26 : i32
      %add3A_171 = vector.broadcast %add3A_170 : i32 to vector<16xi32>
      %add3A_172 = arith.addi %mul3A_58, %add3A_171 : vector<16xi32>
      %gather3A_173 = tpu.vector_load_idx %arg13[%add3A_172] : memref<4160xf32, #tpu.memory_space<vmem>>[vector<16xi32>], vector<16xf32>,
      %mul3A_174 = arith.mulf %gather3A_35, %gather3A_173 : vector<16xf32>
      %add3A_175 = arith.addf %add3A_169, %mul3A_174 : vector<16xf32>
      %add3A_176 = arith.constant 34 : i32
      %add3A_177 = vector.broadcast %add3A_176 : i32 to vector<16xi32>
      %add3A_178 = arith.addi %mul3A_58, %add3A_177 : vector<16xi32>
      %gather3A_179 = tpu.vector_load_idx %arg13[%add3A_178] : memref<4160xf32, #tpu.memory_space<vmem>>[vector<16xi32>], vector<16xf32>,
      %mul3A_180 = arith.mulf %gather3A_39, %gather3A_179 : vector<16xf32>
      %add3A_181 = arith.addf %add3A_175, %mul3A_180 : vector<16xf32>
      %add3A_182 = arith.constant 42 : i32
      %add3A_183 = vector.broadcast %add3A_182 : i32 to vector<16xi32>
      %add3A_184 = arith.addi %mul3A_58, %add3A_183 : vector<16xi32>
      %gather3A_185 = tpu.vector_load_idx %arg13[%add3A_184] : memref<4160xf32, #tpu.memory_space<vmem>>[vector<16xi32>], vector<16xf32>,
      %mul3A_186 = arith.mulf %gather3A_43, %gather3A_185 : vector<16xf32>
      %add3A_187 = arith.addf %add3A_181, %mul3A_186 : vector<16xf32>
      %add3A_188 = arith.constant 50 : i32
      %add3A_189 = vector.broadcast %add3A_188 : i32 to vector<16xi32>
      %add3A_190 = arith.addi %mul3A_58, %add3A_189 : vector<16xi32>
      %gather3A_191 = tpu.vector_load_idx %arg13[%add3A_190] : memref<4160xf32, #tpu.memory_space<vmem>>[vector<16xi32>], vector<16xf32>,
      %mul3A_192 = arith.mulf %gather3A_47, %gather3A_191 : vector<16xf32>
      %add3A_193 = arith.addf %add3A_187, %mul3A_192 : vector<16xf32>
      %add3A_194 = arith.constant 58 : i32
      %add3A_195 = vector.broadcast %add3A_194 : i32 to vector<16xi32>
      %add3A_196 = arith.addi %mul3A_58, %add3A_195 : vector<16xi32>
      %gather3A_197 = tpu.vector_load_idx %arg13[%add3A_196] : memref<4160xf32, #tpu.memory_space<vmem>>[vector<16xi32>], vector<16xf32>,
      %mul3A_198 = arith.mulf %gather3A_51, %gather3A_197 : vector<16xf32>
      %add3A_199 = arith.addf %add3A_193, %mul3A_198 : vector<16xf32>
      %add3A_200 = arith.constant 3 : i32
      %add3A_201 = vector.broadcast %add3A_200 : i32 to vector<16xi32>
      %add3A_202 = arith.addi %mul3A_58, %add3A_201 : vector<16xi32>
      %gather3A_203 = tpu.vector_load_idx %arg13[%add3A_202] : memref<4160xf32, #tpu.memory_space<vmem>>[vector<16xi32>], vector<16xf32>,
      %mul3A_204 = arith.mulf %gather3A, %gather3A_203 : vector<16xf32>
      %add3A_205 = arith.constant 11 : i32
      %add3A_206 = vector.broadcast %add3A_205 : i32 to vector<16xi32>
      %add3A_207 = arith.addi %mul3A_58, %add3A_206 : vector<16xi32>
      %gather3A_208 = tpu.vector_load_idx %arg13[%add3A_207] : memref<4160xf32, #tpu.memory_space<vmem>>[vector<16xi32>], vector<16xf32>,
      %mul3A_209 = arith.mulf %gather3A_27, %gather3A_208 : vector<16xf32>
      %add3A_210 = arith.addf %mul3A_204, %mul3A_209 : vector<16xf32>
      %add3A_211 = arith.constant 19 : i32
      %add3A_212 = vector.broadcast %add3A_211 : i32 to vector<16xi32>
      %add3A_213 = arith.addi %mul3A_58, %add3A_212 : vector<16xi32>
      %gather3A_214 = tpu.vector_load_idx %arg13[%add3A_213] : memref<4160xf32, #tpu.memory_space<vmem>>[vector<16xi32>], vector<16xf32>,
      %mul3A_215 = arith.mulf %gather3A_31, %gather3A_214 : vector<16xf32>
      %add3A_216 = arith.addf %add3A_210, %mul3A_215 : vector<16xf32>
      %add3A_217 = arith.constant 27 : i32
      %add3A_218 = vector.broadcast %add3A_217 : i32 to vector<16xi32>
      %add3A_219 = arith.addi %mul3A_58, %add3A_218 : vector<16xi32>
      %gather3A_220 = tpu.vector_load_idx %arg13[%add3A_219] : memref<4160xf32, #tpu.memory_space<vmem>>[vector<16xi32>], vector<16xf32>,
      %mul3A_221 = arith.mulf %gather3A_35, %gather3A_220 : vector<16xf32>
      %add3A_222 = arith.addf %add3A_216, %mul3A_221 : vector<16xf32>
      %add3A_223 = arith.constant 35 : i32
      %add3A_224 = vector.broadcast %add3A_223 : i32 to vector<16xi32>
      %add3A_225 = arith.addi %mul3A_58, %add3A_224 : vector<16xi32>
      %gather3A_226 = tpu.vector_load_idx %arg13[%add3A_225] : memref<4160xf32, #tpu.memory_space<vmem>>[vector<16xi32>], vector<16xf32>,
      %mul3A_227 = arith.mulf %gather3A_39, %gather3A_226 : vector<16xf32>
      %add3A_228 = arith.addf %add3A_222, %mul3A_227 : vector<16xf32>
      %add3A_229 = arith.constant 43 : i32
      %add3A_230 = vector.broadcast %add3A_229 : i32 to vector<16xi32>
      %add3A_231 = arith.addi %mul3A_58, %add3A_230 : vector<16xi32>
      %gather3A_232 = tpu.vector_load_idx %arg13[%add3A_231] : memref<4160xf32, #tpu.memory_space<vmem>>[vector<16xi32>], vector<16xf32>,
      %mul3A_233 = arith.mulf %gather3A_43, %gather3A_232 : vector<16xf32>
      %add3A_234 = arith.addf %add3A_228, %mul3A_233 : vector<16xf32>
      %add3A_235 = arith.constant 51 : i32
      %add3A_236 = vector.broadcast %add3A_235 : i32 to vector<16xi32>
      %add3A_237 = arith.addi %mul3A_58, %add3A_236 : vector<16xi32>
      %gather3A_238 = tpu.vector_load_idx %arg13[%add3A_237] : memref<4160xf32, #tpu.memory_space<vmem>>[vector<16xi32>], vector<16xf32>,
      %mul3A_239 = arith.mulf %gather3A_47, %gather3A_238 : vector<16xf32>
      %add3A_240 = arith.addf %add3A_234, %mul3A_239 : vector<16xf32>
      %add3A_241 = arith.constant 59 : i32
      %add3A_242 = vector.broadcast %add3A_241 : i32 to vector<16xi32>
      %add3A_243 = arith.addi %mul3A_58, %add3A_242 : vector<16xi32>
      %gather3A_244 = tpu.vector_load_idx %arg13[%add3A_243] : memref<4160xf32, #tpu.memory_space<vmem>>[vector<16xi32>], vector<16xf32>,
      %mul3A_245 = arith.mulf %gather3A_51, %gather3A_244 : vector<16xf32>
      %add3A_246 = arith.addf %add3A_240, %mul3A_245 : vector<16xf32>
      %add3A_247 = arith.constant 4 : i32
      %add3A_248 = vector.broadcast %add3A_247 : i32 to vector<16xi32>
      %add3A_249 = arith.addi %mul3A_58, %add3A_248 : vector<16xi32>
      %gather3A_250 = tpu.vector_load_idx %arg13[%add3A_249] : memref<4160xf32, #tpu.memory_space<vmem>>[vector<16xi32>], vector<16xf32>,
      %mul3A_251 = arith.mulf %gather3A, %gather3A_250 : vector<16xf32>
      %add3A_252 = arith.constant 12 : i32
      %add3A_253 = vector.broadcast %add3A_252 : i32 to vector<16xi32>
      %add3A_254 = arith.addi %mul3A_58, %add3A_253 : vector<16xi32>
      %gather3A_255 = tpu.vector_load_idx %arg13[%add3A_254] : memref<4160xf32, #tpu.memory_space<vmem>>[vector<16xi32>], vector<16xf32>,
      %mul3A_256 = arith.mulf %gather3A_27, %gather3A_255 : vector<16xf32>
      %add3A_257 = arith.addf %mul3A_251, %mul3A_256 : vector<16xf32>
      %add3A_258 = arith.constant 20 : i32
      %add3A_259 = vector.broadcast %add3A_258 : i32 to vector<16xi32>
      %add3A_260 = arith.addi %mul3A_58, %add3A_259 : vector<16xi32>
      %gather3A_261 = tpu.vector_load_idx %arg13[%add3A_260] : memref<4160xf32, #tpu.memory_space<vmem>>[vector<16xi32>], vector<16xf32>,
      %mul3A_262 = arith.mulf %gather3A_31, %gather3A_261 : vector<16xf32>
      %add3A_263 = arith.addf %add3A_257, %mul3A_262 : vector<16xf32>
      %add3A_264 = arith.constant 28 : i32
      %add3A_265 = vector.broadcast %add3A_264 : i32 to vector<16xi32>
      %add3A_266 = arith.addi %mul3A_58, %add3A_265 : vector<16xi32>
      %gather3A_267 = tpu.vector_load_idx %arg13[%add3A_266] : memref<4160xf32, #tpu.memory_space<vmem>>[vector<16xi32>], vector<16xf32>,
      %mul3A_268 = arith.mulf %gather3A_35, %gather3A_267 : vector<16xf32>
      %add3A_269 = arith.addf %add3A_263, %mul3A_268 : vector<16xf32>
      %add3A_270 = arith.constant 36 : i32
      %add3A_271 = vector.broadcast %add3A_270 : i32 to vector<16xi32>
      %add3A_272 = arith.addi %mul3A_58, %add3A_271 : vector<16xi32>
      %gather3A_273 = tpu.vector_load_idx %arg13[%add3A_272] : memref<4160xf32, #tpu.memory_space<vmem>>[vector<16xi32>], vector<16xf32>,
      %mul3A_274 = arith.mulf %gather3A_39, %gather3A_273 : vector<16xf32>
      %add3A_275 = arith.addf %add3A_269, %mul3A_274 : vector<16xf32>
      %add3A_276 = arith.constant 44 : i32
      %add3A_277 = vector.broadcast %add3A_276 : i32 to vector<16xi32>
      %add3A_278 = arith.addi %mul3A_58, %add3A_277 : vector<16xi32>
      %gather3A_279 = tpu.vector_load_idx %arg13[%add3A_278] : memref<4160xf32, #tpu.memory_space<vmem>>[vector<16xi32>], vector<16xf32>,
      %mul3A_280 = arith.mulf %gather3A_43, %gather3A_279 : vector<16xf32>
      %add3A_281 = arith.addf %add3A_275, %mul3A_280 : vector<16xf32>
      %add3A_282 = arith.constant 52 : i32
      %add3A_283 = vector.broadcast %add3A_282 : i32 to vector<16xi32>
      %add3A_284 = arith.addi %mul3A_58, %add3A_283 : vector<16xi32>
      %gather3A_285 = tpu.vector_load_idx %arg13[%add3A_284] : memref<4160xf32, #tpu.memory_space<vmem>>[vector<16xi32>], vector<16xf32>,
      %mul3A_286 = arith.mulf %gather3A_47, %gather3A_285 : vector<16xf32>
      %add3A_287 = arith.addf %add3A_281, %mul3A_286 : vector<16xf32>
      %add3A_288 = arith.constant 60 : i32
      %add3A_289 = vector.broadcast %add3A_288 : i32 to vector<16xi32>
      %add3A_290 = arith.addi %mul3A_58, %add3A_289 : vector<16xi32>
      %gather3A_291 = tpu.vector_load_idx %arg13[%add3A_290] : memref<4160xf32, #tpu.memory_space<vmem>>[vector<16xi32>], vector<16xf32>,
      %mul3A_292 = arith.mulf %gather3A_51, %gather3A_291 : vector<16xf32>
      %add3A_293 = arith.addf %add3A_287, %mul3A_292 : vector<16xf32>
      %add3A_294 = arith.constant 5 : i32
      %add3A_295 = vector.broadcast %add3A_294 : i32 to vector<16xi32>
      %add3A_296 = arith.addi %mul3A_58, %add3A_295 : vector<16xi32>
      %gather3A_297 = tpu.vector_load_idx %arg13[%add3A_296] : memref<4160xf32, #tpu.memory_space<vmem>>[vector<16xi32>], vector<16xf32>,
      %mul3A_298 = arith.mulf %gather3A, %gather3A_297 : vector<16xf32>
      %add3A_299 = arith.constant 13 : i32
      %add3A_300 = vector.broadcast %add3A_299 : i32 to vector<16xi32>
      %add3A_301 = arith.addi %mul3A_58, %add3A_300 : vector<16xi32>
      %gather3A_302 = tpu.vector_load_idx %arg13[%add3A_301] : memref<4160xf32, #tpu.memory_space<vmem>>[vector<16xi32>], vector<16xf32>,
      %mul3A_303 = arith.mulf %gather3A_27, %gather3A_302 : vector<16xf32>
      %add3A_304 = arith.addf %mul3A_298, %mul3A_303 : vector<16xf32>
      %add3A_305 = arith.constant 21 : i32
      %add3A_306 = vector.broadcast %add3A_305 : i32 to vector<16xi32>
      %add3A_307 = arith.addi %mul3A_58, %add3A_306 : vector<16xi32>
      %gather3A_308 = tpu.vector_load_idx %arg13[%add3A_307] : memref<4160xf32, #tpu.memory_space<vmem>>[vector<16xi32>], vector<16xf32>,
      %mul3A_309 = arith.mulf %gather3A_31, %gather3A_308 : vector<16xf32>
      %add3A_310 = arith.addf %add3A_304, %mul3A_309 : vector<16xf32>
      %add3A_311 = arith.constant 29 : i32
      %add3A_312 = vector.broadcast %add3A_311 : i32 to vector<16xi32>
      %add3A_313 = arith.addi %mul3A_58, %add3A_312 : vector<16xi32>
      %gather3A_314 = tpu.vector_load_idx %arg13[%add3A_313] : memref<4160xf32, #tpu.memory_space<vmem>>[vector<16xi32>], vector<16xf32>,
      %mul3A_315 = arith.mulf %gather3A_35, %gather3A_314 : vector<16xf32>
      %add3A_316 = arith.addf %add3A_310, %mul3A_315 : vector<16xf32>
      %add3A_317 = arith.constant 37 : i32
      %add3A_318 = vector.broadcast %add3A_317 : i32 to vector<16xi32>
      %add3A_319 = arith.addi %mul3A_58, %add3A_318 : vector<16xi32>
      %gather3A_320 = tpu.vector_load_idx %arg13[%add3A_319] : memref<4160xf32, #tpu.memory_space<vmem>>[vector<16xi32>], vector<16xf32>,
      %mul3A_321 = arith.mulf %gather3A_39, %gather3A_320 : vector<16xf32>
      %add3A_322 = arith.addf %add3A_316, %mul3A_321 : vector<16xf32>
      %add3A_323 = arith.constant 45 : i32
      %add3A_324 = vector.broadcast %add3A_323 : i32 to vector<16xi32>
      %add3A_325 = arith.addi %mul3A_58, %add3A_324 : vector<16xi32>
      %gather3A_326 = tpu.vector_load_idx %arg13[%add3A_325] : memref<4160xf32, #tpu.memory_space<vmem>>[vector<16xi32>], vector<16xf32>,
      %mul3A_327 = arith.mulf %gather3A_43, %gather3A_326 : vector<16xf32>
      %add3A_328 = arith.addf %add3A_322, %mul3A_327 : vector<16xf32>
      %add3A_329 = arith.constant 53 : i32
      %add3A_330 = vector.broadcast %add3A_329 : i32 to vector<16xi32>
      %add3A_331 = arith.addi %mul3A_58, %add3A_330 : vector<16xi32>
      %gather3A_332 = tpu.vector_load_idx %arg13[%add3A_331] : memref<4160xf32, #tpu.memory_space<vmem>>[vector<16xi32>], vector<16xf32>,
      %mul3A_333 = arith.mulf %gather3A_47, %gather3A_332 : vector<16xf32>
      %add3A_334 = arith.addf %add3A_328, %mul3A_333 : vector<16xf32>
      %add3A_335 = arith.constant 61 : i32
      %add3A_336 = vector.broadcast %add3A_335 : i32 to vector<16xi32>
      %add3A_337 = arith.addi %mul3A_58, %add3A_336 : vector<16xi32>
      %gather3A_338 = tpu.vector_load_idx %arg13[%add3A_337] : memref<4160xf32, #tpu.memory_space<vmem>>[vector<16xi32>], vector<16xf32>,
      %mul3A_339 = arith.mulf %gather3A_51, %gather3A_338 : vector<16xf32>
      %add3A_340 = arith.addf %add3A_334, %mul3A_339 : vector<16xf32>
      %add3A_341 = arith.constant 6 : i32
      %add3A_342 = vector.broadcast %add3A_341 : i32 to vector<16xi32>
      %add3A_343 = arith.addi %mul3A_58, %add3A_342 : vector<16xi32>
      %gather3A_344 = tpu.vector_load_idx %arg13[%add3A_343] : memref<4160xf32, #tpu.memory_space<vmem>>[vector<16xi32>], vector<16xf32>,
      %mul3A_345 = arith.mulf %gather3A, %gather3A_344 : vector<16xf32>
      %add3A_346 = arith.constant 14 : i32
      %add3A_347 = vector.broadcast %add3A_346 : i32 to vector<16xi32>
      %add3A_348 = arith.addi %mul3A_58, %add3A_347 : vector<16xi32>
      %gather3A_349 = tpu.vector_load_idx %arg13[%add3A_348] : memref<4160xf32, #tpu.memory_space<vmem>>[vector<16xi32>], vector<16xf32>,
      %mul3A_350 = arith.mulf %gather3A_27, %gather3A_349 : vector<16xf32>
      %add3A_351 = arith.addf %mul3A_345, %mul3A_350 : vector<16xf32>
      %add3A_352 = arith.constant 22 : i32
      %add3A_353 = vector.broadcast %add3A_352 : i32 to vector<16xi32>
      %add3A_354 = arith.addi %mul3A_58, %add3A_353 : vector<16xi32>
      %gather3A_355 = tpu.vector_load_idx %arg13[%add3A_354] : memref<4160xf32, #tpu.memory_space<vmem>>[vector<16xi32>], vector<16xf32>,
      %mul3A_356 = arith.mulf %gather3A_31, %gather3A_355 : vector<16xf32>
      %add3A_357 = arith.addf %add3A_351, %mul3A_356 : vector<16xf32>
      %add3A_358 = arith.constant 30 : i32
      %add3A_359 = vector.broadcast %add3A_358 : i32 to vector<16xi32>
      %add3A_360 = arith.addi %mul3A_58, %add3A_359 : vector<16xi32>
      %gather3A_361 = tpu.vector_load_idx %arg13[%add3A_360] : memref<4160xf32, #tpu.memory_space<vmem>>[vector<16xi32>], vector<16xf32>,
      %mul3A_362 = arith.mulf %gather3A_35, %gather3A_361 : vector<16xf32>
      %add3A_363 = arith.addf %add3A_357, %mul3A_362 : vector<16xf32>
      %add3A_364 = arith.constant 38 : i32
      %add3A_365 = vector.broadcast %add3A_364 : i32 to vector<16xi32>
      %add3A_366 = arith.addi %mul3A_58, %add3A_365 : vector<16xi32>
      %gather3A_367 = tpu.vector_load_idx %arg13[%add3A_366] : memref<4160xf32, #tpu.memory_space<vmem>>[vector<16xi32>], vector<16xf32>,
      %mul3A_368 = arith.mulf %gather3A_39, %gather3A_367 : vector<16xf32>
      %add3A_369 = arith.addf %add3A_363, %mul3A_368 : vector<16xf32>
      %add3A_370 = arith.constant 46 : i32
      %add3A_371 = vector.broadcast %add3A_370 : i32 to vector<16xi32>
      %add3A_372 = arith.addi %mul3A_58, %add3A_371 : vector<16xi32>
      %gather3A_373 = tpu.vector_load_idx %arg13[%add3A_372] : memref<4160xf32, #tpu.memory_space<vmem>>[vector<16xi32>], vector<16xf32>,
      %mul3A_374 = arith.mulf %gather3A_43, %gather3A_373 : vector<16xf32>
      %add3A_375 = arith.addf %add3A_369, %mul3A_374 : vector<16xf32>
      %add3A_376 = arith.constant 54 : i32
      %add3A_377 = vector.broadcast %add3A_376 : i32 to vector<16xi32>
      %add3A_378 = arith.addi %mul3A_58, %add3A_377 : vector<16xi32>
      %gather3A_379 = tpu.vector_load_idx %arg13[%add3A_378] : memref<4160xf32, #tpu.memory_space<vmem>>[vector<16xi32>], vector<16xf32>,
      %mul3A_380 = arith.mulf %gather3A_47, %gather3A_379 : vector<16xf32>
      %add3A_381 = arith.addf %add3A_375, %mul3A_380 : vector<16xf32>
      %add3A_382 = arith.constant 62 : i32
      %add3A_383 = vector.broadcast %add3A_382 : i32 to vector<16xi32>
      %add3A_384 = arith.addi %mul3A_58, %add3A_383 : vector<16xi32>
      %gather3A_385 = tpu.vector_load_idx %arg13[%add3A_384] : memref<4160xf32, #tpu.memory_space<vmem>>[vector<16xi32>], vector<16xf32>,
      %mul3A_386 = arith.mulf %gather3A_51, %gather3A_385 : vector<16xf32>
      %add3A_387 = arith.addf %add3A_381, %mul3A_386 : vector<16xf32>
      %add3A_388 = arith.constant 7 : i32
      %add3A_389 = vector.broadcast %add3A_388 : i32 to vector<16xi32>
      %add3A_390 = arith.addi %mul3A_58, %add3A_389 : vector<16xi32>
      %gather3A_391 = tpu.vector_load_idx %arg13[%add3A_390] : memref<4160xf32, #tpu.memory_space<vmem>>[vector<16xi32>], vector<16xf32>,
      %mul3A_392 = arith.mulf %gather3A, %gather3A_391 : vector<16xf32>
      %add3A_393 = arith.constant 15 : i32
      %add3A_394 = vector.broadcast %add3A_393 : i32 to vector<16xi32>
      %add3A_395 = arith.addi %mul3A_58, %add3A_394 : vector<16xi32>
      %gather3A_396 = tpu.vector_load_idx %arg13[%add3A_395] : memref<4160xf32, #tpu.memory_space<vmem>>[vector<16xi32>], vector<16xf32>,
      %mul3A_397 = arith.mulf %gather3A_27, %gather3A_396 : vector<16xf32>
      %add3A_398 = arith.addf %mul3A_392, %mul3A_397 : vector<16xf32>
      %add3A_399 = arith.constant 23 : i32
      %add3A_400 = vector.broadcast %add3A_399 : i32 to vector<16xi32>
      %add3A_401 = arith.addi %mul3A_58, %add3A_400 : vector<16xi32>
      %gather3A_402 = tpu.vector_load_idx %arg13[%add3A_401] : memref<4160xf32, #tpu.memory_space<vmem>>[vector<16xi32>], vector<16xf32>,
      %mul3A_403 = arith.mulf %gather3A_31, %gather3A_402 : vector<16xf32>
      %add3A_404 = arith.addf %add3A_398, %mul3A_403 : vector<16xf32>
      %add3A_405 = arith.constant 31 : i32
      %add3A_406 = vector.broadcast %add3A_405 : i32 to vector<16xi32>
      %add3A_407 = arith.addi %mul3A_58, %add3A_406 : vector<16xi32>
      %gather3A_408 = tpu.vector_load_idx %arg13[%add3A_407] : memref<4160xf32, #tpu.memory_space<vmem>>[vector<16xi32>], vector<16xf32>,
      %mul3A_409 = arith.mulf %gather3A_35, %gather3A_408 : vector<16xf32>
      %add3A_410 = arith.addf %add3A_404, %mul3A_409 : vector<16xf32>
      %add3A_411 = arith.constant 39 : i32
      %add3A_412 = vector.broadcast %add3A_411 : i32 to vector<16xi32>
      %add3A_413 = arith.addi %mul3A_58, %add3A_412 : vector<16xi32>
      %gather3A_414 = tpu.vector_load_idx %arg13[%add3A_413] : memref<4160xf32, #tpu.memory_space<vmem>>[vector<16xi32>], vector<16xf32>,
      %mul3A_415 = arith.mulf %gather3A_39, %gather3A_414 : vector<16xf32>
      %add3A_416 = arith.addf %add3A_410, %mul3A_415 : vector<16xf32>
      %add3A_417 = arith.constant 47 : i32
      %add3A_418 = vector.broadcast %add3A_417 : i32 to vector<16xi32>
      %add3A_419 = arith.addi %mul3A_58, %add3A_418 : vector<16xi32>
      %gather3A_420 = tpu.vector_load_idx %arg13[%add3A_419] : memref<4160xf32, #tpu.memory_space<vmem>>[vector<16xi32>], vector<16xf32>,
      %mul3A_421 = arith.mulf %gather3A_43, %gather3A_420 : vector<16xf32>
      %add3A_422 = arith.addf %add3A_416, %mul3A_421 : vector<16xf32>
      %add3A_423 = arith.constant 55 : i32
      %add3A_424 = vector.broadcast %add3A_423 : i32 to vector<16xi32>
      %add3A_425 = arith.addi %mul3A_58, %add3A_424 : vector<16xi32>
      %gather3A_426 = tpu.vector_load_idx %arg13[%add3A_425] : memref<4160xf32, #tpu.memory_space<vmem>>[vector<16xi32>], vector<16xf32>,
      %mul3A_427 = arith.mulf %gather3A_47, %gather3A_426 : vector<16xf32>
      %add3A_428 = arith.addf %add3A_422, %mul3A_427 : vector<16xf32>
      %add3A_429 = arith.constant 63 : i32
      %add3A_430 = vector.broadcast %add3A_429 : i32 to vector<16xi32>
      %add3A_431 = arith.addi %mul3A_58, %add3A_430 : vector<16xi32>
      %gather3A_432 = tpu.vector_load_idx %arg13[%add3A_431] : memref<4160xf32, #tpu.memory_space<vmem>>[vector<16xi32>], vector<16xf32>,
      %mul3A_433 = arith.mulf %gather3A_51, %gather3A_432 : vector<16xf32>
      %add3A_434 = arith.addf %add3A_428, %mul3A_433 : vector<16xf32>
      %add3A_435 = arith.constant 1024 : i32
      %add3A_436 = arith.addi %add3A_435, %mul3A_14 : i32
      %get3A_437 = arith.index_cast %add3A_436 : i32 to index
      %get3A_438 = tpu.vector_load %arg11[%get3A_437] {strides = array<i32>} : memref<3584xi32, #tpu.memory_space<vmem>>, vector<16xi32>,
      %mul3A_439 = arith.constant 65 : i32
      %mul3A_440 = vector.broadcast %mul3A_439 : i32 to vector<16xi32>
      %mul3A_441 = arith.muli %get3A_438, %mul3A_440 : vector<16xi32>
      %add3A_442 = arith.constant 0 : i32
      %add3A_443 = vector.broadcast %add3A_442 : i32 to vector<16xi32>
      %add3A_444 = arith.addi %mul3A_441, %add3A_443 : vector<16xi32>
      %gather3A_445 = tpu.vector_load_idx %arg14[%add3A_444] : memref<4160xf32, #tpu.memory_space<vmem>>[vector<16xi32>], vector<16xf32>,
      %mul3A_446 = arith.mulf %add3A_105, %gather3A_445 : vector<16xf32>
      %add3A_447 = arith.constant 8 : i32
      %add3A_448 = vector.broadcast %add3A_447 : i32 to vector<16xi32>
      %add3A_449 = arith.addi %mul3A_441, %add3A_448 : vector<16xi32>
      %gather3A_450 = tpu.vector_load_idx %arg14[%add3A_449] : memref<4160xf32, #tpu.memory_space<vmem>>[vector<16xi32>], vector<16xf32>,
      %mul3A_451 = arith.mulf %add3A_152, %gather3A_450 : vector<16xf32>
      %add3A_452 = arith.addf %mul3A_446, %mul3A_451 : vector<16xf32>
      %add3A_453 = arith.constant 16 : i32
      %add3A_454 = vector.broadcast %add3A_453 : i32 to vector<16xi32>
      %add3A_455 = arith.addi %mul3A_441, %add3A_454 : vector<16xi32>
      %gather3A_456 = tpu.vector_load_idx %arg14[%add3A_455] : memref<4160xf32, #tpu.memory_space<vmem>>[vector<16xi32>], vector<16xf32>,
      %mul3A_457 = arith.mulf %add3A_199, %gather3A_456 : vector<16xf32>
      %add3A_458 = arith.addf %add3A_452, %mul3A_457 : vector<16xf32>
      %add3A_459 = arith.constant 24 : i32
      %add3A_460 = vector.broadcast %add3A_459 : i32 to vector<16xi32>
      %add3A_461 = arith.addi %mul3A_441, %add3A_460 : vector<16xi32>
      %gather3A_462 = tpu.vector_load_idx %arg14[%add3A_461] : memref<4160xf32, #tpu.memory_space<vmem>>[vector<16xi32>], vector<16xf32>,
      %mul3A_463 = arith.mulf %add3A_246, %gather3A_462 : vector<16xf32>
      %add3A_464 = arith.addf %add3A_458, %mul3A_463 : vector<16xf32>
      %add3A_465 = arith.constant 32 : i32
      %add3A_466 = vector.broadcast %add3A_465 : i32 to vector<16xi32>
      %add3A_467 = arith.addi %mul3A_441, %add3A_466 : vector<16xi32>
      %gather3A_468 = tpu.vector_load_idx %arg14[%add3A_467] : memref<4160xf32, #tpu.memory_space<vmem>>[vector<16xi32>], vector<16xf32>,
      %mul3A_469 = arith.mulf %add3A_293, %gather3A_468 : vector<16xf32>
      %add3A_470 = arith.addf %add3A_464, %mul3A_469 : vector<16xf32>
      %add3A_471 = arith.constant 40 : i32
      %add3A_472 = vector.broadcast %add3A_471 : i32 to vector<16xi32>
      %add3A_473 = arith.addi %mul3A_441, %add3A_472 : vector<16xi32>
      %gather3A_474 = tpu.vector_load_idx %arg14[%add3A_473] : memref<4160xf32, #tpu.memory_space<vmem>>[vector<16xi32>], vector<16xf32>,
      %mul3A_475 = arith.mulf %add3A_340, %gather3A_474 : vector<16xf32>
      %add3A_476 = arith.addf %add3A_470, %mul3A_475 : vector<16xf32>
      %add3A_477 = arith.constant 48 : i32
      %add3A_478 = vector.broadcast %add3A_477 : i32 to vector<16xi32>
      %add3A_479 = arith.addi %mul3A_441, %add3A_478 : vector<16xi32>
      %gather3A_480 = tpu.vector_load_idx %arg14[%add3A_479] : memref<4160xf32, #tpu.memory_space<vmem>>[vector<16xi32>], vector<16xf32>,
      %mul3A_481 = arith.mulf %add3A_387, %gather3A_480 : vector<16xf32>
      %add3A_482 = arith.addf %add3A_476, %mul3A_481 : vector<16xf32>
      %add3A_483 = arith.constant 56 : i32
      %add3A_484 = vector.broadcast %add3A_483 : i32 to vector<16xi32>
      %add3A_485 = arith.addi %mul3A_441, %add3A_484 : vector<16xi32>
      %gather3A_486 = tpu.vector_load_idx %arg14[%add3A_485] : memref<4160xf32, #tpu.memory_space<vmem>>[vector<16xi32>], vector<16xf32>,
      %mul3A_487 = arith.mulf %add3A_434, %gather3A_486 : vector<16xf32>
      %add3A_488 = arith.addf %add3A_482, %mul3A_487 : vector<16xf32>
      %add3A_489 = arith.constant 1 : i32
      %add3A_490 = vector.broadcast %add3A_489 : i32 to vector<16xi32>
      %add3A_491 = arith.addi %mul3A_441, %add3A_490 : vector<16xi32>
      %gather3A_492 = tpu.vector_load_idx %arg14[%add3A_491] : memref<4160xf32, #tpu.memory_space<vmem>>[vector<16xi32>], vector<16xf32>,
      %mul3A_493 = arith.mulf %add3A_105, %gather3A_492 : vector<16xf32>
      %add3A_494 = arith.constant 9 : i32
      %add3A_495 = vector.broadcast %add3A_494 : i32 to vector<16xi32>
      %add3A_496 = arith.addi %mul3A_441, %add3A_495 : vector<16xi32>
      %gather3A_497 = tpu.vector_load_idx %arg14[%add3A_496] : memref<4160xf32, #tpu.memory_space<vmem>>[vector<16xi32>], vector<16xf32>,
      %mul3A_498 = arith.mulf %add3A_152, %gather3A_497 : vector<16xf32>
      %add3A_499 = arith.addf %mul3A_493, %mul3A_498 : vector<16xf32>
      %add3A_500 = arith.constant 17 : i32
      %add3A_501 = vector.broadcast %add3A_500 : i32 to vector<16xi32>
      %add3A_502 = arith.addi %mul3A_441, %add3A_501 : vector<16xi32>
      %gather3A_503 = tpu.vector_load_idx %arg14[%add3A_502] : memref<4160xf32, #tpu.memory_space<vmem>>[vector<16xi32>], vector<16xf32>,
      %mul3A_504 = arith.mulf %add3A_199, %gather3A_503 : vector<16xf32>
      %add3A_505 = arith.addf %add3A_499, %mul3A_504 : vector<16xf32>
      %add3A_506 = arith.constant 25 : i32
      %add3A_507 = vector.broadcast %add3A_506 : i32 to vector<16xi32>
      %add3A_508 = arith.addi %mul3A_441, %add3A_507 : vector<16xi32>
      %gather3A_509 = tpu.vector_load_idx %arg14[%add3A_508] : memref<4160xf32, #tpu.memory_space<vmem>>[vector<16xi32>], vector<16xf32>,
      %mul3A_510 = arith.mulf %add3A_246, %gather3A_509 : vector<16xf32>
      %add3A_511 = arith.addf %add3A_505, %mul3A_510 : vector<16xf32>
      %add3A_512 = arith.constant 33 : i32
      %add3A_513 = vector.broadcast %add3A_512 : i32 to vector<16xi32>
      %add3A_514 = arith.addi %mul3A_441, %add3A_513 : vector<16xi32>
      %gather3A_515 = tpu.vector_load_idx %arg14[%add3A_514] : memref<4160xf32, #tpu.memory_space<vmem>>[vector<16xi32>], vector<16xf32>,
      %mul3A_516 = arith.mulf %add3A_293, %gather3A_515 : vector<16xf32>
      %add3A_517 = arith.addf %add3A_511, %mul3A_516 : vector<16xf32>
      %add3A_518 = arith.constant 41 : i32
      %add3A_519 = vector.broadcast %add3A_518 : i32 to vector<16xi32>
      %add3A_520 = arith.addi %mul3A_441, %add3A_519 : vector<16xi32>
      %gather3A_521 = tpu.vector_load_idx %arg14[%add3A_520] : memref<4160xf32, #tpu.memory_space<vmem>>[vector<16xi32>], vector<16xf32>,
      %mul3A_522 = arith.mulf %add3A_340, %gather3A_521 : vector<16xf32>
      %add3A_523 = arith.addf %add3A_517, %mul3A_522 : vector<16xf32>
      %add3A_524 = arith.constant 49 : i32
      %add3A_525 = vector.broadcast %add3A_524 : i32 to vector<16xi32>
      %add3A_526 = arith.addi %mul3A_441, %add3A_525 : vector<16xi32>
      %gather3A_527 = tpu.vector_load_idx %arg14[%add3A_526] : memref<4160xf32, #tpu.memory_space<vmem>>[vector<16xi32>], vector<16xf32>,
      %mul3A_528 = arith.mulf %add3A_387, %gather3A_527 : vector<16xf32>
      %add3A_529 = arith.addf %add3A_523, %mul3A_528 : vector<16xf32>
      %add3A_530 = arith.constant 57 : i32
      %add3A_531 = vector.broadcast %add3A_530 : i32 to vector<16xi32>
      %add3A_532 = arith.addi %mul3A_441, %add3A_531 : vector<16xi32>
      %gather3A_533 = tpu.vector_load_idx %arg14[%add3A_532] : memref<4160xf32, #tpu.memory_space<vmem>>[vector<16xi32>], vector<16xf32>,
      %mul3A_534 = arith.mulf %add3A_434, %gather3A_533 : vector<16xf32>
      %add3A_535 = arith.addf %add3A_529, %mul3A_534 : vector<16xf32>
      %add3A_536 = arith.constant 2 : i32
      %add3A_537 = vector.broadcast %add3A_536 : i32 to vector<16xi32>
      %add3A_538 = arith.addi %mul3A_441, %add3A_537 : vector<16xi32>
      %gather3A_539 = tpu.vector_load_idx %arg14[%add3A_538] : memref<4160xf32, #tpu.memory_space<vmem>>[vector<16xi32>], vector<16xf32>,
      %mul3A_540 = arith.mulf %add3A_105, %gather3A_539 : vector<16xf32>
      %add3A_541 = arith.constant 10 : i32
      %add3A_542 = vector.broadcast %add3A_541 : i32 to vector<16xi32>
      %add3A_543 = arith.addi %mul3A_441, %add3A_542 : vector<16xi32>
      %gather3A_544 = tpu.vector_load_idx %arg14[%add3A_543] : memref<4160xf32, #tpu.memory_space<vmem>>[vector<16xi32>], vector<16xf32>,
      %mul3A_545 = arith.mulf %add3A_152, %gather3A_544 : vector<16xf32>
      %add3A_546 = arith.addf %mul3A_540, %mul3A_545 : vector<16xf32>
      %add3A_547 = arith.constant 18 : i32
      %add3A_548 = vector.broadcast %add3A_547 : i32 to vector<16xi32>
      %add3A_549 = arith.addi %mul3A_441, %add3A_548 : vector<16xi32>
      %gather3A_550 = tpu.vector_load_idx %arg14[%add3A_549] : memref<4160xf32, #tpu.memory_space<vmem>>[vector<16xi32>], vector<16xf32>,
      %mul3A_551 = arith.mulf %add3A_199, %gather3A_550 : vector<16xf32>
      %add3A_552 = arith.addf %add3A_546, %mul3A_551 : vector<16xf32>
      %add3A_553 = arith.constant 26 : i32
      %add3A_554 = vector.broadcast %add3A_553 : i32 to vector<16xi32>
      %add3A_555 = arith.addi %mul3A_441, %add3A_554 : vector<16xi32>
      %gather3A_556 = tpu.vector_load_idx %arg14[%add3A_555] : memref<4160xf32, #tpu.memory_space<vmem>>[vector<16xi32>], vector<16xf32>,
      %mul3A_557 = arith.mulf %add3A_246, %gather3A_556 : vector<16xf32>
      %add3A_558 = arith.addf %add3A_552, %mul3A_557 : vector<16xf32>
      %add3A_559 = arith.constant 34 : i32
      %add3A_560 = vector.broadcast %add3A_559 : i32 to vector<16xi32>
      %add3A_561 = arith.addi %mul3A_441, %add3A_560 : vector<16xi32>
      %gather3A_562 = tpu.vector_load_idx %arg14[%add3A_561] : memref<4160xf32, #tpu.memory_space<vmem>>[vector<16xi32>], vector<16xf32>,
      %mul3A_563 = arith.mulf %add3A_293, %gather3A_562 : vector<16xf32>
      %add3A_564 = arith.addf %add3A_558, %mul3A_563 : vector<16xf32>
      %add3A_565 = arith.constant 42 : i32
      %add3A_566 = vector.broadcast %add3A_565 : i32 to vector<16xi32>
      %add3A_567 = arith.addi %mul3A_441, %add3A_566 : vector<16xi32>
      %gather3A_568 = tpu.vector_load_idx %arg14[%add3A_567] : memref<4160xf32, #tpu.memory_space<vmem>>[vector<16xi32>], vector<16xf32>,
      %mul3A_569 = arith.mulf %add3A_340, %gather3A_568 : vector<16xf32>
      %add3A_570 = arith.addf %add3A_564, %mul3A_569 : vector<16xf32>
      %add3A_571 = arith.constant 50 : i32
      %add3A_572 = vector.broadcast %add3A_571 : i32 to vector<16xi32>
      %add3A_573 = arith.addi %mul3A_441, %add3A_572 : vector<16xi32>
      %gather3A_574 = tpu.vector_load_idx %arg14[%add3A_573] : memref<4160xf32, #tpu.memory_space<vmem>>[vector<16xi32>], vector<16xf32>,
      %mul3A_575 = arith.mulf %add3A_387, %gather3A_574 : vector<16xf32>
      %add3A_576 = arith.addf %add3A_570, %mul3A_575 : vector<16xf32>
      %add3A_577 = arith.constant 58 : i32
      %add3A_578 = vector.broadcast %add3A_577 : i32 to vector<16xi32>
      %add3A_579 = arith.addi %mul3A_441, %add3A_578 : vector<16xi32>
      %gather3A_580 = tpu.vector_load_idx %arg14[%add3A_579] : memref<4160xf32, #tpu.memory_space<vmem>>[vector<16xi32>], vector<16xf32>,
      %mul3A_581 = arith.mulf %add3A_434, %gather3A_580 : vector<16xf32>
      %add3A_582 = arith.addf %add3A_576, %mul3A_581 : vector<16xf32>
      %add3A_583 = arith.constant 3 : i32
      %add3A_584 = vector.broadcast %add3A_583 : i32 to vector<16xi32>
      %add3A_585 = arith.addi %mul3A_441, %add3A_584 : vector<16xi32>
      %gather3A_586 = tpu.vector_load_idx %arg14[%add3A_585] : memref<4160xf32, #tpu.memory_space<vmem>>[vector<16xi32>], vector<16xf32>,
      %mul3A_587 = arith.mulf %add3A_105, %gather3A_586 : vector<16xf32>
      %add3A_588 = arith.constant 11 : i32
      %add3A_589 = vector.broadcast %add3A_588 : i32 to vector<16xi32>
      %add3A_590 = arith.addi %mul3A_441, %add3A_589 : vector<16xi32>
      %gather3A_591 = tpu.vector_load_idx %arg14[%add3A_590] : memref<4160xf32, #tpu.memory_space<vmem>>[vector<16xi32>], vector<16xf32>,
      %mul3A_592 = arith.mulf %add3A_152, %gather3A_591 : vector<16xf32>
      %add3A_593 = arith.addf %mul3A_587, %mul3A_592 : vector<16xf32>
      %add3A_594 = arith.constant 19 : i32
      %add3A_595 = vector.broadcast %add3A_594 : i32 to vector<16xi32>
      %add3A_596 = arith.addi %mul3A_441, %add3A_595 : vector<16xi32>
      %gather3A_597 = tpu.vector_load_idx %arg14[%add3A_596] : memref<4160xf32, #tpu.memory_space<vmem>>[vector<16xi32>], vector<16xf32>,
      %mul3A_598 = arith.mulf %add3A_199, %gather3A_597 : vector<16xf32>
      %add3A_599 = arith.addf %add3A_593, %mul3A_598 : vector<16xf32>
      %add3A_600 = arith.constant 27 : i32
      %add3A_601 = vector.broadcast %add3A_600 : i32 to vector<16xi32>
      %add3A_602 = arith.addi %mul3A_441, %add3A_601 : vector<16xi32>
      %gather3A_603 = tpu.vector_load_idx %arg14[%add3A_602] : memref<4160xf32, #tpu.memory_space<vmem>>[vector<16xi32>], vector<16xf32>,
      %mul3A_604 = arith.mulf %add3A_246, %gather3A_603 : vector<16xf32>
      %add3A_605 = arith.addf %add3A_599, %mul3A_604 : vector<16xf32>
      %add3A_606 = arith.constant 35 : i32
      %add3A_607 = vector.broadcast %add3A_606 : i32 to vector<16xi32>
      %add3A_608 = arith.addi %mul3A_441, %add3A_607 : vector<16xi32>
      %gather3A_609 = tpu.vector_load_idx %arg14[%add3A_608] : memref<4160xf32, #tpu.memory_space<vmem>>[vector<16xi32>], vector<16xf32>,
      %mul3A_610 = arith.mulf %add3A_293, %gather3A_609 : vector<16xf32>
      %add3A_611 = arith.addf %add3A_605, %mul3A_610 : vector<16xf32>
      %add3A_612 = arith.constant 43 : i32
      %add3A_613 = vector.broadcast %add3A_612 : i32 to vector<16xi32>
      %add3A_614 = arith.addi %mul3A_441, %add3A_613 : vector<16xi32>
      %gather3A_615 = tpu.vector_load_idx %arg14[%add3A_614] : memref<4160xf32, #tpu.memory_space<vmem>>[vector<16xi32>], vector<16xf32>,
      %mul3A_616 = arith.mulf %add3A_340, %gather3A_615 : vector<16xf32>
      %add3A_617 = arith.addf %add3A_611, %mul3A_616 : vector<16xf32>
      %add3A_618 = arith.constant 51 : i32
      %add3A_619 = vector.broadcast %add3A_618 : i32 to vector<16xi32>
      %add3A_620 = arith.addi %mul3A_441, %add3A_619 : vector<16xi32>
      %gather3A_621 = tpu.vector_load_idx %arg14[%add3A_620] : memref<4160xf32, #tpu.memory_space<vmem>>[vector<16xi32>], vector<16xf32>,
      %mul3A_622 = arith.mulf %add3A_387, %gather3A_621 : vector<16xf32>
      %add3A_623 = arith.addf %add3A_617, %mul3A_622 : vector<16xf32>
      %add3A_624 = arith.constant 59 : i32
      %add3A_625 = vector.broadcast %add3A_624 : i32 to vector<16xi32>
      %add3A_626 = arith.addi %mul3A_441, %add3A_625 : vector<16xi32>
      %gather3A_627 = tpu.vector_load_idx %arg14[%add3A_626] : memref<4160xf32, #tpu.memory_space<vmem>>[vector<16xi32>], vector<16xf32>,
      %mul3A_628 = arith.mulf %add3A_434, %gather3A_627 : vector<16xf32>
      %add3A_629 = arith.addf %add3A_623, %mul3A_628 : vector<16xf32>
      %add3A_630 = arith.constant 4 : i32
      %add3A_631 = vector.broadcast %add3A_630 : i32 to vector<16xi32>
      %add3A_632 = arith.addi %mul3A_441, %add3A_631 : vector<16xi32>
      %gather3A_633 = tpu.vector_load_idx %arg14[%add3A_632] : memref<4160xf32, #tpu.memory_space<vmem>>[vector<16xi32>], vector<16xf32>,
      %mul3A_634 = arith.mulf %add3A_105, %gather3A_633 : vector<16xf32>
      %add3A_635 = arith.constant 12 : i32
      %add3A_636 = vector.broadcast %add3A_635 : i32 to vector<16xi32>
      %add3A_637 = arith.addi %mul3A_441, %add3A_636 : vector<16xi32>
      %gather3A_638 = tpu.vector_load_idx %arg14[%add3A_637] : memref<4160xf32, #tpu.memory_space<vmem>>[vector<16xi32>], vector<16xf32>,
      %mul3A_639 = arith.mulf %add3A_152, %gather3A_638 : vector<16xf32>
      %add3A_640 = arith.addf %mul3A_634, %mul3A_639 : vector<16xf32>
      %add3A_641 = arith.constant 20 : i32
      %add3A_642 = vector.broadcast %add3A_641 : i32 to vector<16xi32>
      %add3A_643 = arith.addi %mul3A_441, %add3A_642 : vector<16xi32>
      %gather3A_644 = tpu.vector_load_idx %arg14[%add3A_643] : memref<4160xf32, #tpu.memory_space<vmem>>[vector<16xi32>], vector<16xf32>,
      %mul3A_645 = arith.mulf %add3A_199, %gather3A_644 : vector<16xf32>
      %add3A_646 = arith.addf %add3A_640, %mul3A_645 : vector<16xf32>
      %add3A_647 = arith.constant 28 : i32
      %add3A_648 = vector.broadcast %add3A_647 : i32 to vector<16xi32>
      %add3A_649 = arith.addi %mul3A_441, %add3A_648 : vector<16xi32>
      %gather3A_650 = tpu.vector_load_idx %arg14[%add3A_649] : memref<4160xf32, #tpu.memory_space<vmem>>[vector<16xi32>], vector<16xf32>,
      %mul3A_651 = arith.mulf %add3A_246, %gather3A_650 : vector<16xf32>
      %add3A_652 = arith.addf %add3A_646, %mul3A_651 : vector<16xf32>
      %add3A_653 = arith.constant 36 : i32
      %add3A_654 = vector.broadcast %add3A_653 : i32 to vector<16xi32>
      %add3A_655 = arith.addi %mul3A_441, %add3A_654 : vector<16xi32>
      %gather3A_656 = tpu.vector_load_idx %arg14[%add3A_655] : memref<4160xf32, #tpu.memory_space<vmem>>[vector<16xi32>], vector<16xf32>,
      %mul3A_657 = arith.mulf %add3A_293, %gather3A_656 : vector<16xf32>
      %add3A_658 = arith.addf %add3A_652, %mul3A_657 : vector<16xf32>
      %add3A_659 = arith.constant 44 : i32
      %add3A_660 = vector.broadcast %add3A_659 : i32 to vector<16xi32>
      %add3A_661 = arith.addi %mul3A_441, %add3A_660 : vector<16xi32>
      %gather3A_662 = tpu.vector_load_idx %arg14[%add3A_661] : memref<4160xf32, #tpu.memory_space<vmem>>[vector<16xi32>], vector<16xf32>,
      %mul3A_663 = arith.mulf %add3A_340, %gather3A_662 : vector<16xf32>
      %add3A_664 = arith.addf %add3A_658, %mul3A_663 : vector<16xf32>
      %add3A_665 = arith.constant 52 : i32
      %add3A_666 = vector.broadcast %add3A_665 : i32 to vector<16xi32>
      %add3A_667 = arith.addi %mul3A_441, %add3A_666 : vector<16xi32>
      %gather3A_668 = tpu.vector_load_idx %arg14[%add3A_667] : memref<4160xf32, #tpu.memory_space<vmem>>[vector<16xi32>], vector<16xf32>,
      %mul3A_669 = arith.mulf %add3A_387, %gather3A_668 : vector<16xf32>
      %add3A_670 = arith.addf %add3A_664, %mul3A_669 : vector<16xf32>
      %add3A_671 = arith.constant 60 : i32
      %add3A_672 = vector.broadcast %add3A_671 : i32 to vector<16xi32>
      %add3A_673 = arith.addi %mul3A_441, %add3A_672 : vector<16xi32>
      %gather3A_674 = tpu.vector_load_idx %arg14[%add3A_673] : memref<4160xf32, #tpu.memory_space<vmem>>[vector<16xi32>], vector<16xf32>,
      %mul3A_675 = arith.mulf %add3A_434, %gather3A_674 : vector<16xf32>
      %add3A_676 = arith.addf %add3A_670, %mul3A_675 : vector<16xf32>
      %add3A_677 = arith.constant 5 : i32
      %add3A_678 = vector.broadcast %add3A_677 : i32 to vector<16xi32>
      %add3A_679 = arith.addi %mul3A_441, %add3A_678 : vector<16xi32>
      %gather3A_680 = tpu.vector_load_idx %arg14[%add3A_679] : memref<4160xf32, #tpu.memory_space<vmem>>[vector<16xi32>], vector<16xf32>,
      %mul3A_681 = arith.mulf %add3A_105, %gather3A_680 : vector<16xf32>
      %add3A_682 = arith.constant 13 : i32
      %add3A_683 = vector.broadcast %add3A_682 : i32 to vector<16xi32>
      %add3A_684 = arith.addi %mul3A_441, %add3A_683 : vector<16xi32>
      %gather3A_685 = tpu.vector_load_idx %arg14[%add3A_684] : memref<4160xf32, #tpu.memory_space<vmem>>[vector<16xi32>], vector<16xf32>,
      %mul3A_686 = arith.mulf %add3A_152, %gather3A_685 : vector<16xf32>
      %add3A_687 = arith.addf %mul3A_681, %mul3A_686 : vector<16xf32>
      %add3A_688 = arith.constant 21 : i32
      %add3A_689 = vector.broadcast %add3A_688 : i32 to vector<16xi32>
      %add3A_690 = arith.addi %mul3A_441, %add3A_689 : vector<16xi32>
      %gather3A_691 = tpu.vector_load_idx %arg14[%add3A_690] : memref<4160xf32, #tpu.memory_space<vmem>>[vector<16xi32>], vector<16xf32>,
      %mul3A_692 = arith.mulf %add3A_199, %gather3A_691 : vector<16xf32>
      %add3A_693 = arith.addf %add3A_687, %mul3A_692 : vector<16xf32>
      %add3A_694 = arith.constant 29 : i32
      %add3A_695 = vector.broadcast %add3A_694 : i32 to vector<16xi32>
      %add3A_696 = arith.addi %mul3A_441, %add3A_695 : vector<16xi32>
      %gather3A_697 = tpu.vector_load_idx %arg14[%add3A_696] : memref<4160xf32, #tpu.memory_space<vmem>>[vector<16xi32>], vector<16xf32>,
      %mul3A_698 = arith.mulf %add3A_246, %gather3A_697 : vector<16xf32>
      %add3A_699 = arith.addf %add3A_693, %mul3A_698 : vector<16xf32>
      %add3A_700 = arith.constant 37 : i32
      %add3A_701 = vector.broadcast %add3A_700 : i32 to vector<16xi32>
      %add3A_702 = arith.addi %mul3A_441, %add3A_701 : vector<16xi32>
      %gather3A_703 = tpu.vector_load_idx %arg14[%add3A_702] : memref<4160xf32, #tpu.memory_space<vmem>>[vector<16xi32>], vector<16xf32>,
      %mul3A_704 = arith.mulf %add3A_293, %gather3A_703 : vector<16xf32>
      %add3A_705 = arith.addf %add3A_699, %mul3A_704 : vector<16xf32>
      %add3A_706 = arith.constant 45 : i32
      %add3A_707 = vector.broadcast %add3A_706 : i32 to vector<16xi32>
      %add3A_708 = arith.addi %mul3A_441, %add3A_707 : vector<16xi32>
      %gather3A_709 = tpu.vector_load_idx %arg14[%add3A_708] : memref<4160xf32, #tpu.memory_space<vmem>>[vector<16xi32>], vector<16xf32>,
      %mul3A_710 = arith.mulf %add3A_340, %gather3A_709 : vector<16xf32>
      %add3A_711 = arith.addf %add3A_705, %mul3A_710 : vector<16xf32>
      %add3A_712 = arith.constant 53 : i32
      %add3A_713 = vector.broadcast %add3A_712 : i32 to vector<16xi32>
      %add3A_714 = arith.addi %mul3A_441, %add3A_713 : vector<16xi32>
      %gather3A_715 = tpu.vector_load_idx %arg14[%add3A_714] : memref<4160xf32, #tpu.memory_space<vmem>>[vector<16xi32>], vector<16xf32>,
      %mul3A_716 = arith.mulf %add3A_387, %gather3A_715 : vector<16xf32>
      %add3A_717 = arith.addf %add3A_711, %mul3A_716 : vector<16xf32>
      %add3A_718 = arith.constant 61 : i32
      %add3A_719 = vector.broadcast %add3A_718 : i32 to vector<16xi32>
      %add3A_720 = arith.addi %mul3A_441, %add3A_719 : vector<16xi32>
      %gather3A_721 = tpu.vector_load_idx %arg14[%add3A_720] : memref<4160xf32, #tpu.memory_space<vmem>>[vector<16xi32>], vector<16xf32>,
      %mul3A_722 = arith.mulf %add3A_434, %gather3A_721 : vector<16xf32>
      %add3A_723 = arith.addf %add3A_717, %mul3A_722 : vector<16xf32>
      %add3A_724 = arith.constant 6 : i32
      %add3A_725 = vector.broadcast %add3A_724 : i32 to vector<16xi32>
      %add3A_726 = arith.addi %mul3A_441, %add3A_725 : vector<16xi32>
      %gather3A_727 = tpu.vector_load_idx %arg14[%add3A_726] : memref<4160xf32, #tpu.memory_space<vmem>>[vector<16xi32>], vector<16xf32>,
      %mul3A_728 = arith.mulf %add3A_105, %gather3A_727 : vector<16xf32>
      %add3A_729 = arith.constant 14 : i32
      %add3A_730 = vector.broadcast %add3A_729 : i32 to vector<16xi32>
      %add3A_731 = arith.addi %mul3A_441, %add3A_730 : vector<16xi32>
      %gather3A_732 = tpu.vector_load_idx %arg14[%add3A_731] : memref<4160xf32, #tpu.memory_space<vmem>>[vector<16xi32>], vector<16xf32>,
      %mul3A_733 = arith.mulf %add3A_152, %gather3A_732 : vector<16xf32>
      %add3A_734 = arith.addf %mul3A_728, %mul3A_733 : vector<16xf32>
      %add3A_735 = arith.constant 22 : i32
      %add3A_736 = vector.broadcast %add3A_735 : i32 to vector<16xi32>
      %add3A_737 = arith.addi %mul3A_441, %add3A_736 : vector<16xi32>
      %gather3A_738 = tpu.vector_load_idx %arg14[%add3A_737] : memref<4160xf32, #tpu.memory_space<vmem>>[vector<16xi32>], vector<16xf32>,
      %mul3A_739 = arith.mulf %add3A_199, %gather3A_738 : vector<16xf32>
      %add3A_740 = arith.addf %add3A_734, %mul3A_739 : vector<16xf32>
      %add3A_741 = arith.constant 30 : i32
      %add3A_742 = vector.broadcast %add3A_741 : i32 to vector<16xi32>
      %add3A_743 = arith.addi %mul3A_441, %add3A_742 : vector<16xi32>
      %gather3A_744 = tpu.vector_load_idx %arg14[%add3A_743] : memref<4160xf32, #tpu.memory_space<vmem>>[vector<16xi32>], vector<16xf32>,
      %mul3A_745 = arith.mulf %add3A_246, %gather3A_744 : vector<16xf32>
      %add3A_746 = arith.addf %add3A_740, %mul3A_745 : vector<16xf32>
      %add3A_747 = arith.constant 38 : i32
      %add3A_748 = vector.broadcast %add3A_747 : i32 to vector<16xi32>
      %add3A_749 = arith.addi %mul3A_441, %add3A_748 : vector<16xi32>
      %gather3A_750 = tpu.vector_load_idx %arg14[%add3A_749] : memref<4160xf32, #tpu.memory_space<vmem>>[vector<16xi32>], vector<16xf32>,
      %mul3A_751 = arith.mulf %add3A_293, %gather3A_750 : vector<16xf32>
      %add3A_752 = arith.addf %add3A_746, %mul3A_751 : vector<16xf32>
      %add3A_753 = arith.constant 46 : i32
      %add3A_754 = vector.broadcast %add3A_753 : i32 to vector<16xi32>
      %add3A_755 = arith.addi %mul3A_441, %add3A_754 : vector<16xi32>
      %gather3A_756 = tpu.vector_load_idx %arg14[%add3A_755] : memref<4160xf32, #tpu.memory_space<vmem>>[vector<16xi32>], vector<16xf32>,
      %mul3A_757 = arith.mulf %add3A_340, %gather3A_756 : vector<16xf32>
      %add3A_758 = arith.addf %add3A_752, %mul3A_757 : vector<16xf32>
      %add3A_759 = arith.constant 54 : i32
      %add3A_760 = vector.broadcast %add3A_759 : i32 to vector<16xi32>
      %add3A_761 = arith.addi %mul3A_441, %add3A_760 : vector<16xi32>
      %gather3A_762 = tpu.vector_load_idx %arg14[%add3A_761] : memref<4160xf32, #tpu.memory_space<vmem>>[vector<16xi32>], vector<16xf32>,
      %mul3A_763 = arith.mulf %add3A_387, %gather3A_762 : vector<16xf32>
      %add3A_764 = arith.addf %add3A_758, %mul3A_763 : vector<16xf32>
      %add3A_765 = arith.constant 62 : i32
      %add3A_766 = vector.broadcast %add3A_765 : i32 to vector<16xi32>
      %add3A_767 = arith.addi %mul3A_441, %add3A_766 : vector<16xi32>
      %gather3A_768 = tpu.vector_load_idx %arg14[%add3A_767] : memref<4160xf32, #tpu.memory_space<vmem>>[vector<16xi32>], vector<16xf32>,
      %mul3A_769 = arith.mulf %add3A_434, %gather3A_768 : vector<16xf32>
      %add3A_770 = arith.addf %add3A_764, %mul3A_769 : vector<16xf32>
      %add3A_771 = arith.constant 7 : i32
      %add3A_772 = vector.broadcast %add3A_771 : i32 to vector<16xi32>
      %add3A_773 = arith.addi %mul3A_441, %add3A_772 : vector<16xi32>
      %gather3A_774 = tpu.vector_load_idx %arg14[%add3A_773] : memref<4160xf32, #tpu.memory_space<vmem>>[vector<16xi32>], vector<16xf32>,
      %mul3A_775 = arith.mulf %add3A_105, %gather3A_774 : vector<16xf32>
      %add3A_776 = arith.constant 15 : i32
      %add3A_777 = vector.broadcast %add3A_776 : i32 to vector<16xi32>
      %add3A_778 = arith.addi %mul3A_441, %add3A_777 : vector<16xi32>
      %gather3A_779 = tpu.vector_load_idx %arg14[%add3A_778] : memref<4160xf32, #tpu.memory_space<vmem>>[vector<16xi32>], vector<16xf32>,
      %mul3A_780 = arith.mulf %add3A_152, %gather3A_779 : vector<16xf32>
      %add3A_781 = arith.addf %mul3A_775, %mul3A_780 : vector<16xf32>
      %add3A_782 = arith.constant 23 : i32
      %add3A_783 = vector.broadcast %add3A_782 : i32 to vector<16xi32>
      %add3A_784 = arith.addi %mul3A_441, %add3A_783 : vector<16xi32>
      %gather3A_785 = tpu.vector_load_idx %arg14[%add3A_784] : memref<4160xf32, #tpu.memory_space<vmem>>[vector<16xi32>], vector<16xf32>,
      %mul3A_786 = arith.mulf %add3A_199, %gather3A_785 : vector<16xf32>
      %add3A_787 = arith.addf %add3A_781, %mul3A_786 : vector<16xf32>
      %add3A_788 = arith.constant 31 : i32
      %add3A_789 = vector.broadcast %add3A_788 : i32 to vector<16xi32>
      %add3A_790 = arith.addi %mul3A_441, %add3A_789 : vector<16xi32>
      %gather3A_791 = tpu.vector_load_idx %arg14[%add3A_790] : memref<4160xf32, #tpu.memory_space<vmem>>[vector<16xi32>], vector<16xf32>,
      %mul3A_792 = arith.mulf %add3A_246, %gather3A_791 : vector<16xf32>
      %add3A_793 = arith.addf %add3A_787, %mul3A_792 : vector<16xf32>
      %add3A_794 = arith.constant 39 : i32
      %add3A_795 = vector.broadcast %add3A_794 : i32 to vector<16xi32>
      %add3A_796 = arith.addi %mul3A_441, %add3A_795 : vector<16xi32>
      %gather3A_797 = tpu.vector_load_idx %arg14[%add3A_796] : memref<4160xf32, #tpu.memory_space<vmem>>[vector<16xi32>], vector<16xf32>,
      %mul3A_798 = arith.mulf %add3A_293, %gather3A_797 : vector<16xf32>
      %add3A_799 = arith.addf %add3A_793, %mul3A_798 : vector<16xf32>
      %add3A_800 = arith.constant 47 : i32
      %add3A_801 = vector.broadcast %add3A_800 : i32 to vector<16xi32>
      %add3A_802 = arith.addi %mul3A_441, %add3A_801 : vector<16xi32>
      %gather3A_803 = tpu.vector_load_idx %arg14[%add3A_802] : memref<4160xf32, #tpu.memory_space<vmem>>[vector<16xi32>], vector<16xf32>,
      %mul3A_804 = arith.mulf %add3A_340, %gather3A_803 : vector<16xf32>
      %add3A_805 = arith.addf %add3A_799, %mul3A_804 : vector<16xf32>
      %add3A_806 = arith.constant 55 : i32
      %add3A_807 = vector.broadcast %add3A_806 : i32 to vector<16xi32>
      %add3A_808 = arith.addi %mul3A_441, %add3A_807 : vector<16xi32>
      %gather3A_809 = tpu.vector_load_idx %arg14[%add3A_808] : memref<4160xf32, #tpu.memory_space<vmem>>[vector<16xi32>], vector<16xf32>,
      %mul3A_810 = arith.mulf %add3A_387, %gather3A_809 : vector<16xf32>
      %add3A_811 = arith.addf %add3A_805, %mul3A_810 : vector<16xf32>
      %add3A_812 = arith.constant 63 : i32
      %add3A_813 = vector.broadcast %add3A_812 : i32 to vector<16xi32>
      %add3A_814 = arith.addi %mul3A_441, %add3A_813 : vector<16xi32>
      %gather3A_815 = tpu.vector_load_idx %arg14[%add3A_814] : memref<4160xf32, #tpu.memory_space<vmem>>[vector<16xi32>], vector<16xf32>,
      %mul3A_816 = arith.mulf %add3A_434, %gather3A_815 : vector<16xf32>
      %add3A_817 = arith.addf %add3A_811, %mul3A_816 : vector<16xf32>
      %add3A_818 = arith.constant 1536 : i32
      %add3A_819 = arith.addi %add3A_818, %mul3A_14 : i32
      %get3A_820 = arith.index_cast %add3A_819 : i32 to index
      %get3A_821 = tpu.vector_load %arg11[%get3A_820] {strides = array<i32>} : memref<3584xi32, #tpu.memory_space<vmem>>, vector<16xi32>,
      %mul3A_822 = arith.constant 65 : i32
      %mul3A_823 = vector.broadcast %mul3A_822 : i32 to vector<16xi32>
      %mul3A_824 = arith.muli %get3A_821, %mul3A_823 : vector<16xi32>
      %add3A_825 = arith.constant 0 : i32
      %add3A_826 = vector.broadcast %add3A_825 : i32 to vector<16xi32>
      %add3A_827 = arith.addi %mul3A_824, %add3A_826 : vector<16xi32>
      %gather3A_828 = tpu.vector_load_idx %arg15[%add3A_827] : memref<4160xf32, #tpu.memory_space<vmem>>[vector<16xi32>], vector<16xf32>,
      %mul3A_829 = arith.mulf %add3A_488, %gather3A_828 : vector<16xf32>
      %add3A_830 = arith.constant 8 : i32
      %add3A_831 = vector.broadcast %add3A_830 : i32 to vector<16xi32>
      %add3A_832 = arith.addi %mul3A_824, %add3A_831 : vector<16xi32>
      %gather3A_833 = tpu.vector_load_idx %arg15[%add3A_832] : memref<4160xf32, #tpu.memory_space<vmem>>[vector<16xi32>], vector<16xf32>,
      %mul3A_834 = arith.mulf %add3A_535, %gather3A_833 : vector<16xf32>
      %add3A_835 = arith.addf %mul3A_829, %mul3A_834 : vector<16xf32>
      %add3A_836 = arith.constant 16 : i32
      %add3A_837 = vector.broadcast %add3A_836 : i32 to vector<16xi32>
      %add3A_838 = arith.addi %mul3A_824, %add3A_837 : vector<16xi32>
      %gather3A_839 = tpu.vector_load_idx %arg15[%add3A_838] : memref<4160xf32, #tpu.memory_space<vmem>>[vector<16xi32>], vector<16xf32>,
      %mul3A_840 = arith.mulf %add3A_582, %gather3A_839 : vector<16xf32>
      %add3A_841 = arith.addf %add3A_835, %mul3A_840 : vector<16xf32>
      %add3A_842 = arith.constant 24 : i32
      %add3A_843 = vector.broadcast %add3A_842 : i32 to vector<16xi32>
      %add3A_844 = arith.addi %mul3A_824, %add3A_843 : vector<16xi32>
      %gather3A_845 = tpu.vector_load_idx %arg15[%add3A_844] : memref<4160xf32, #tpu.memory_space<vmem>>[vector<16xi32>], vector<16xf32>,
      %mul3A_846 = arith.mulf %add3A_629, %gather3A_845 : vector<16xf32>
      %add3A_847 = arith.addf %add3A_841, %mul3A_846 : vector<16xf32>
      %add3A_848 = arith.constant 32 : i32
      %add3A_849 = vector.broadcast %add3A_848 : i32 to vector<16xi32>
      %add3A_850 = arith.addi %mul3A_824, %add3A_849 : vector<16xi32>
      %gather3A_851 = tpu.vector_load_idx %arg15[%add3A_850] : memref<4160xf32, #tpu.memory_space<vmem>>[vector<16xi32>], vector<16xf32>,
      %mul3A_852 = arith.mulf %add3A_676, %gather3A_851 : vector<16xf32>
      %add3A_853 = arith.addf %add3A_847, %mul3A_852 : vector<16xf32>
      %add3A_854 = arith.constant 40 : i32
      %add3A_855 = vector.broadcast %add3A_854 : i32 to vector<16xi32>
      %add3A_856 = arith.addi %mul3A_824, %add3A_855 : vector<16xi32>
      %gather3A_857 = tpu.vector_load_idx %arg15[%add3A_856] : memref<4160xf32, #tpu.memory_space<vmem>>[vector<16xi32>], vector<16xf32>,
      %mul3A_858 = arith.mulf %add3A_723, %gather3A_857 : vector<16xf32>
      %add3A_859 = arith.addf %add3A_853, %mul3A_858 : vector<16xf32>
      %add3A_860 = arith.constant 48 : i32
      %add3A_861 = vector.broadcast %add3A_860 : i32 to vector<16xi32>
      %add3A_862 = arith.addi %mul3A_824, %add3A_861 : vector<16xi32>
      %gather3A_863 = tpu.vector_load_idx %arg15[%add3A_862] : memref<4160xf32, #tpu.memory_space<vmem>>[vector<16xi32>], vector<16xf32>,
      %mul3A_864 = arith.mulf %add3A_770, %gather3A_863 : vector<16xf32>
      %add3A_865 = arith.addf %add3A_859, %mul3A_864 : vector<16xf32>
      %add3A_866 = arith.constant 56 : i32
      %add3A_867 = vector.broadcast %add3A_866 : i32 to vector<16xi32>
      %add3A_868 = arith.addi %mul3A_824, %add3A_867 : vector<16xi32>
      %gather3A_869 = tpu.vector_load_idx %arg15[%add3A_868] : memref<4160xf32, #tpu.memory_space<vmem>>[vector<16xi32>], vector<16xf32>,
      %mul3A_870 = arith.mulf %add3A_817, %gather3A_869 : vector<16xf32>
      %add3A_871 = arith.addf %add3A_865, %mul3A_870 : vector<16xf32>
      %add3A_872 = arith.constant 1 : i32
      %add3A_873 = vector.broadcast %add3A_872 : i32 to vector<16xi32>
      %add3A_874 = arith.addi %mul3A_824, %add3A_873 : vector<16xi32>
      %gather3A_875 = tpu.vector_load_idx %arg15[%add3A_874] : memref<4160xf32, #tpu.memory_space<vmem>>[vector<16xi32>], vector<16xf32>,
      %mul3A_876 = arith.mulf %add3A_488, %gather3A_875 : vector<16xf32>
      %add3A_877 = arith.constant 9 : i32
      %add3A_878 = vector.broadcast %add3A_877 : i32 to vector<16xi32>
      %add3A_879 = arith.addi %mul3A_824, %add3A_878 : vector<16xi32>
      %gather3A_880 = tpu.vector_load_idx %arg15[%add3A_879] : memref<4160xf32, #tpu.memory_space<vmem>>[vector<16xi32>], vector<16xf32>,
      %mul3A_881 = arith.mulf %add3A_535, %gather3A_880 : vector<16xf32>
      %add3A_882 = arith.addf %mul3A_876, %mul3A_881 : vector<16xf32>
      %add3A_883 = arith.constant 17 : i32
      %add3A_884 = vector.broadcast %add3A_883 : i32 to vector<16xi32>
      %add3A_885 = arith.addi %mul3A_824, %add3A_884 : vector<16xi32>
      %gather3A_886 = tpu.vector_load_idx %arg15[%add3A_885] : memref<4160xf32, #tpu.memory_space<vmem>>[vector<16xi32>], vector<16xf32>,
      %mul3A_887 = arith.mulf %add3A_582, %gather3A_886 : vector<16xf32>
      %add3A_888 = arith.addf %add3A_882, %mul3A_887 : vector<16xf32>
      %add3A_889 = arith.constant 25 : i32
      %add3A_890 = vector.broadcast %add3A_889 : i32 to vector<16xi32>
      %add3A_891 = arith.addi %mul3A_824, %add3A_890 : vector<16xi32>
      %gather3A_892 = tpu.vector_load_idx %arg15[%add3A_891] : memref<4160xf32, #tpu.memory_space<vmem>>[vector<16xi32>], vector<16xf32>,
      %mul3A_893 = arith.mulf %add3A_629, %gather3A_892 : vector<16xf32>
      %add3A_894 = arith.addf %add3A_888, %mul3A_893 : vector<16xf32>
      %add3A_895 = arith.constant 33 : i32
      %add3A_896 = vector.broadcast %add3A_895 : i32 to vector<16xi32>
      %add3A_897 = arith.addi %mul3A_824, %add3A_896 : vector<16xi32>
      %gather3A_898 = tpu.vector_load_idx %arg15[%add3A_897] : memref<4160xf32, #tpu.memory_space<vmem>>[vector<16xi32>], vector<16xf32>,
      %mul3A_899 = arith.mulf %add3A_676, %gather3A_898 : vector<16xf32>
      %add3A_900 = arith.addf %add3A_894, %mul3A_899 : vector<16xf32>
      %add3A_901 = arith.constant 41 : i32
      %add3A_902 = vector.broadcast %add3A_901 : i32 to vector<16xi32>
      %add3A_903 = arith.addi %mul3A_824, %add3A_902 : vector<16xi32>
      %gather3A_904 = tpu.vector_load_idx %arg15[%add3A_903] : memref<4160xf32, #tpu.memory_space<vmem>>[vector<16xi32>], vector<16xf32>,
      %mul3A_905 = arith.mulf %add3A_723, %gather3A_904 : vector<16xf32>
      %add3A_906 = arith.addf %add3A_900, %mul3A_905 : vector<16xf32>
      %add3A_907 = arith.constant 49 : i32
      %add3A_908 = vector.broadcast %add3A_907 : i32 to vector<16xi32>
      %add3A_909 = arith.addi %mul3A_824, %add3A_908 : vector<16xi32>
      %gather3A_910 = tpu.vector_load_idx %arg15[%add3A_909] : memref<4160xf32, #tpu.memory_space<vmem>>[vector<16xi32>], vector<16xf32>,
      %mul3A_911 = arith.mulf %add3A_770, %gather3A_910 : vector<16xf32>
      %add3A_912 = arith.addf %add3A_906, %mul3A_911 : vector<16xf32>
      %add3A_913 = arith.constant 57 : i32
      %add3A_914 = vector.broadcast %add3A_913 : i32 to vector<16xi32>
      %add3A_915 = arith.addi %mul3A_824, %add3A_914 : vector<16xi32>
      %gather3A_916 = tpu.vector_load_idx %arg15[%add3A_915] : memref<4160xf32, #tpu.memory_space<vmem>>[vector<16xi32>], vector<16xf32>,
      %mul3A_917 = arith.mulf %add3A_817, %gather3A_916 : vector<16xf32>
      %add3A_918 = arith.addf %add3A_912, %mul3A_917 : vector<16xf32>
      %add3A_919 = arith.constant 2 : i32
      %add3A_920 = vector.broadcast %add3A_919 : i32 to vector<16xi32>
      %add3A_921 = arith.addi %mul3A_824, %add3A_920 : vector<16xi32>
      %gather3A_922 = tpu.vector_load_idx %arg15[%add3A_921] : memref<4160xf32, #tpu.memory_space<vmem>>[vector<16xi32>], vector<16xf32>,
      %mul3A_923 = arith.mulf %add3A_488, %gather3A_922 : vector<16xf32>
      %add3A_924 = arith.constant 10 : i32
      %add3A_925 = vector.broadcast %add3A_924 : i32 to vector<16xi32>
      %add3A_926 = arith.addi %mul3A_824, %add3A_925 : vector<16xi32>
      %gather3A_927 = tpu.vector_load_idx %arg15[%add3A_926] : memref<4160xf32, #tpu.memory_space<vmem>>[vector<16xi32>], vector<16xf32>,
      %mul3A_928 = arith.mulf %add3A_535, %gather3A_927 : vector<16xf32>
      %add3A_929 = arith.addf %mul3A_923, %mul3A_928 : vector<16xf32>
      %add3A_930 = arith.constant 18 : i32
      %add3A_931 = vector.broadcast %add3A_930 : i32 to vector<16xi32>
      %add3A_932 = arith.addi %mul3A_824, %add3A_931 : vector<16xi32>
      %gather3A_933 = tpu.vector_load_idx %arg15[%add3A_932] : memref<4160xf32, #tpu.memory_space<vmem>>[vector<16xi32>], vector<16xf32>,
      %mul3A_934 = arith.mulf %add3A_582, %gather3A_933 : vector<16xf32>
      %add3A_935 = arith.addf %add3A_929, %mul3A_934 : vector<16xf32>
      %add3A_936 = arith.constant 26 : i32
      %add3A_937 = vector.broadcast %add3A_936 : i32 to vector<16xi32>
      %add3A_938 = arith.addi %mul3A_824, %add3A_937 : vector<16xi32>
      %gather3A_939 = tpu.vector_load_idx %arg15[%add3A_938] : memref<4160xf32, #tpu.memory_space<vmem>>[vector<16xi32>], vector<16xf32>,
      %mul3A_940 = arith.mulf %add3A_629, %gather3A_939 : vector<16xf32>
      %add3A_941 = arith.addf %add3A_935, %mul3A_940 : vector<16xf32>
      %add3A_942 = arith.constant 34 : i32
      %add3A_943 = vector.broadcast %add3A_942 : i32 to vector<16xi32>
      %add3A_944 = arith.addi %mul3A_824, %add3A_943 : vector<16xi32>
      %gather3A_945 = tpu.vector_load_idx %arg15[%add3A_944] : memref<4160xf32, #tpu.memory_space<vmem>>[vector<16xi32>], vector<16xf32>,
      %mul3A_946 = arith.mulf %add3A_676, %gather3A_945 : vector<16xf32>
      %add3A_947 = arith.addf %add3A_941, %mul3A_946 : vector<16xf32>
      %add3A_948 = arith.constant 42 : i32
      %add3A_949 = vector.broadcast %add3A_948 : i32 to vector<16xi32>
      %add3A_950 = arith.addi %mul3A_824, %add3A_949 : vector<16xi32>
      %gather3A_951 = tpu.vector_load_idx %arg15[%add3A_950] : memref<4160xf32, #tpu.memory_space<vmem>>[vector<16xi32>], vector<16xf32>,
      %mul3A_952 = arith.mulf %add3A_723, %gather3A_951 : vector<16xf32>
      %add3A_953 = arith.addf %add3A_947, %mul3A_952 : vector<16xf32>
      %add3A_954 = arith.constant 50 : i32
      %add3A_955 = vector.broadcast %add3A_954 : i32 to vector<16xi32>
      %add3A_956 = arith.addi %mul3A_824, %add3A_955 : vector<16xi32>
      %gather3A_957 = tpu.vector_load_idx %arg15[%add3A_956] : memref<4160xf32, #tpu.memory_space<vmem>>[vector<16xi32>], vector<16xf32>,
      %mul3A_958 = arith.mulf %add3A_770, %gather3A_957 : vector<16xf32>
      %add3A_959 = arith.addf %add3A_953, %mul3A_958 : vector<16xf32>
      %add3A_960 = arith.constant 58 : i32
      %add3A_961 = vector.broadcast %add3A_960 : i32 to vector<16xi32>
      %add3A_962 = arith.addi %mul3A_824, %add3A_961 : vector<16xi32>
      %gather3A_963 = tpu.vector_load_idx %arg15[%add3A_962] : memref<4160xf32, #tpu.memory_space<vmem>>[vector<16xi32>], vector<16xf32>,
      %mul3A_964 = arith.mulf %add3A_817, %gather3A_963 : vector<16xf32>
      %add3A_965 = arith.addf %add3A_959, %mul3A_964 : vector<16xf32>
      %add3A_966 = arith.constant 3 : i32
      %add3A_967 = vector.broadcast %add3A_966 : i32 to vector<16xi32>
      %add3A_968 = arith.addi %mul3A_824, %add3A_967 : vector<16xi32>
      %gather3A_969 = tpu.vector_load_idx %arg15[%add3A_968] : memref<4160xf32, #tpu.memory_space<vmem>>[vector<16xi32>], vector<16xf32>,
      %mul3A_970 = arith.mulf %add3A_488, %gather3A_969 : vector<16xf32>
      %add3A_971 = arith.constant 11 : i32
      %add3A_972 = vector.broadcast %add3A_971 : i32 to vector<16xi32>
      %add3A_973 = arith.addi %mul3A_824, %add3A_972 : vector<16xi32>
      %gather3A_974 = tpu.vector_load_idx %arg15[%add3A_973] : memref<4160xf32, #tpu.memory_space<vmem>>[vector<16xi32>], vector<16xf32>,
      %mul3A_975 = arith.mulf %add3A_535, %gather3A_974 : vector<16xf32>
      %add3A_976 = arith.addf %mul3A_970, %mul3A_975 : vector<16xf32>
      %add3A_977 = arith.constant 19 : i32
      %add3A_978 = vector.broadcast %add3A_977 : i32 to vector<16xi32>
      %add3A_979 = arith.addi %mul3A_824, %add3A_978 : vector<16xi32>
      %gather3A_980 = tpu.vector_load_idx %arg15[%add3A_979] : memref<4160xf32, #tpu.memory_space<vmem>>[vector<16xi32>], vector<16xf32>,
      %mul3A_981 = arith.mulf %add3A_582, %gather3A_980 : vector<16xf32>
      %add3A_982 = arith.addf %add3A_976, %mul3A_981 : vector<16xf32>
      %add3A_983 = arith.constant 27 : i32
      %add3A_984 = vector.broadcast %add3A_983 : i32 to vector<16xi32>
      %add3A_985 = arith.addi %mul3A_824, %add3A_984 : vector<16xi32>
      %gather3A_986 = tpu.vector_load_idx %arg15[%add3A_985] : memref<4160xf32, #tpu.memory_space<vmem>>[vector<16xi32>], vector<16xf32>,
      %mul3A_987 = arith.mulf %add3A_629, %gather3A_986 : vector<16xf32>
      %add3A_988 = arith.addf %add3A_982, %mul3A_987 : vector<16xf32>
      %add3A_989 = arith.constant 35 : i32
      %add3A_990 = vector.broadcast %add3A_989 : i32 to vector<16xi32>
      %add3A_991 = arith.addi %mul3A_824, %add3A_990 : vector<16xi32>
      %gather3A_992 = tpu.vector_load_idx %arg15[%add3A_991] : memref<4160xf32, #tpu.memory_space<vmem>>[vector<16xi32>], vector<16xf32>,
      %mul3A_993 = arith.mulf %add3A_676, %gather3A_992 : vector<16xf32>
      %add3A_994 = arith.addf %add3A_988, %mul3A_993 : vector<16xf32>
      %add3A_995 = arith.constant 43 : i32
      %add3A_996 = vector.broadcast %add3A_995 : i32 to vector<16xi32>
      %add3A_997 = arith.addi %mul3A_824, %add3A_996 : vector<16xi32>
      %gather3A_998 = tpu.vector_load_idx %arg15[%add3A_997] : memref<4160xf32, #tpu.memory_space<vmem>>[vector<16xi32>], vector<16xf32>,
      %mul3A_999 = arith.mulf %add3A_723, %gather3A_998 : vector<16xf32>
      %add3A_1000 = arith.addf %add3A_994, %mul3A_999 : vector<16xf32>
      %add3A_1001 = arith.constant 51 : i32
      %add3A_1002 = vector.broadcast %add3A_1001 : i32 to vector<16xi32>
      %add3A_1003 = arith.addi %mul3A_824, %add3A_1002 : vector<16xi32>
      %gather3A_1004 = tpu.vector_load_idx %arg15[%add3A_1003] : memref<4160xf32, #tpu.memory_space<vmem>>[vector<16xi32>], vector<16xf32>,
      %mul3A_1005 = arith.mulf %add3A_770, %gather3A_1004 : vector<16xf32>
      %add3A_1006 = arith.addf %add3A_1000, %mul3A_1005 : vector<16xf32>
      %add3A_1007 = arith.constant 59 : i32
      %add3A_1008 = vector.broadcast %add3A_1007 : i32 to vector<16xi32>
      %add3A_1009 = arith.addi %mul3A_824, %add3A_1008 : vector<16xi32>
      %gather3A_1010 = tpu.vector_load_idx %arg15[%add3A_1009] : memref<4160xf32, #tpu.memory_space<vmem>>[vector<16xi32>], vector<16xf32>,
      %mul3A_1011 = arith.mulf %add3A_817, %gather3A_1010 : vector<16xf32>
      %add3A_1012 = arith.addf %add3A_1006, %mul3A_1011 : vector<16xf32>
      %add3A_1013 = arith.constant 4 : i32
      %add3A_1014 = vector.broadcast %add3A_1013 : i32 to vector<16xi32>
      %add3A_1015 = arith.addi %mul3A_824, %add3A_1014 : vector<16xi32>
      %gather3A_1016 = tpu.vector_load_idx %arg15[%add3A_1015] : memref<4160xf32, #tpu.memory_space<vmem>>[vector<16xi32>], vector<16xf32>,
      %mul3A_1017 = arith.mulf %add3A_488, %gather3A_1016 : vector<16xf32>
      %add3A_1018 = arith.constant 12 : i32
      %add3A_1019 = vector.broadcast %add3A_1018 : i32 to vector<16xi32>
      %add3A_1020 = arith.addi %mul3A_824, %add3A_1019 : vector<16xi32>
      %gather3A_1021 = tpu.vector_load_idx %arg15[%add3A_1020] : memref<4160xf32, #tpu.memory_space<vmem>>[vector<16xi32>], vector<16xf32>,
      %mul3A_1022 = arith.mulf %add3A_535, %gather3A_1021 : vector<16xf32>
      %add3A_1023 = arith.addf %mul3A_1017, %mul3A_1022 : vector<16xf32>
      %add3A_1024 = arith.constant 20 : i32
      %add3A_1025 = vector.broadcast %add3A_1024 : i32 to vector<16xi32>
      %add3A_1026 = arith.addi %mul3A_824, %add3A_1025 : vector<16xi32>
      %gather3A_1027 = tpu.vector_load_idx %arg15[%add3A_1026] : memref<4160xf32, #tpu.memory_space<vmem>>[vector<16xi32>], vector<16xf32>,
      %mul3A_1028 = arith.mulf %add3A_582, %gather3A_1027 : vector<16xf32>
      %add3A_1029 = arith.addf %add3A_1023, %mul3A_1028 : vector<16xf32>
      %add3A_1030 = arith.constant 28 : i32
      %add3A_1031 = vector.broadcast %add3A_1030 : i32 to vector<16xi32>
      %add3A_1032 = arith.addi %mul3A_824, %add3A_1031 : vector<16xi32>
      %gather3A_1033 = tpu.vector_load_idx %arg15[%add3A_1032] : memref<4160xf32, #tpu.memory_space<vmem>>[vector<16xi32>], vector<16xf32>,
      %mul3A_1034 = arith.mulf %add3A_629, %gather3A_1033 : vector<16xf32>
      %add3A_1035 = arith.addf %add3A_1029, %mul3A_1034 : vector<16xf32>
      %add3A_1036 = arith.constant 36 : i32
      %add3A_1037 = vector.broadcast %add3A_1036 : i32 to vector<16xi32>
      %add3A_1038 = arith.addi %mul3A_824, %add3A_1037 : vector<16xi32>
      %gather3A_1039 = tpu.vector_load_idx %arg15[%add3A_1038] : memref<4160xf32, #tpu.memory_space<vmem>>[vector<16xi32>], vector<16xf32>,
      %mul3A_1040 = arith.mulf %add3A_676, %gather3A_1039 : vector<16xf32>
      %add3A_1041 = arith.addf %add3A_1035, %mul3A_1040 : vector<16xf32>
      %add3A_1042 = arith.constant 44 : i32
      %add3A_1043 = vector.broadcast %add3A_1042 : i32 to vector<16xi32>
      %add3A_1044 = arith.addi %mul3A_824, %add3A_1043 : vector<16xi32>
      %gather3A_1045 = tpu.vector_load_idx %arg15[%add3A_1044] : memref<4160xf32, #tpu.memory_space<vmem>>[vector<16xi32>], vector<16xf32>,
      %mul3A_1046 = arith.mulf %add3A_723, %gather3A_1045 : vector<16xf32>
      %add3A_1047 = arith.addf %add3A_1041, %mul3A_1046 : vector<16xf32>
      %add3A_1048 = arith.constant 52 : i32
      %add3A_1049 = vector.broadcast %add3A_1048 : i32 to vector<16xi32>
      %add3A_1050 = arith.addi %mul3A_824, %add3A_1049 : vector<16xi32>
      %gather3A_1051 = tpu.vector_load_idx %arg15[%add3A_1050] : memref<4160xf32, #tpu.memory_space<vmem>>[vector<16xi32>], vector<16xf32>,
      %mul3A_1052 = arith.mulf %add3A_770, %gather3A_1051 : vector<16xf32>
      %add3A_1053 = arith.addf %add3A_1047, %mul3A_1052 : vector<16xf32>
      %add3A_1054 = arith.constant 60 : i32
      %add3A_1055 = vector.broadcast %add3A_1054 : i32 to vector<16xi32>
      %add3A_1056 = arith.addi %mul3A_824, %add3A_1055 : vector<16xi32>
      %gather3A_1057 = tpu.vector_load_idx %arg15[%add3A_1056] : memref<4160xf32, #tpu.memory_space<vmem>>[vector<16xi32>], vector<16xf32>,
      %mul3A_1058 = arith.mulf %add3A_817, %gather3A_1057 : vector<16xf32>
      %add3A_1059 = arith.addf %add3A_1053, %mul3A_1058 : vector<16xf32>
      %add3A_1060 = arith.constant 5 : i32
      %add3A_1061 = vector.broadcast %add3A_1060 : i32 to vector<16xi32>
      %add3A_1062 = arith.addi %mul3A_824, %add3A_1061 : vector<16xi32>
      %gather3A_1063 = tpu.vector_load_idx %arg15[%add3A_1062] : memref<4160xf32, #tpu.memory_space<vmem>>[vector<16xi32>], vector<16xf32>,
      %mul3A_1064 = arith.mulf %add3A_488, %gather3A_1063 : vector<16xf32>
      %add3A_1065 = arith.constant 13 : i32
      %add3A_1066 = vector.broadcast %add3A_1065 : i32 to vector<16xi32>
      %add3A_1067 = arith.addi %mul3A_824, %add3A_1066 : vector<16xi32>
      %gather3A_1068 = tpu.vector_load_idx %arg15[%add3A_1067] : memref<4160xf32, #tpu.memory_space<vmem>>[vector<16xi32>], vector<16xf32>,
      %mul3A_1069 = arith.mulf %add3A_535, %gather3A_1068 : vector<16xf32>
      %add3A_1070 = arith.addf %mul3A_1064, %mul3A_1069 : vector<16xf32>
      %add3A_1071 = arith.constant 21 : i32
      %add3A_1072 = vector.broadcast %add3A_1071 : i32 to vector<16xi32>
      %add3A_1073 = arith.addi %mul3A_824, %add3A_1072 : vector<16xi32>
      %gather3A_1074 = tpu.vector_load_idx %arg15[%add3A_1073] : memref<4160xf32, #tpu.memory_space<vmem>>[vector<16xi32>], vector<16xf32>,
      %mul3A_1075 = arith.mulf %add3A_582, %gather3A_1074 : vector<16xf32>
      %add3A_1076 = arith.addf %add3A_1070, %mul3A_1075 : vector<16xf32>
      %add3A_1077 = arith.constant 29 : i32
      %add3A_1078 = vector.broadcast %add3A_1077 : i32 to vector<16xi32>
      %add3A_1079 = arith.addi %mul3A_824, %add3A_1078 : vector<16xi32>
      %gather3A_1080 = tpu.vector_load_idx %arg15[%add3A_1079] : memref<4160xf32, #tpu.memory_space<vmem>>[vector<16xi32>], vector<16xf32>,
      %mul3A_1081 = arith.mulf %add3A_629, %gather3A_1080 : vector<16xf32>
      %add3A_1082 = arith.addf %add3A_1076, %mul3A_1081 : vector<16xf32>
      %add3A_1083 = arith.constant 37 : i32
      %add3A_1084 = vector.broadcast %add3A_1083 : i32 to vector<16xi32>
      %add3A_1085 = arith.addi %mul3A_824, %add3A_1084 : vector<16xi32>
      %gather3A_1086 = tpu.vector_load_idx %arg15[%add3A_1085] : memref<4160xf32, #tpu.memory_space<vmem>>[vector<16xi32>], vector<16xf32>,
      %mul3A_1087 = arith.mulf %add3A_676, %gather3A_1086 : vector<16xf32>
      %add3A_1088 = arith.addf %add3A_1082, %mul3A_1087 : vector<16xf32>
      %add3A_1089 = arith.constant 45 : i32
      %add3A_1090 = vector.broadcast %add3A_1089 : i32 to vector<16xi32>
      %add3A_1091 = arith.addi %mul3A_824, %add3A_1090 : vector<16xi32>
      %gather3A_1092 = tpu.vector_load_idx %arg15[%add3A_1091] : memref<4160xf32, #tpu.memory_space<vmem>>[vector<16xi32>], vector<16xf32>,
      %mul3A_1093 = arith.mulf %add3A_723, %gather3A_1092 : vector<16xf32>
      %add3A_1094 = arith.addf %add3A_1088, %mul3A_1093 : vector<16xf32>
      %add3A_1095 = arith.constant 53 : i32
      %add3A_1096 = vector.broadcast %add3A_1095 : i32 to vector<16xi32>
      %add3A_1097 = arith.addi %mul3A_824, %add3A_1096 : vector<16xi32>
      %gather3A_1098 = tpu.vector_load_idx %arg15[%add3A_1097] : memref<4160xf32, #tpu.memory_space<vmem>>[vector<16xi32>], vector<16xf32>,
      %mul3A_1099 = arith.mulf %add3A_770, %gather3A_1098 : vector<16xf32>
      %add3A_1100 = arith.addf %add3A_1094, %mul3A_1099 : vector<16xf32>
      %add3A_1101 = arith.constant 61 : i32
      %add3A_1102 = vector.broadcast %add3A_1101 : i32 to vector<16xi32>
      %add3A_1103 = arith.addi %mul3A_824, %add3A_1102 : vector<16xi32>
      %gather3A_1104 = tpu.vector_load_idx %arg15[%add3A_1103] : memref<4160xf32, #tpu.memory_space<vmem>>[vector<16xi32>], vector<16xf32>,
      %mul3A_1105 = arith.mulf %add3A_817, %gather3A_1104 : vector<16xf32>
      %add3A_1106 = arith.addf %add3A_1100, %mul3A_1105 : vector<16xf32>
      %add3A_1107 = arith.constant 6 : i32
      %add3A_1108 = vector.broadcast %add3A_1107 : i32 to vector<16xi32>
      %add3A_1109 = arith.addi %mul3A_824, %add3A_1108 : vector<16xi32>
      %gather3A_1110 = tpu.vector_load_idx %arg15[%add3A_1109] : memref<4160xf32, #tpu.memory_space<vmem>>[vector<16xi32>], vector<16xf32>,
      %mul3A_1111 = arith.mulf %add3A_488, %gather3A_1110 : vector<16xf32>
      %add3A_1112 = arith.constant 14 : i32
      %add3A_1113 = vector.broadcast %add3A_1112 : i32 to vector<16xi32>
      %add3A_1114 = arith.addi %mul3A_824, %add3A_1113 : vector<16xi32>
      %gather3A_1115 = tpu.vector_load_idx %arg15[%add3A_1114] : memref<4160xf32, #tpu.memory_space<vmem>>[vector<16xi32>], vector<16xf32>,
      %mul3A_1116 = arith.mulf %add3A_535, %gather3A_1115 : vector<16xf32>
      %add3A_1117 = arith.addf %mul3A_1111, %mul3A_1116 : vector<16xf32>
      %add3A_1118 = arith.constant 22 : i32
      %add3A_1119 = vector.broadcast %add3A_1118 : i32 to vector<16xi32>
      %add3A_1120 = arith.addi %mul3A_824, %add3A_1119 : vector<16xi32>
      %gather3A_1121 = tpu.vector_load_idx %arg15[%add3A_1120] : memref<4160xf32, #tpu.memory_space<vmem>>[vector<16xi32>], vector<16xf32>,
      %mul3A_1122 = arith.mulf %add3A_582, %gather3A_1121 : vector<16xf32>
      %add3A_1123 = arith.addf %add3A_1117, %mul3A_1122 : vector<16xf32>
      %add3A_1124 = arith.constant 30 : i32
      %add3A_1125 = vector.broadcast %add3A_1124 : i32 to vector<16xi32>
      %add3A_1126 = arith.addi %mul3A_824, %add3A_1125 : vector<16xi32>
      %gather3A_1127 = tpu.vector_load_idx %arg15[%add3A_1126] : memref<4160xf32, #tpu.memory_space<vmem>>[vector<16xi32>], vector<16xf32>,
      %mul3A_1128 = arith.mulf %add3A_629, %gather3A_1127 : vector<16xf32>
      %add3A_1129 = arith.addf %add3A_1123, %mul3A_1128 : vector<16xf32>
      %add3A_1130 = arith.constant 38 : i32
      %add3A_1131 = vector.broadcast %add3A_1130 : i32 to vector<16xi32>
      %add3A_1132 = arith.addi %mul3A_824, %add3A_1131 : vector<16xi32>
      %gather3A_1133 = tpu.vector_load_idx %arg15[%add3A_1132] : memref<4160xf32, #tpu.memory_space<vmem>>[vector<16xi32>], vector<16xf32>,
      %mul3A_1134 = arith.mulf %add3A_676, %gather3A_1133 : vector<16xf32>
      %add3A_1135 = arith.addf %add3A_1129, %mul3A_1134 : vector<16xf32>
      %add3A_1136 = arith.constant 46 : i32
      %add3A_1137 = vector.broadcast %add3A_1136 : i32 to vector<16xi32>
      %add3A_1138 = arith.addi %mul3A_824, %add3A_1137 : vector<16xi32>
      %gather3A_1139 = tpu.vector_load_idx %arg15[%add3A_1138] : memref<4160xf32, #tpu.memory_space<vmem>>[vector<16xi32>], vector<16xf32>,
      %mul3A_1140 = arith.mulf %add3A_723, %gather3A_1139 : vector<16xf32>
      %add3A_1141 = arith.addf %add3A_1135, %mul3A_1140 : vector<16xf32>
      %add3A_1142 = arith.constant 54 : i32
      %add3A_1143 = vector.broadcast %add3A_1142 : i32 to vector<16xi32>
      %add3A_1144 = arith.addi %mul3A_824, %add3A_1143 : vector<16xi32>
      %gather3A_1145 = tpu.vector_load_idx %arg15[%add3A_1144] : memref<4160xf32, #tpu.memory_space<vmem>>[vector<16xi32>], vector<16xf32>,
      %mul3A_1146 = arith.mulf %add3A_770, %gather3A_1145 : vector<16xf32>
      %add3A_1147 = arith.addf %add3A_1141, %mul3A_1146 : vector<16xf32>
      %add3A_1148 = arith.constant 62 : i32
      %add3A_1149 = vector.broadcast %add3A_1148 : i32 to vector<16xi32>
      %add3A_1150 = arith.addi %mul3A_824, %add3A_1149 : vector<16xi32>
      %gather3A_1151 = tpu.vector_load_idx %arg15[%add3A_1150] : memref<4160xf32, #tpu.memory_space<vmem>>[vector<16xi32>], vector<16xf32>,
      %mul3A_1152 = arith.mulf %add3A_817, %gather3A_1151 : vector<16xf32>
      %add3A_1153 = arith.addf %add3A_1147, %mul3A_1152 : vector<16xf32>
      %add3A_1154 = arith.constant 7 : i32
      %add3A_1155 = vector.broadcast %add3A_1154 : i32 to vector<16xi32>
      %add3A_1156 = arith.addi %mul3A_824, %add3A_1155 : vector<16xi32>
      %gather3A_1157 = tpu.vector_load_idx %arg15[%add3A_1156] : memref<4160xf32, #tpu.memory_space<vmem>>[vector<16xi32>], vector<16xf32>,
      %mul3A_1158 = arith.mulf %add3A_488, %gather3A_1157 : vector<16xf32>
      %add3A_1159 = arith.constant 15 : i32
      %add3A_1160 = vector.broadcast %add3A_1159 : i32 to vector<16xi32>
      %add3A_1161 = arith.addi %mul3A_824, %add3A_1160 : vector<16xi32>
      %gather3A_1162 = tpu.vector_load_idx %arg15[%add3A_1161] : memref<4160xf32, #tpu.memory_space<vmem>>[vector<16xi32>], vector<16xf32>,
      %mul3A_1163 = arith.mulf %add3A_535, %gather3A_1162 : vector<16xf32>
      %add3A_1164 = arith.addf %mul3A_1158, %mul3A_1163 : vector<16xf32>
      %add3A_1165 = arith.constant 23 : i32
      %add3A_1166 = vector.broadcast %add3A_1165 : i32 to vector<16xi32>
      %add3A_1167 = arith.addi %mul3A_824, %add3A_1166 : vector<16xi32>
      %gather3A_1168 = tpu.vector_load_idx %arg15[%add3A_1167] : memref<4160xf32, #tpu.memory_space<vmem>>[vector<16xi32>], vector<16xf32>,
      %mul3A_1169 = arith.mulf %add3A_582, %gather3A_1168 : vector<16xf32>
      %add3A_1170 = arith.addf %add3A_1164, %mul3A_1169 : vector<16xf32>
      %add3A_1171 = arith.constant 31 : i32
      %add3A_1172 = vector.broadcast %add3A_1171 : i32 to vector<16xi32>
      %add3A_1173 = arith.addi %mul3A_824, %add3A_1172 : vector<16xi32>
      %gather3A_1174 = tpu.vector_load_idx %arg15[%add3A_1173] : memref<4160xf32, #tpu.memory_space<vmem>>[vector<16xi32>], vector<16xf32>,
      %mul3A_1175 = arith.mulf %add3A_629, %gather3A_1174 : vector<16xf32>
      %add3A_1176 = arith.addf %add3A_1170, %mul3A_1175 : vector<16xf32>
      %add3A_1177 = arith.constant 39 : i32
      %add3A_1178 = vector.broadcast %add3A_1177 : i32 to vector<16xi32>
      %add3A_1179 = arith.addi %mul3A_824, %add3A_1178 : vector<16xi32>
      %gather3A_1180 = tpu.vector_load_idx %arg15[%add3A_1179] : memref<4160xf32, #tpu.memory_space<vmem>>[vector<16xi32>], vector<16xf32>,
      %mul3A_1181 = arith.mulf %add3A_676, %gather3A_1180 : vector<16xf32>
      %add3A_1182 = arith.addf %add3A_1176, %mul3A_1181 : vector<16xf32>
      %add3A_1183 = arith.constant 47 : i32
      %add3A_1184 = vector.broadcast %add3A_1183 : i32 to vector<16xi32>
      %add3A_1185 = arith.addi %mul3A_824, %add3A_1184 : vector<16xi32>
      %gather3A_1186 = tpu.vector_load_idx %arg15[%add3A_1185] : memref<4160xf32, #tpu.memory_space<vmem>>[vector<16xi32>], vector<16xf32>,
      %mul3A_1187 = arith.mulf %add3A_723, %gather3A_1186 : vector<16xf32>
      %add3A_1188 = arith.addf %add3A_1182, %mul3A_1187 : vector<16xf32>
      %add3A_1189 = arith.constant 55 : i32
      %add3A_1190 = vector.broadcast %add3A_1189 : i32 to vector<16xi32>
      %add3A_1191 = arith.addi %mul3A_824, %add3A_1190 : vector<16xi32>
      %gather3A_1192 = tpu.vector_load_idx %arg15[%add3A_1191] : memref<4160xf32, #tpu.memory_space<vmem>>[vector<16xi32>], vector<16xf32>,
      %mul3A_1193 = arith.mulf %add3A_770, %gather3A_1192 : vector<16xf32>
      %add3A_1194 = arith.addf %add3A_1188, %mul3A_1193 : vector<16xf32>
      %add3A_1195 = arith.constant 63 : i32
      %add3A_1196 = vector.broadcast %add3A_1195 : i32 to vector<16xi32>
      %add3A_1197 = arith.addi %mul3A_824, %add3A_1196 : vector<16xi32>
      %gather3A_1198 = tpu.vector_load_idx %arg15[%add3A_1197] : memref<4160xf32, #tpu.memory_space<vmem>>[vector<16xi32>], vector<16xf32>,
      %mul3A_1199 = arith.mulf %add3A_817, %gather3A_1198 : vector<16xf32>
      %add3A_1200 = arith.addf %add3A_1194, %mul3A_1199 : vector<16xf32>
      %add3A_1201 = arith.constant 2048 : i32
      %add3A_1202 = arith.addi %add3A_1201, %mul3A_14 : i32
      %get3A_1203 = arith.index_cast %add3A_1202 : i32 to index
      %get3A_1204 = tpu.vector_load %arg11[%get3A_1203] {strides = array<i32>} : memref<3584xi32, #tpu.memory_space<vmem>>, vector<16xi32>,
      %mul3A_1205 = arith.constant 65 : i32
      %mul3A_1206 = vector.broadcast %mul3A_1205 : i32 to vector<16xi32>
      %mul3A_1207 = arith.muli %get3A_1204, %mul3A_1206 : vector<16xi32>
      %add3A_1208 = arith.constant 0 : i32
      %add3A_1209 = vector.broadcast %add3A_1208 : i32 to vector<16xi32>
      %add3A_1210 = arith.addi %mul3A_1207, %add3A_1209 : vector<16xi32>
      %gather3A_1211 = tpu.vector_load_idx %arg16[%add3A_1210] : memref<4160xf32, #tpu.memory_space<vmem>>[vector<16xi32>], vector<16xf32>,
      %mul3A_1212 = arith.mulf %add3A_871, %gather3A_1211 : vector<16xf32>
      %add3A_1213 = arith.constant 8 : i32
      %add3A_1214 = vector.broadcast %add3A_1213 : i32 to vector<16xi32>
      %add3A_1215 = arith.addi %mul3A_1207, %add3A_1214 : vector<16xi32>
      %gather3A_1216 = tpu.vector_load_idx %arg16[%add3A_1215] : memref<4160xf32, #tpu.memory_space<vmem>>[vector<16xi32>], vector<16xf32>,
      %mul3A_1217 = arith.mulf %add3A_918, %gather3A_1216 : vector<16xf32>
      %add3A_1218 = arith.addf %mul3A_1212, %mul3A_1217 : vector<16xf32>
      %add3A_1219 = arith.constant 16 : i32
      %add3A_1220 = vector.broadcast %add3A_1219 : i32 to vector<16xi32>
      %add3A_1221 = arith.addi %mul3A_1207, %add3A_1220 : vector<16xi32>
      %gather3A_1222 = tpu.vector_load_idx %arg16[%add3A_1221] : memref<4160xf32, #tpu.memory_space<vmem>>[vector<16xi32>], vector<16xf32>,
      %mul3A_1223 = arith.mulf %add3A_965, %gather3A_1222 : vector<16xf32>
      %add3A_1224 = arith.addf %add3A_1218, %mul3A_1223 : vector<16xf32>
      %add3A_1225 = arith.constant 24 : i32
      %add3A_1226 = vector.broadcast %add3A_1225 : i32 to vector<16xi32>
      %add3A_1227 = arith.addi %mul3A_1207, %add3A_1226 : vector<16xi32>
      %gather3A_1228 = tpu.vector_load_idx %arg16[%add3A_1227] : memref<4160xf32, #tpu.memory_space<vmem>>[vector<16xi32>], vector<16xf32>,
      %mul3A_1229 = arith.mulf %add3A_1012, %gather3A_1228 : vector<16xf32>
      %add3A_1230 = arith.addf %add3A_1224, %mul3A_1229 : vector<16xf32>
      %add3A_1231 = arith.constant 32 : i32
      %add3A_1232 = vector.broadcast %add3A_1231 : i32 to vector<16xi32>
      %add3A_1233 = arith.addi %mul3A_1207, %add3A_1232 : vector<16xi32>
      %gather3A_1234 = tpu.vector_load_idx %arg16[%add3A_1233] : memref<4160xf32, #tpu.memory_space<vmem>>[vector<16xi32>], vector<16xf32>,
      %mul3A_1235 = arith.mulf %add3A_1059, %gather3A_1234 : vector<16xf32>
      %add3A_1236 = arith.addf %add3A_1230, %mul3A_1235 : vector<16xf32>
      %add3A_1237 = arith.constant 40 : i32
      %add3A_1238 = vector.broadcast %add3A_1237 : i32 to vector<16xi32>
      %add3A_1239 = arith.addi %mul3A_1207, %add3A_1238 : vector<16xi32>
      %gather3A_1240 = tpu.vector_load_idx %arg16[%add3A_1239] : memref<4160xf32, #tpu.memory_space<vmem>>[vector<16xi32>], vector<16xf32>,
      %mul3A_1241 = arith.mulf %add3A_1106, %gather3A_1240 : vector<16xf32>
      %add3A_1242 = arith.addf %add3A_1236, %mul3A_1241 : vector<16xf32>
      %add3A_1243 = arith.constant 48 : i32
      %add3A_1244 = vector.broadcast %add3A_1243 : i32 to vector<16xi32>
      %add3A_1245 = arith.addi %mul3A_1207, %add3A_1244 : vector<16xi32>
      %gather3A_1246 = tpu.vector_load_idx %arg16[%add3A_1245] : memref<4160xf32, #tpu.memory_space<vmem>>[vector<16xi32>], vector<16xf32>,
      %mul3A_1247 = arith.mulf %add3A_1153, %gather3A_1246 : vector<16xf32>
      %add3A_1248 = arith.addf %add3A_1242, %mul3A_1247 : vector<16xf32>
      %add3A_1249 = arith.constant 56 : i32
      %add3A_1250 = vector.broadcast %add3A_1249 : i32 to vector<16xi32>
      %add3A_1251 = arith.addi %mul3A_1207, %add3A_1250 : vector<16xi32>
      %gather3A_1252 = tpu.vector_load_idx %arg16[%add3A_1251] : memref<4160xf32, #tpu.memory_space<vmem>>[vector<16xi32>], vector<16xf32>,
      %mul3A_1253 = arith.mulf %add3A_1200, %gather3A_1252 : vector<16xf32>
      %add3A_1254 = arith.addf %add3A_1248, %mul3A_1253 : vector<16xf32>
      %add3A_1255 = arith.constant 1 : i32
      %add3A_1256 = vector.broadcast %add3A_1255 : i32 to vector<16xi32>
      %add3A_1257 = arith.addi %mul3A_1207, %add3A_1256 : vector<16xi32>
      %gather3A_1258 = tpu.vector_load_idx %arg16[%add3A_1257] : memref<4160xf32, #tpu.memory_space<vmem>>[vector<16xi32>], vector<16xf32>,
      %mul3A_1259 = arith.mulf %add3A_871, %gather3A_1258 : vector<16xf32>
      %add3A_1260 = arith.constant 9 : i32
      %add3A_1261 = vector.broadcast %add3A_1260 : i32 to vector<16xi32>
      %add3A_1262 = arith.addi %mul3A_1207, %add3A_1261 : vector<16xi32>
      %gather3A_1263 = tpu.vector_load_idx %arg16[%add3A_1262] : memref<4160xf32, #tpu.memory_space<vmem>>[vector<16xi32>], vector<16xf32>,
      %mul3A_1264 = arith.mulf %add3A_918, %gather3A_1263 : vector<16xf32>
      %add3A_1265 = arith.addf %mul3A_1259, %mul3A_1264 : vector<16xf32>
      %add3A_1266 = arith.constant 17 : i32
      %add3A_1267 = vector.broadcast %add3A_1266 : i32 to vector<16xi32>
      %add3A_1268 = arith.addi %mul3A_1207, %add3A_1267 : vector<16xi32>
      %gather3A_1269 = tpu.vector_load_idx %arg16[%add3A_1268] : memref<4160xf32, #tpu.memory_space<vmem>>[vector<16xi32>], vector<16xf32>,
      %mul3A_1270 = arith.mulf %add3A_965, %gather3A_1269 : vector<16xf32>
      %add3A_1271 = arith.addf %add3A_1265, %mul3A_1270 : vector<16xf32>
      %add3A_1272 = arith.constant 25 : i32
      %add3A_1273 = vector.broadcast %add3A_1272 : i32 to vector<16xi32>
      %add3A_1274 = arith.addi %mul3A_1207, %add3A_1273 : vector<16xi32>
      %gather3A_1275 = tpu.vector_load_idx %arg16[%add3A_1274] : memref<4160xf32, #tpu.memory_space<vmem>>[vector<16xi32>], vector<16xf32>,
      %mul3A_1276 = arith.mulf %add3A_1012, %gather3A_1275 : vector<16xf32>
      %add3A_1277 = arith.addf %add3A_1271, %mul3A_1276 : vector<16xf32>
      %add3A_1278 = arith.constant 33 : i32
      %add3A_1279 = vector.broadcast %add3A_1278 : i32 to vector<16xi32>
      %add3A_1280 = arith.addi %mul3A_1207, %add3A_1279 : vector<16xi32>
      %gather3A_1281 = tpu.vector_load_idx %arg16[%add3A_1280] : memref<4160xf32, #tpu.memory_space<vmem>>[vector<16xi32>], vector<16xf32>,
      %mul3A_1282 = arith.mulf %add3A_1059, %gather3A_1281 : vector<16xf32>
      %add3A_1283 = arith.addf %add3A_1277, %mul3A_1282 : vector<16xf32>
      %add3A_1284 = arith.constant 41 : i32
      %add3A_1285 = vector.broadcast %add3A_1284 : i32 to vector<16xi32>
      %add3A_1286 = arith.addi %mul3A_1207, %add3A_1285 : vector<16xi32>
      %gather3A_1287 = tpu.vector_load_idx %arg16[%add3A_1286] : memref<4160xf32, #tpu.memory_space<vmem>>[vector<16xi32>], vector<16xf32>,
      %mul3A_1288 = arith.mulf %add3A_1106, %gather3A_1287 : vector<16xf32>
      %add3A_1289 = arith.addf %add3A_1283, %mul3A_1288 : vector<16xf32>
      %add3A_1290 = arith.constant 49 : i32
      %add3A_1291 = vector.broadcast %add3A_1290 : i32 to vector<16xi32>
      %add3A_1292 = arith.addi %mul3A_1207, %add3A_1291 : vector<16xi32>
      %gather3A_1293 = tpu.vector_load_idx %arg16[%add3A_1292] : memref<4160xf32, #tpu.memory_space<vmem>>[vector<16xi32>], vector<16xf32>,
      %mul3A_1294 = arith.mulf %add3A_1153, %gather3A_1293 : vector<16xf32>
      %add3A_1295 = arith.addf %add3A_1289, %mul3A_1294 : vector<16xf32>
      %add3A_1296 = arith.constant 57 : i32
      %add3A_1297 = vector.broadcast %add3A_1296 : i32 to vector<16xi32>
      %add3A_1298 = arith.addi %mul3A_1207, %add3A_1297 : vector<16xi32>
      %gather3A_1299 = tpu.vector_load_idx %arg16[%add3A_1298] : memref<4160xf32, #tpu.memory_space<vmem>>[vector<16xi32>], vector<16xf32>,
      %mul3A_1300 = arith.mulf %add3A_1200, %gather3A_1299 : vector<16xf32>
      %add3A_1301 = arith.addf %add3A_1295, %mul3A_1300 : vector<16xf32>
      %add3A_1302 = arith.constant 2 : i32
      %add3A_1303 = vector.broadcast %add3A_1302 : i32 to vector<16xi32>
      %add3A_1304 = arith.addi %mul3A_1207, %add3A_1303 : vector<16xi32>
      %gather3A_1305 = tpu.vector_load_idx %arg16[%add3A_1304] : memref<4160xf32, #tpu.memory_space<vmem>>[vector<16xi32>], vector<16xf32>,
      %mul3A_1306 = arith.mulf %add3A_871, %gather3A_1305 : vector<16xf32>
      %add3A_1307 = arith.constant 10 : i32
      %add3A_1308 = vector.broadcast %add3A_1307 : i32 to vector<16xi32>
      %add3A_1309 = arith.addi %mul3A_1207, %add3A_1308 : vector<16xi32>
      %gather3A_1310 = tpu.vector_load_idx %arg16[%add3A_1309] : memref<4160xf32, #tpu.memory_space<vmem>>[vector<16xi32>], vector<16xf32>,
      %mul3A_1311 = arith.mulf %add3A_918, %gather3A_1310 : vector<16xf32>
      %add3A_1312 = arith.addf %mul3A_1306, %mul3A_1311 : vector<16xf32>
      %add3A_1313 = arith.constant 18 : i32
      %add3A_1314 = vector.broadcast %add3A_1313 : i32 to vector<16xi32>
      %add3A_1315 = arith.addi %mul3A_1207, %add3A_1314 : vector<16xi32>
      %gather3A_1316 = tpu.vector_load_idx %arg16[%add3A_1315] : memref<4160xf32, #tpu.memory_space<vmem>>[vector<16xi32>], vector<16xf32>,
      %mul3A_1317 = arith.mulf %add3A_965, %gather3A_1316 : vector<16xf32>
      %add3A_1318 = arith.addf %add3A_1312, %mul3A_1317 : vector<16xf32>
      %add3A_1319 = arith.constant 26 : i32
      %add3A_1320 = vector.broadcast %add3A_1319 : i32 to vector<16xi32>
      %add3A_1321 = arith.addi %mul3A_1207, %add3A_1320 : vector<16xi32>
      %gather3A_1322 = tpu.vector_load_idx %arg16[%add3A_1321] : memref<4160xf32, #tpu.memory_space<vmem>>[vector<16xi32>], vector<16xf32>,
      %mul3A_1323 = arith.mulf %add3A_1012, %gather3A_1322 : vector<16xf32>
      %add3A_1324 = arith.addf %add3A_1318, %mul3A_1323 : vector<16xf32>
      %add3A_1325 = arith.constant 34 : i32
      %add3A_1326 = vector.broadcast %add3A_1325 : i32 to vector<16xi32>
      %add3A_1327 = arith.addi %mul3A_1207, %add3A_1326 : vector<16xi32>
      %gather3A_1328 = tpu.vector_load_idx %arg16[%add3A_1327] : memref<4160xf32, #tpu.memory_space<vmem>>[vector<16xi32>], vector<16xf32>,
      %mul3A_1329 = arith.mulf %add3A_1059, %gather3A_1328 : vector<16xf32>
      %add3A_1330 = arith.addf %add3A_1324, %mul3A_1329 : vector<16xf32>
      %add3A_1331 = arith.constant 42 : i32
      %add3A_1332 = vector.broadcast %add3A_1331 : i32 to vector<16xi32>
      %add3A_1333 = arith.addi %mul3A_1207, %add3A_1332 : vector<16xi32>
      %gather3A_1334 = tpu.vector_load_idx %arg16[%add3A_1333] : memref<4160xf32, #tpu.memory_space<vmem>>[vector<16xi32>], vector<16xf32>,
      %mul3A_1335 = arith.mulf %add3A_1106, %gather3A_1334 : vector<16xf32>
      %add3A_1336 = arith.addf %add3A_1330, %mul3A_1335 : vector<16xf32>
      %add3A_1337 = arith.constant 50 : i32
      %add3A_1338 = vector.broadcast %add3A_1337 : i32 to vector<16xi32>
      %add3A_1339 = arith.addi %mul3A_1207, %add3A_1338 : vector<16xi32>
      %gather3A_1340 = tpu.vector_load_idx %arg16[%add3A_1339] : memref<4160xf32, #tpu.memory_space<vmem>>[vector<16xi32>], vector<16xf32>,
      %mul3A_1341 = arith.mulf %add3A_1153, %gather3A_1340 : vector<16xf32>
      %add3A_1342 = arith.addf %add3A_1336, %mul3A_1341 : vector<16xf32>
      %add3A_1343 = arith.constant 58 : i32
      %add3A_1344 = vector.broadcast %add3A_1343 : i32 to vector<16xi32>
      %add3A_1345 = arith.addi %mul3A_1207, %add3A_1344 : vector<16xi32>
      %gather3A_1346 = tpu.vector_load_idx %arg16[%add3A_1345] : memref<4160xf32, #tpu.memory_space<vmem>>[vector<16xi32>], vector<16xf32>,
      %mul3A_1347 = arith.mulf %add3A_1200, %gather3A_1346 : vector<16xf32>
      %add3A_1348 = arith.addf %add3A_1342, %mul3A_1347 : vector<16xf32>
      %add3A_1349 = arith.constant 3 : i32
      %add3A_1350 = vector.broadcast %add3A_1349 : i32 to vector<16xi32>
      %add3A_1351 = arith.addi %mul3A_1207, %add3A_1350 : vector<16xi32>
      %gather3A_1352 = tpu.vector_load_idx %arg16[%add3A_1351] : memref<4160xf32, #tpu.memory_space<vmem>>[vector<16xi32>], vector<16xf32>,
      %mul3A_1353 = arith.mulf %add3A_871, %gather3A_1352 : vector<16xf32>
      %add3A_1354 = arith.constant 11 : i32
      %add3A_1355 = vector.broadcast %add3A_1354 : i32 to vector<16xi32>
      %add3A_1356 = arith.addi %mul3A_1207, %add3A_1355 : vector<16xi32>
      %gather3A_1357 = tpu.vector_load_idx %arg16[%add3A_1356] : memref<4160xf32, #tpu.memory_space<vmem>>[vector<16xi32>], vector<16xf32>,
      %mul3A_1358 = arith.mulf %add3A_918, %gather3A_1357 : vector<16xf32>
      %add3A_1359 = arith.addf %mul3A_1353, %mul3A_1358 : vector<16xf32>
      %add3A_1360 = arith.constant 19 : i32
      %add3A_1361 = vector.broadcast %add3A_1360 : i32 to vector<16xi32>
      %add3A_1362 = arith.addi %mul3A_1207, %add3A_1361 : vector<16xi32>
      %gather3A_1363 = tpu.vector_load_idx %arg16[%add3A_1362] : memref<4160xf32, #tpu.memory_space<vmem>>[vector<16xi32>], vector<16xf32>,
      %mul3A_1364 = arith.mulf %add3A_965, %gather3A_1363 : vector<16xf32>
      %add3A_1365 = arith.addf %add3A_1359, %mul3A_1364 : vector<16xf32>
      %add3A_1366 = arith.constant 27 : i32
      %add3A_1367 = vector.broadcast %add3A_1366 : i32 to vector<16xi32>
      %add3A_1368 = arith.addi %mul3A_1207, %add3A_1367 : vector<16xi32>
      %gather3A_1369 = tpu.vector_load_idx %arg16[%add3A_1368] : memref<4160xf32, #tpu.memory_space<vmem>>[vector<16xi32>], vector<16xf32>,
      %mul3A_1370 = arith.mulf %add3A_1012, %gather3A_1369 : vector<16xf32>
      %add3A_1371 = arith.addf %add3A_1365, %mul3A_1370 : vector<16xf32>
      %add3A_1372 = arith.constant 35 : i32
      %add3A_1373 = vector.broadcast %add3A_1372 : i32 to vector<16xi32>
      %add3A_1374 = arith.addi %mul3A_1207, %add3A_1373 : vector<16xi32>
      %gather3A_1375 = tpu.vector_load_idx %arg16[%add3A_1374] : memref<4160xf32, #tpu.memory_space<vmem>>[vector<16xi32>], vector<16xf32>,
      %mul3A_1376 = arith.mulf %add3A_1059, %gather3A_1375 : vector<16xf32>
      %add3A_1377 = arith.addf %add3A_1371, %mul3A_1376 : vector<16xf32>
      %add3A_1378 = arith.constant 43 : i32
      %add3A_1379 = vector.broadcast %add3A_1378 : i32 to vector<16xi32>
      %add3A_1380 = arith.addi %mul3A_1207, %add3A_1379 : vector<16xi32>
      %gather3A_1381 = tpu.vector_load_idx %arg16[%add3A_1380] : memref<4160xf32, #tpu.memory_space<vmem>>[vector<16xi32>], vector<16xf32>,
      %mul3A_1382 = arith.mulf %add3A_1106, %gather3A_1381 : vector<16xf32>
      %add3A_1383 = arith.addf %add3A_1377, %mul3A_1382 : vector<16xf32>
      %add3A_1384 = arith.constant 51 : i32
      %add3A_1385 = vector.broadcast %add3A_1384 : i32 to vector<16xi32>
      %add3A_1386 = arith.addi %mul3A_1207, %add3A_1385 : vector<16xi32>
      %gather3A_1387 = tpu.vector_load_idx %arg16[%add3A_1386] : memref<4160xf32, #tpu.memory_space<vmem>>[vector<16xi32>], vector<16xf32>,
      %mul3A_1388 = arith.mulf %add3A_1153, %gather3A_1387 : vector<16xf32>
      %add3A_1389 = arith.addf %add3A_1383, %mul3A_1388 : vector<16xf32>
      %add3A_1390 = arith.constant 59 : i32
      %add3A_1391 = vector.broadcast %add3A_1390 : i32 to vector<16xi32>
      %add3A_1392 = arith.addi %mul3A_1207, %add3A_1391 : vector<16xi32>
      %gather3A_1393 = tpu.vector_load_idx %arg16[%add3A_1392] : memref<4160xf32, #tpu.memory_space<vmem>>[vector<16xi32>], vector<16xf32>,
      %mul3A_1394 = arith.mulf %add3A_1200, %gather3A_1393 : vector<16xf32>
      %add3A_1395 = arith.addf %add3A_1389, %mul3A_1394 : vector<16xf32>
      %add3A_1396 = arith.constant 4 : i32
      %add3A_1397 = vector.broadcast %add3A_1396 : i32 to vector<16xi32>
      %add3A_1398 = arith.addi %mul3A_1207, %add3A_1397 : vector<16xi32>
      %gather3A_1399 = tpu.vector_load_idx %arg16[%add3A_1398] : memref<4160xf32, #tpu.memory_space<vmem>>[vector<16xi32>], vector<16xf32>,
      %mul3A_1400 = arith.mulf %add3A_871, %gather3A_1399 : vector<16xf32>
      %add3A_1401 = arith.constant 12 : i32
      %add3A_1402 = vector.broadcast %add3A_1401 : i32 to vector<16xi32>
      %add3A_1403 = arith.addi %mul3A_1207, %add3A_1402 : vector<16xi32>
      %gather3A_1404 = tpu.vector_load_idx %arg16[%add3A_1403] : memref<4160xf32, #tpu.memory_space<vmem>>[vector<16xi32>], vector<16xf32>,
      %mul3A_1405 = arith.mulf %add3A_918, %gather3A_1404 : vector<16xf32>
      %add3A_1406 = arith.addf %mul3A_1400, %mul3A_1405 : vector<16xf32>
      %add3A_1407 = arith.constant 20 : i32
      %add3A_1408 = vector.broadcast %add3A_1407 : i32 to vector<16xi32>
      %add3A_1409 = arith.addi %mul3A_1207, %add3A_1408 : vector<16xi32>
      %gather3A_1410 = tpu.vector_load_idx %arg16[%add3A_1409] : memref<4160xf32, #tpu.memory_space<vmem>>[vector<16xi32>], vector<16xf32>,
      %mul3A_1411 = arith.mulf %add3A_965, %gather3A_1410 : vector<16xf32>
      %add3A_1412 = arith.addf %add3A_1406, %mul3A_1411 : vector<16xf32>
      %add3A_1413 = arith.constant 28 : i32
      %add3A_1414 = vector.broadcast %add3A_1413 : i32 to vector<16xi32>
      %add3A_1415 = arith.addi %mul3A_1207, %add3A_1414 : vector<16xi32>
      %gather3A_1416 = tpu.vector_load_idx %arg16[%add3A_1415] : memref<4160xf32, #tpu.memory_space<vmem>>[vector<16xi32>], vector<16xf32>,
      %mul3A_1417 = arith.mulf %add3A_1012, %gather3A_1416 : vector<16xf32>
      %add3A_1418 = arith.addf %add3A_1412, %mul3A_1417 : vector<16xf32>
      %add3A_1419 = arith.constant 36 : i32
      %add3A_1420 = vector.broadcast %add3A_1419 : i32 to vector<16xi32>
      %add3A_1421 = arith.addi %mul3A_1207, %add3A_1420 : vector<16xi32>
      %gather3A_1422 = tpu.vector_load_idx %arg16[%add3A_1421] : memref<4160xf32, #tpu.memory_space<vmem>>[vector<16xi32>], vector<16xf32>,
      %mul3A_1423 = arith.mulf %add3A_1059, %gather3A_1422 : vector<16xf32>
      %add3A_1424 = arith.addf %add3A_1418, %mul3A_1423 : vector<16xf32>
      %add3A_1425 = arith.constant 44 : i32
      %add3A_1426 = vector.broadcast %add3A_1425 : i32 to vector<16xi32>
      %add3A_1427 = arith.addi %mul3A_1207, %add3A_1426 : vector<16xi32>
      %gather3A_1428 = tpu.vector_load_idx %arg16[%add3A_1427] : memref<4160xf32, #tpu.memory_space<vmem>>[vector<16xi32>], vector<16xf32>,
      %mul3A_1429 = arith.mulf %add3A_1106, %gather3A_1428 : vector<16xf32>
      %add3A_1430 = arith.addf %add3A_1424, %mul3A_1429 : vector<16xf32>
      %add3A_1431 = arith.constant 52 : i32
      %add3A_1432 = vector.broadcast %add3A_1431 : i32 to vector<16xi32>
      %add3A_1433 = arith.addi %mul3A_1207, %add3A_1432 : vector<16xi32>
      %gather3A_1434 = tpu.vector_load_idx %arg16[%add3A_1433] : memref<4160xf32, #tpu.memory_space<vmem>>[vector<16xi32>], vector<16xf32>,
      %mul3A_1435 = arith.mulf %add3A_1153, %gather3A_1434 : vector<16xf32>
      %add3A_1436 = arith.addf %add3A_1430, %mul3A_1435 : vector<16xf32>
      %add3A_1437 = arith.constant 60 : i32
      %add3A_1438 = vector.broadcast %add3A_1437 : i32 to vector<16xi32>
      %add3A_1439 = arith.addi %mul3A_1207, %add3A_1438 : vector<16xi32>
      %gather3A_1440 = tpu.vector_load_idx %arg16[%add3A_1439] : memref<4160xf32, #tpu.memory_space<vmem>>[vector<16xi32>], vector<16xf32>,
      %mul3A_1441 = arith.mulf %add3A_1200, %gather3A_1440 : vector<16xf32>
      %add3A_1442 = arith.addf %add3A_1436, %mul3A_1441 : vector<16xf32>
      %add3A_1443 = arith.constant 5 : i32
      %add3A_1444 = vector.broadcast %add3A_1443 : i32 to vector<16xi32>
      %add3A_1445 = arith.addi %mul3A_1207, %add3A_1444 : vector<16xi32>
      %gather3A_1446 = tpu.vector_load_idx %arg16[%add3A_1445] : memref<4160xf32, #tpu.memory_space<vmem>>[vector<16xi32>], vector<16xf32>,
      %mul3A_1447 = arith.mulf %add3A_871, %gather3A_1446 : vector<16xf32>
      %add3A_1448 = arith.constant 13 : i32
      %add3A_1449 = vector.broadcast %add3A_1448 : i32 to vector<16xi32>
      %add3A_1450 = arith.addi %mul3A_1207, %add3A_1449 : vector<16xi32>
      %gather3A_1451 = tpu.vector_load_idx %arg16[%add3A_1450] : memref<4160xf32, #tpu.memory_space<vmem>>[vector<16xi32>], vector<16xf32>,
      %mul3A_1452 = arith.mulf %add3A_918, %gather3A_1451 : vector<16xf32>
      %add3A_1453 = arith.addf %mul3A_1447, %mul3A_1452 : vector<16xf32>
      %add3A_1454 = arith.constant 21 : i32
      %add3A_1455 = vector.broadcast %add3A_1454 : i32 to vector<16xi32>
      %add3A_1456 = arith.addi %mul3A_1207, %add3A_1455 : vector<16xi32>
      %gather3A_1457 = tpu.vector_load_idx %arg16[%add3A_1456] : memref<4160xf32, #tpu.memory_space<vmem>>[vector<16xi32>], vector<16xf32>,
      %mul3A_1458 = arith.mulf %add3A_965, %gather3A_1457 : vector<16xf32>
      %add3A_1459 = arith.addf %add3A_1453, %mul3A_1458 : vector<16xf32>
      %add3A_1460 = arith.constant 29 : i32
      %add3A_1461 = vector.broadcast %add3A_1460 : i32 to vector<16xi32>
      %add3A_1462 = arith.addi %mul3A_1207, %add3A_1461 : vector<16xi32>
      %gather3A_1463 = tpu.vector_load_idx %arg16[%add3A_1462] : memref<4160xf32, #tpu.memory_space<vmem>>[vector<16xi32>], vector<16xf32>,
      %mul3A_1464 = arith.mulf %add3A_1012, %gather3A_1463 : vector<16xf32>
      %add3A_1465 = arith.addf %add3A_1459, %mul3A_1464 : vector<16xf32>
      %add3A_1466 = arith.constant 37 : i32
      %add3A_1467 = vector.broadcast %add3A_1466 : i32 to vector<16xi32>
      %add3A_1468 = arith.addi %mul3A_1207, %add3A_1467 : vector<16xi32>
      %gather3A_1469 = tpu.vector_load_idx %arg16[%add3A_1468] : memref<4160xf32, #tpu.memory_space<vmem>>[vector<16xi32>], vector<16xf32>,
      %mul3A_1470 = arith.mulf %add3A_1059, %gather3A_1469 : vector<16xf32>
      %add3A_1471 = arith.addf %add3A_1465, %mul3A_1470 : vector<16xf32>
      %add3A_1472 = arith.constant 45 : i32
      %add3A_1473 = vector.broadcast %add3A_1472 : i32 to vector<16xi32>
      %add3A_1474 = arith.addi %mul3A_1207, %add3A_1473 : vector<16xi32>
      %gather3A_1475 = tpu.vector_load_idx %arg16[%add3A_1474] : memref<4160xf32, #tpu.memory_space<vmem>>[vector<16xi32>], vector<16xf32>,
      %mul3A_1476 = arith.mulf %add3A_1106, %gather3A_1475 : vector<16xf32>
      %add3A_1477 = arith.addf %add3A_1471, %mul3A_1476 : vector<16xf32>
      %add3A_1478 = arith.constant 53 : i32
      %add3A_1479 = vector.broadcast %add3A_1478 : i32 to vector<16xi32>
      %add3A_1480 = arith.addi %mul3A_1207, %add3A_1479 : vector<16xi32>
      %gather3A_1481 = tpu.vector_load_idx %arg16[%add3A_1480] : memref<4160xf32, #tpu.memory_space<vmem>>[vector<16xi32>], vector<16xf32>,
      %mul3A_1482 = arith.mulf %add3A_1153, %gather3A_1481 : vector<16xf32>
      %add3A_1483 = arith.addf %add3A_1477, %mul3A_1482 : vector<16xf32>
      %add3A_1484 = arith.constant 61 : i32
      %add3A_1485 = vector.broadcast %add3A_1484 : i32 to vector<16xi32>
      %add3A_1486 = arith.addi %mul3A_1207, %add3A_1485 : vector<16xi32>
      %gather3A_1487 = tpu.vector_load_idx %arg16[%add3A_1486] : memref<4160xf32, #tpu.memory_space<vmem>>[vector<16xi32>], vector<16xf32>,
      %mul3A_1488 = arith.mulf %add3A_1200, %gather3A_1487 : vector<16xf32>
      %add3A_1489 = arith.addf %add3A_1483, %mul3A_1488 : vector<16xf32>
      %add3A_1490 = arith.constant 6 : i32
      %add3A_1491 = vector.broadcast %add3A_1490 : i32 to vector<16xi32>
      %add3A_1492 = arith.addi %mul3A_1207, %add3A_1491 : vector<16xi32>
      %gather3A_1493 = tpu.vector_load_idx %arg16[%add3A_1492] : memref<4160xf32, #tpu.memory_space<vmem>>[vector<16xi32>], vector<16xf32>,
      %mul3A_1494 = arith.mulf %add3A_871, %gather3A_1493 : vector<16xf32>
      %add3A_1495 = arith.constant 14 : i32
      %add3A_1496 = vector.broadcast %add3A_1495 : i32 to vector<16xi32>
      %add3A_1497 = arith.addi %mul3A_1207, %add3A_1496 : vector<16xi32>
      %gather3A_1498 = tpu.vector_load_idx %arg16[%add3A_1497] : memref<4160xf32, #tpu.memory_space<vmem>>[vector<16xi32>], vector<16xf32>,
      %mul3A_1499 = arith.mulf %add3A_918, %gather3A_1498 : vector<16xf32>
      %add3A_1500 = arith.addf %mul3A_1494, %mul3A_1499 : vector<16xf32>
      %add3A_1501 = arith.constant 22 : i32
      %add3A_1502 = vector.broadcast %add3A_1501 : i32 to vector<16xi32>
      %add3A_1503 = arith.addi %mul3A_1207, %add3A_1502 : vector<16xi32>
      %gather3A_1504 = tpu.vector_load_idx %arg16[%add3A_1503] : memref<4160xf32, #tpu.memory_space<vmem>>[vector<16xi32>], vector<16xf32>,
      %mul3A_1505 = arith.mulf %add3A_965, %gather3A_1504 : vector<16xf32>
      %add3A_1506 = arith.addf %add3A_1500, %mul3A_1505 : vector<16xf32>
      %add3A_1507 = arith.constant 30 : i32
      %add3A_1508 = vector.broadcast %add3A_1507 : i32 to vector<16xi32>
      %add3A_1509 = arith.addi %mul3A_1207, %add3A_1508 : vector<16xi32>
      %gather3A_1510 = tpu.vector_load_idx %arg16[%add3A_1509] : memref<4160xf32, #tpu.memory_space<vmem>>[vector<16xi32>], vector<16xf32>,
      %mul3A_1511 = arith.mulf %add3A_1012, %gather3A_1510 : vector<16xf32>
      %add3A_1512 = arith.addf %add3A_1506, %mul3A_1511 : vector<16xf32>
      %add3A_1513 = arith.constant 38 : i32
      %add3A_1514 = vector.broadcast %add3A_1513 : i32 to vector<16xi32>
      %add3A_1515 = arith.addi %mul3A_1207, %add3A_1514 : vector<16xi32>
      %gather3A_1516 = tpu.vector_load_idx %arg16[%add3A_1515] : memref<4160xf32, #tpu.memory_space<vmem>>[vector<16xi32>], vector<16xf32>,
      %mul3A_1517 = arith.mulf %add3A_1059, %gather3A_1516 : vector<16xf32>
      %add3A_1518 = arith.addf %add3A_1512, %mul3A_1517 : vector<16xf32>
      %add3A_1519 = arith.constant 46 : i32
      %add3A_1520 = vector.broadcast %add3A_1519 : i32 to vector<16xi32>
      %add3A_1521 = arith.addi %mul3A_1207, %add3A_1520 : vector<16xi32>
      %gather3A_1522 = tpu.vector_load_idx %arg16[%add3A_1521] : memref<4160xf32, #tpu.memory_space<vmem>>[vector<16xi32>], vector<16xf32>,
      %mul3A_1523 = arith.mulf %add3A_1106, %gather3A_1522 : vector<16xf32>
      %add3A_1524 = arith.addf %add3A_1518, %mul3A_1523 : vector<16xf32>
      %add3A_1525 = arith.constant 54 : i32
      %add3A_1526 = vector.broadcast %add3A_1525 : i32 to vector<16xi32>
      %add3A_1527 = arith.addi %mul3A_1207, %add3A_1526 : vector<16xi32>
      %gather3A_1528 = tpu.vector_load_idx %arg16[%add3A_1527] : memref<4160xf32, #tpu.memory_space<vmem>>[vector<16xi32>], vector<16xf32>,
      %mul3A_1529 = arith.mulf %add3A_1153, %gather3A_1528 : vector<16xf32>
      %add3A_1530 = arith.addf %add3A_1524, %mul3A_1529 : vector<16xf32>
      %add3A_1531 = arith.constant 62 : i32
      %add3A_1532 = vector.broadcast %add3A_1531 : i32 to vector<16xi32>
      %add3A_1533 = arith.addi %mul3A_1207, %add3A_1532 : vector<16xi32>
      %gather3A_1534 = tpu.vector_load_idx %arg16[%add3A_1533] : memref<4160xf32, #tpu.memory_space<vmem>>[vector<16xi32>], vector<16xf32>,
      %mul3A_1535 = arith.mulf %add3A_1200, %gather3A_1534 : vector<16xf32>
      %add3A_1536 = arith.addf %add3A_1530, %mul3A_1535 : vector<16xf32>
      %add3A_1537 = arith.constant 7 : i32
      %add3A_1538 = vector.broadcast %add3A_1537 : i32 to vector<16xi32>
      %add3A_1539 = arith.addi %mul3A_1207, %add3A_1538 : vector<16xi32>
      %gather3A_1540 = tpu.vector_load_idx %arg16[%add3A_1539] : memref<4160xf32, #tpu.memory_space<vmem>>[vector<16xi32>], vector<16xf32>,
      %mul3A_1541 = arith.mulf %add3A_871, %gather3A_1540 : vector<16xf32>
      %add3A_1542 = arith.constant 15 : i32
      %add3A_1543 = vector.broadcast %add3A_1542 : i32 to vector<16xi32>
      %add3A_1544 = arith.addi %mul3A_1207, %add3A_1543 : vector<16xi32>
      %gather3A_1545 = tpu.vector_load_idx %arg16[%add3A_1544] : memref<4160xf32, #tpu.memory_space<vmem>>[vector<16xi32>], vector<16xf32>,
      %mul3A_1546 = arith.mulf %add3A_918, %gather3A_1545 : vector<16xf32>
      %add3A_1547 = arith.addf %mul3A_1541, %mul3A_1546 : vector<16xf32>
      %add3A_1548 = arith.constant 23 : i32
      %add3A_1549 = vector.broadcast %add3A_1548 : i32 to vector<16xi32>
      %add3A_1550 = arith.addi %mul3A_1207, %add3A_1549 : vector<16xi32>
      %gather3A_1551 = tpu.vector_load_idx %arg16[%add3A_1550] : memref<4160xf32, #tpu.memory_space<vmem>>[vector<16xi32>], vector<16xf32>,
      %mul3A_1552 = arith.mulf %add3A_965, %gather3A_1551 : vector<16xf32>
      %add3A_1553 = arith.addf %add3A_1547, %mul3A_1552 : vector<16xf32>
      %add3A_1554 = arith.constant 31 : i32
      %add3A_1555 = vector.broadcast %add3A_1554 : i32 to vector<16xi32>
      %add3A_1556 = arith.addi %mul3A_1207, %add3A_1555 : vector<16xi32>
      %gather3A_1557 = tpu.vector_load_idx %arg16[%add3A_1556] : memref<4160xf32, #tpu.memory_space<vmem>>[vector<16xi32>], vector<16xf32>,
      %mul3A_1558 = arith.mulf %add3A_1012, %gather3A_1557 : vector<16xf32>
      %add3A_1559 = arith.addf %add3A_1553, %mul3A_1558 : vector<16xf32>
      %add3A_1560 = arith.constant 39 : i32
      %add3A_1561 = vector.broadcast %add3A_1560 : i32 to vector<16xi32>
      %add3A_1562 = arith.addi %mul3A_1207, %add3A_1561 : vector<16xi32>
      %gather3A_1563 = tpu.vector_load_idx %arg16[%add3A_1562] : memref<4160xf32, #tpu.memory_space<vmem>>[vector<16xi32>], vector<16xf32>,
      %mul3A_1564 = arith.mulf %add3A_1059, %gather3A_1563 : vector<16xf32>
      %add3A_1565 = arith.addf %add3A_1559, %mul3A_1564 : vector<16xf32>
      %add3A_1566 = arith.constant 47 : i32
      %add3A_1567 = vector.broadcast %add3A_1566 : i32 to vector<16xi32>
      %add3A_1568 = arith.addi %mul3A_1207, %add3A_1567 : vector<16xi32>
      %gather3A_1569 = tpu.vector_load_idx %arg16[%add3A_1568] : memref<4160xf32, #tpu.memory_space<vmem>>[vector<16xi32>], vector<16xf32>,
      %mul3A_1570 = arith.mulf %add3A_1106, %gather3A_1569 : vector<16xf32>
      %add3A_1571 = arith.addf %add3A_1565, %mul3A_1570 : vector<16xf32>
      %add3A_1572 = arith.constant 55 : i32
      %add3A_1573 = vector.broadcast %add3A_1572 : i32 to vector<16xi32>
      %add3A_1574 = arith.addi %mul3A_1207, %add3A_1573 : vector<16xi32>
      %gather3A_1575 = tpu.vector_load_idx %arg16[%add3A_1574] : memref<4160xf32, #tpu.memory_space<vmem>>[vector<16xi32>], vector<16xf32>,
      %mul3A_1576 = arith.mulf %add3A_1153, %gather3A_1575 : vector<16xf32>
      %add3A_1577 = arith.addf %add3A_1571, %mul3A_1576 : vector<16xf32>
      %add3A_1578 = arith.constant 63 : i32
      %add3A_1579 = vector.broadcast %add3A_1578 : i32 to vector<16xi32>
      %add3A_1580 = arith.addi %mul3A_1207, %add3A_1579 : vector<16xi32>
      %gather3A_1581 = tpu.vector_load_idx %arg16[%add3A_1580] : memref<4160xf32, #tpu.memory_space<vmem>>[vector<16xi32>], vector<16xf32>,
      %mul3A_1582 = arith.mulf %add3A_1200, %gather3A_1581 : vector<16xf32>
      %add3A_1583 = arith.addf %add3A_1577, %mul3A_1582 : vector<16xf32>
      %add3A_1584 = arith.constant 2560 : i32
      %add3A_1585 = arith.addi %add3A_1584, %mul3A_14 : i32
      %get3A_1586 = arith.index_cast %add3A_1585 : i32 to index
      %get3A_1587 = tpu.vector_load %arg11[%get3A_1586] {strides = array<i32>} : memref<3584xi32, #tpu.memory_space<vmem>>, vector<16xi32>,
      %mul3A_1588 = arith.constant 65 : i32
      %mul3A_1589 = vector.broadcast %mul3A_1588 : i32 to vector<16xi32>
      %mul3A_1590 = arith.muli %get3A_1587, %mul3A_1589 : vector<16xi32>
      %add3A_1591 = arith.constant 0 : i32
      %add3A_1592 = vector.broadcast %add3A_1591 : i32 to vector<16xi32>
      %add3A_1593 = arith.addi %mul3A_1590, %add3A_1592 : vector<16xi32>
      %gather3A_1594 = tpu.vector_load_idx %arg17[%add3A_1593] : memref<4160xf32, #tpu.memory_space<vmem>>[vector<16xi32>], vector<16xf32>,
      %mul3A_1595 = arith.mulf %add3A_1254, %gather3A_1594 : vector<16xf32>
      %add3A_1596 = arith.constant 8 : i32
      %add3A_1597 = vector.broadcast %add3A_1596 : i32 to vector<16xi32>
      %add3A_1598 = arith.addi %mul3A_1590, %add3A_1597 : vector<16xi32>
      %gather3A_1599 = tpu.vector_load_idx %arg17[%add3A_1598] : memref<4160xf32, #tpu.memory_space<vmem>>[vector<16xi32>], vector<16xf32>,
      %mul3A_1600 = arith.mulf %add3A_1301, %gather3A_1599 : vector<16xf32>
      %add3A_1601 = arith.addf %mul3A_1595, %mul3A_1600 : vector<16xf32>
      %add3A_1602 = arith.constant 16 : i32
      %add3A_1603 = vector.broadcast %add3A_1602 : i32 to vector<16xi32>
      %add3A_1604 = arith.addi %mul3A_1590, %add3A_1603 : vector<16xi32>
      %gather3A_1605 = tpu.vector_load_idx %arg17[%add3A_1604] : memref<4160xf32, #tpu.memory_space<vmem>>[vector<16xi32>], vector<16xf32>,
      %mul3A_1606 = arith.mulf %add3A_1348, %gather3A_1605 : vector<16xf32>
      %add3A_1607 = arith.addf %add3A_1601, %mul3A_1606 : vector<16xf32>
      %add3A_1608 = arith.constant 24 : i32
      %add3A_1609 = vector.broadcast %add3A_1608 : i32 to vector<16xi32>
      %add3A_1610 = arith.addi %mul3A_1590, %add3A_1609 : vector<16xi32>
      %gather3A_1611 = tpu.vector_load_idx %arg17[%add3A_1610] : memref<4160xf32, #tpu.memory_space<vmem>>[vector<16xi32>], vector<16xf32>,
      %mul3A_1612 = arith.mulf %add3A_1395, %gather3A_1611 : vector<16xf32>
      %add3A_1613 = arith.addf %add3A_1607, %mul3A_1612 : vector<16xf32>
      %add3A_1614 = arith.constant 32 : i32
      %add3A_1615 = vector.broadcast %add3A_1614 : i32 to vector<16xi32>
      %add3A_1616 = arith.addi %mul3A_1590, %add3A_1615 : vector<16xi32>
      %gather3A_1617 = tpu.vector_load_idx %arg17[%add3A_1616] : memref<4160xf32, #tpu.memory_space<vmem>>[vector<16xi32>], vector<16xf32>,
      %mul3A_1618 = arith.mulf %add3A_1442, %gather3A_1617 : vector<16xf32>
      %add3A_1619 = arith.addf %add3A_1613, %mul3A_1618 : vector<16xf32>
      %add3A_1620 = arith.constant 40 : i32
      %add3A_1621 = vector.broadcast %add3A_1620 : i32 to vector<16xi32>
      %add3A_1622 = arith.addi %mul3A_1590, %add3A_1621 : vector<16xi32>
      %gather3A_1623 = tpu.vector_load_idx %arg17[%add3A_1622] : memref<4160xf32, #tpu.memory_space<vmem>>[vector<16xi32>], vector<16xf32>,
      %mul3A_1624 = arith.mulf %add3A_1489, %gather3A_1623 : vector<16xf32>
      %add3A_1625 = arith.addf %add3A_1619, %mul3A_1624 : vector<16xf32>
      %add3A_1626 = arith.constant 48 : i32
      %add3A_1627 = vector.broadcast %add3A_1626 : i32 to vector<16xi32>
      %add3A_1628 = arith.addi %mul3A_1590, %add3A_1627 : vector<16xi32>
      %gather3A_1629 = tpu.vector_load_idx %arg17[%add3A_1628] : memref<4160xf32, #tpu.memory_space<vmem>>[vector<16xi32>], vector<16xf32>,
      %mul3A_1630 = arith.mulf %add3A_1536, %gather3A_1629 : vector<16xf32>
      %add3A_1631 = arith.addf %add3A_1625, %mul3A_1630 : vector<16xf32>
      %add3A_1632 = arith.constant 56 : i32
      %add3A_1633 = vector.broadcast %add3A_1632 : i32 to vector<16xi32>
      %add3A_1634 = arith.addi %mul3A_1590, %add3A_1633 : vector<16xi32>
      %gather3A_1635 = tpu.vector_load_idx %arg17[%add3A_1634] : memref<4160xf32, #tpu.memory_space<vmem>>[vector<16xi32>], vector<16xf32>,
      %mul3A_1636 = arith.mulf %add3A_1583, %gather3A_1635 : vector<16xf32>
      %add3A_1637 = arith.addf %add3A_1631, %mul3A_1636 : vector<16xf32>
      %add3A_1638 = arith.constant 1 : i32
      %add3A_1639 = vector.broadcast %add3A_1638 : i32 to vector<16xi32>
      %add3A_1640 = arith.addi %mul3A_1590, %add3A_1639 : vector<16xi32>
      %gather3A_1641 = tpu.vector_load_idx %arg17[%add3A_1640] : memref<4160xf32, #tpu.memory_space<vmem>>[vector<16xi32>], vector<16xf32>,
      %mul3A_1642 = arith.mulf %add3A_1254, %gather3A_1641 : vector<16xf32>
      %add3A_1643 = arith.constant 9 : i32
      %add3A_1644 = vector.broadcast %add3A_1643 : i32 to vector<16xi32>
      %add3A_1645 = arith.addi %mul3A_1590, %add3A_1644 : vector<16xi32>
      %gather3A_1646 = tpu.vector_load_idx %arg17[%add3A_1645] : memref<4160xf32, #tpu.memory_space<vmem>>[vector<16xi32>], vector<16xf32>,
      %mul3A_1647 = arith.mulf %add3A_1301, %gather3A_1646 : vector<16xf32>
      %add3A_1648 = arith.addf %mul3A_1642, %mul3A_1647 : vector<16xf32>
      %add3A_1649 = arith.constant 17 : i32
      %add3A_1650 = vector.broadcast %add3A_1649 : i32 to vector<16xi32>
      %add3A_1651 = arith.addi %mul3A_1590, %add3A_1650 : vector<16xi32>
      %gather3A_1652 = tpu.vector_load_idx %arg17[%add3A_1651] : memref<4160xf32, #tpu.memory_space<vmem>>[vector<16xi32>], vector<16xf32>,
      %mul3A_1653 = arith.mulf %add3A_1348, %gather3A_1652 : vector<16xf32>
      %add3A_1654 = arith.addf %add3A_1648, %mul3A_1653 : vector<16xf32>
      %add3A_1655 = arith.constant 25 : i32
      %add3A_1656 = vector.broadcast %add3A_1655 : i32 to vector<16xi32>
      %add3A_1657 = arith.addi %mul3A_1590, %add3A_1656 : vector<16xi32>
      %gather3A_1658 = tpu.vector_load_idx %arg17[%add3A_1657] : memref<4160xf32, #tpu.memory_space<vmem>>[vector<16xi32>], vector<16xf32>,
      %mul3A_1659 = arith.mulf %add3A_1395, %gather3A_1658 : vector<16xf32>
      %add3A_1660 = arith.addf %add3A_1654, %mul3A_1659 : vector<16xf32>
      %add3A_1661 = arith.constant 33 : i32
      %add3A_1662 = vector.broadcast %add3A_1661 : i32 to vector<16xi32>
      %add3A_1663 = arith.addi %mul3A_1590, %add3A_1662 : vector<16xi32>
      %gather3A_1664 = tpu.vector_load_idx %arg17[%add3A_1663] : memref<4160xf32, #tpu.memory_space<vmem>>[vector<16xi32>], vector<16xf32>,
      %mul3A_1665 = arith.mulf %add3A_1442, %gather3A_1664 : vector<16xf32>
      %add3A_1666 = arith.addf %add3A_1660, %mul3A_1665 : vector<16xf32>
      %add3A_1667 = arith.constant 41 : i32
      %add3A_1668 = vector.broadcast %add3A_1667 : i32 to vector<16xi32>
      %add3A_1669 = arith.addi %mul3A_1590, %add3A_1668 : vector<16xi32>
      %gather3A_1670 = tpu.vector_load_idx %arg17[%add3A_1669] : memref<4160xf32, #tpu.memory_space<vmem>>[vector<16xi32>], vector<16xf32>,
      %mul3A_1671 = arith.mulf %add3A_1489, %gather3A_1670 : vector<16xf32>
      %add3A_1672 = arith.addf %add3A_1666, %mul3A_1671 : vector<16xf32>
      %add3A_1673 = arith.constant 49 : i32
      %add3A_1674 = vector.broadcast %add3A_1673 : i32 to vector<16xi32>
      %add3A_1675 = arith.addi %mul3A_1590, %add3A_1674 : vector<16xi32>
      %gather3A_1676 = tpu.vector_load_idx %arg17[%add3A_1675] : memref<4160xf32, #tpu.memory_space<vmem>>[vector<16xi32>], vector<16xf32>,
      %mul3A_1677 = arith.mulf %add3A_1536, %gather3A_1676 : vector<16xf32>
      %add3A_1678 = arith.addf %add3A_1672, %mul3A_1677 : vector<16xf32>
      %add3A_1679 = arith.constant 57 : i32
      %add3A_1680 = vector.broadcast %add3A_1679 : i32 to vector<16xi32>
      %add3A_1681 = arith.addi %mul3A_1590, %add3A_1680 : vector<16xi32>
      %gather3A_1682 = tpu.vector_load_idx %arg17[%add3A_1681] : memref<4160xf32, #tpu.memory_space<vmem>>[vector<16xi32>], vector<16xf32>,
      %mul3A_1683 = arith.mulf %add3A_1583, %gather3A_1682 : vector<16xf32>
      %add3A_1684 = arith.addf %add3A_1678, %mul3A_1683 : vector<16xf32>
      %add3A_1685 = arith.constant 2 : i32
      %add3A_1686 = vector.broadcast %add3A_1685 : i32 to vector<16xi32>
      %add3A_1687 = arith.addi %mul3A_1590, %add3A_1686 : vector<16xi32>
      %gather3A_1688 = tpu.vector_load_idx %arg17[%add3A_1687] : memref<4160xf32, #tpu.memory_space<vmem>>[vector<16xi32>], vector<16xf32>,
      %mul3A_1689 = arith.mulf %add3A_1254, %gather3A_1688 : vector<16xf32>
      %add3A_1690 = arith.constant 10 : i32
      %add3A_1691 = vector.broadcast %add3A_1690 : i32 to vector<16xi32>
      %add3A_1692 = arith.addi %mul3A_1590, %add3A_1691 : vector<16xi32>
      %gather3A_1693 = tpu.vector_load_idx %arg17[%add3A_1692] : memref<4160xf32, #tpu.memory_space<vmem>>[vector<16xi32>], vector<16xf32>,
      %mul3A_1694 = arith.mulf %add3A_1301, %gather3A_1693 : vector<16xf32>
      %add3A_1695 = arith.addf %mul3A_1689, %mul3A_1694 : vector<16xf32>
      %add3A_1696 = arith.constant 18 : i32
      %add3A_1697 = vector.broadcast %add3A_1696 : i32 to vector<16xi32>
      %add3A_1698 = arith.addi %mul3A_1590, %add3A_1697 : vector<16xi32>
      %gather3A_1699 = tpu.vector_load_idx %arg17[%add3A_1698] : memref<4160xf32, #tpu.memory_space<vmem>>[vector<16xi32>], vector<16xf32>,
      %mul3A_1700 = arith.mulf %add3A_1348, %gather3A_1699 : vector<16xf32>
      %add3A_1701 = arith.addf %add3A_1695, %mul3A_1700 : vector<16xf32>
      %add3A_1702 = arith.constant 26 : i32
      %add3A_1703 = vector.broadcast %add3A_1702 : i32 to vector<16xi32>
      %add3A_1704 = arith.addi %mul3A_1590, %add3A_1703 : vector<16xi32>
      %gather3A_1705 = tpu.vector_load_idx %arg17[%add3A_1704] : memref<4160xf32, #tpu.memory_space<vmem>>[vector<16xi32>], vector<16xf32>,
      %mul3A_1706 = arith.mulf %add3A_1395, %gather3A_1705 : vector<16xf32>
      %add3A_1707 = arith.addf %add3A_1701, %mul3A_1706 : vector<16xf32>
      %add3A_1708 = arith.constant 34 : i32
      %add3A_1709 = vector.broadcast %add3A_1708 : i32 to vector<16xi32>
      %add3A_1710 = arith.addi %mul3A_1590, %add3A_1709 : vector<16xi32>
      %gather3A_1711 = tpu.vector_load_idx %arg17[%add3A_1710] : memref<4160xf32, #tpu.memory_space<vmem>>[vector<16xi32>], vector<16xf32>,
      %mul3A_1712 = arith.mulf %add3A_1442, %gather3A_1711 : vector<16xf32>
      %add3A_1713 = arith.addf %add3A_1707, %mul3A_1712 : vector<16xf32>
      %add3A_1714 = arith.constant 42 : i32
      %add3A_1715 = vector.broadcast %add3A_1714 : i32 to vector<16xi32>
      %add3A_1716 = arith.addi %mul3A_1590, %add3A_1715 : vector<16xi32>
      %gather3A_1717 = tpu.vector_load_idx %arg17[%add3A_1716] : memref<4160xf32, #tpu.memory_space<vmem>>[vector<16xi32>], vector<16xf32>,
      %mul3A_1718 = arith.mulf %add3A_1489, %gather3A_1717 : vector<16xf32>
      %add3A_1719 = arith.addf %add3A_1713, %mul3A_1718 : vector<16xf32>
      %add3A_1720 = arith.constant 50 : i32
      %add3A_1721 = vector.broadcast %add3A_1720 : i32 to vector<16xi32>
      %add3A_1722 = arith.addi %mul3A_1590, %add3A_1721 : vector<16xi32>
      %gather3A_1723 = tpu.vector_load_idx %arg17[%add3A_1722] : memref<4160xf32, #tpu.memory_space<vmem>>[vector<16xi32>], vector<16xf32>,
      %mul3A_1724 = arith.mulf %add3A_1536, %gather3A_1723 : vector<16xf32>
      %add3A_1725 = arith.addf %add3A_1719, %mul3A_1724 : vector<16xf32>
      %add3A_1726 = arith.constant 58 : i32
      %add3A_1727 = vector.broadcast %add3A_1726 : i32 to vector<16xi32>
      %add3A_1728 = arith.addi %mul3A_1590, %add3A_1727 : vector<16xi32>
      %gather3A_1729 = tpu.vector_load_idx %arg17[%add3A_1728] : memref<4160xf32, #tpu.memory_space<vmem>>[vector<16xi32>], vector<16xf32>,
      %mul3A_1730 = arith.mulf %add3A_1583, %gather3A_1729 : vector<16xf32>
      %add3A_1731 = arith.addf %add3A_1725, %mul3A_1730 : vector<16xf32>
      %add3A_1732 = arith.constant 3 : i32
      %add3A_1733 = vector.broadcast %add3A_1732 : i32 to vector<16xi32>
      %add3A_1734 = arith.addi %mul3A_1590, %add3A_1733 : vector<16xi32>
      %gather3A_1735 = tpu.vector_load_idx %arg17[%add3A_1734] : memref<4160xf32, #tpu.memory_space<vmem>>[vector<16xi32>], vector<16xf32>,
      %mul3A_1736 = arith.mulf %add3A_1254, %gather3A_1735 : vector<16xf32>
      %add3A_1737 = arith.constant 11 : i32
      %add3A_1738 = vector.broadcast %add3A_1737 : i32 to vector<16xi32>
      %add3A_1739 = arith.addi %mul3A_1590, %add3A_1738 : vector<16xi32>
      %gather3A_1740 = tpu.vector_load_idx %arg17[%add3A_1739] : memref<4160xf32, #tpu.memory_space<vmem>>[vector<16xi32>], vector<16xf32>,
      %mul3A_1741 = arith.mulf %add3A_1301, %gather3A_1740 : vector<16xf32>
      %add3A_1742 = arith.addf %mul3A_1736, %mul3A_1741 : vector<16xf32>
      %add3A_1743 = arith.constant 19 : i32
      %add3A_1744 = vector.broadcast %add3A_1743 : i32 to vector<16xi32>
      %add3A_1745 = arith.addi %mul3A_1590, %add3A_1744 : vector<16xi32>
      %gather3A_1746 = tpu.vector_load_idx %arg17[%add3A_1745] : memref<4160xf32, #tpu.memory_space<vmem>>[vector<16xi32>], vector<16xf32>,
      %mul3A_1747 = arith.mulf %add3A_1348, %gather3A_1746 : vector<16xf32>
      %add3A_1748 = arith.addf %add3A_1742, %mul3A_1747 : vector<16xf32>
      %add3A_1749 = arith.constant 27 : i32
      %add3A_1750 = vector.broadcast %add3A_1749 : i32 to vector<16xi32>
      %add3A_1751 = arith.addi %mul3A_1590, %add3A_1750 : vector<16xi32>
      %gather3A_1752 = tpu.vector_load_idx %arg17[%add3A_1751] : memref<4160xf32, #tpu.memory_space<vmem>>[vector<16xi32>], vector<16xf32>,
      %mul3A_1753 = arith.mulf %add3A_1395, %gather3A_1752 : vector<16xf32>
      %add3A_1754 = arith.addf %add3A_1748, %mul3A_1753 : vector<16xf32>
      %add3A_1755 = arith.constant 35 : i32
      %add3A_1756 = vector.broadcast %add3A_1755 : i32 to vector<16xi32>
      %add3A_1757 = arith.addi %mul3A_1590, %add3A_1756 : vector<16xi32>
      %gather3A_1758 = tpu.vector_load_idx %arg17[%add3A_1757] : memref<4160xf32, #tpu.memory_space<vmem>>[vector<16xi32>], vector<16xf32>,
      %mul3A_1759 = arith.mulf %add3A_1442, %gather3A_1758 : vector<16xf32>
      %add3A_1760 = arith.addf %add3A_1754, %mul3A_1759 : vector<16xf32>
      %add3A_1761 = arith.constant 43 : i32
      %add3A_1762 = vector.broadcast %add3A_1761 : i32 to vector<16xi32>
      %add3A_1763 = arith.addi %mul3A_1590, %add3A_1762 : vector<16xi32>
      %gather3A_1764 = tpu.vector_load_idx %arg17[%add3A_1763] : memref<4160xf32, #tpu.memory_space<vmem>>[vector<16xi32>], vector<16xf32>,
      %mul3A_1765 = arith.mulf %add3A_1489, %gather3A_1764 : vector<16xf32>
      %add3A_1766 = arith.addf %add3A_1760, %mul3A_1765 : vector<16xf32>
      %add3A_1767 = arith.constant 51 : i32
      %add3A_1768 = vector.broadcast %add3A_1767 : i32 to vector<16xi32>
      %add3A_1769 = arith.addi %mul3A_1590, %add3A_1768 : vector<16xi32>
      %gather3A_1770 = tpu.vector_load_idx %arg17[%add3A_1769] : memref<4160xf32, #tpu.memory_space<vmem>>[vector<16xi32>], vector<16xf32>,
      %mul3A_1771 = arith.mulf %add3A_1536, %gather3A_1770 : vector<16xf32>
      %add3A_1772 = arith.addf %add3A_1766, %mul3A_1771 : vector<16xf32>
      %add3A_1773 = arith.constant 59 : i32
      %add3A_1774 = vector.broadcast %add3A_1773 : i32 to vector<16xi32>
      %add3A_1775 = arith.addi %mul3A_1590, %add3A_1774 : vector<16xi32>
      %gather3A_1776 = tpu.vector_load_idx %arg17[%add3A_1775] : memref<4160xf32, #tpu.memory_space<vmem>>[vector<16xi32>], vector<16xf32>,
      %mul3A_1777 = arith.mulf %add3A_1583, %gather3A_1776 : vector<16xf32>
      %add3A_1778 = arith.addf %add3A_1772, %mul3A_1777 : vector<16xf32>
      %add3A_1779 = arith.constant 4 : i32
      %add3A_1780 = vector.broadcast %add3A_1779 : i32 to vector<16xi32>
      %add3A_1781 = arith.addi %mul3A_1590, %add3A_1780 : vector<16xi32>
      %gather3A_1782 = tpu.vector_load_idx %arg17[%add3A_1781] : memref<4160xf32, #tpu.memory_space<vmem>>[vector<16xi32>], vector<16xf32>,
      %mul3A_1783 = arith.mulf %add3A_1254, %gather3A_1782 : vector<16xf32>
      %add3A_1784 = arith.constant 12 : i32
      %add3A_1785 = vector.broadcast %add3A_1784 : i32 to vector<16xi32>
      %add3A_1786 = arith.addi %mul3A_1590, %add3A_1785 : vector<16xi32>
      %gather3A_1787 = tpu.vector_load_idx %arg17[%add3A_1786] : memref<4160xf32, #tpu.memory_space<vmem>>[vector<16xi32>], vector<16xf32>,
      %mul3A_1788 = arith.mulf %add3A_1301, %gather3A_1787 : vector<16xf32>
      %add3A_1789 = arith.addf %mul3A_1783, %mul3A_1788 : vector<16xf32>
      %add3A_1790 = arith.constant 20 : i32
      %add3A_1791 = vector.broadcast %add3A_1790 : i32 to vector<16xi32>
      %add3A_1792 = arith.addi %mul3A_1590, %add3A_1791 : vector<16xi32>
      %gather3A_1793 = tpu.vector_load_idx %arg17[%add3A_1792] : memref<4160xf32, #tpu.memory_space<vmem>>[vector<16xi32>], vector<16xf32>,
      %mul3A_1794 = arith.mulf %add3A_1348, %gather3A_1793 : vector<16xf32>
      %add3A_1795 = arith.addf %add3A_1789, %mul3A_1794 : vector<16xf32>
      %add3A_1796 = arith.constant 28 : i32
      %add3A_1797 = vector.broadcast %add3A_1796 : i32 to vector<16xi32>
      %add3A_1798 = arith.addi %mul3A_1590, %add3A_1797 : vector<16xi32>
      %gather3A_1799 = tpu.vector_load_idx %arg17[%add3A_1798] : memref<4160xf32, #tpu.memory_space<vmem>>[vector<16xi32>], vector<16xf32>,
      %mul3A_1800 = arith.mulf %add3A_1395, %gather3A_1799 : vector<16xf32>
      %add3A_1801 = arith.addf %add3A_1795, %mul3A_1800 : vector<16xf32>
      %add3A_1802 = arith.constant 36 : i32
      %add3A_1803 = vector.broadcast %add3A_1802 : i32 to vector<16xi32>
      %add3A_1804 = arith.addi %mul3A_1590, %add3A_1803 : vector<16xi32>
      %gather3A_1805 = tpu.vector_load_idx %arg17[%add3A_1804] : memref<4160xf32, #tpu.memory_space<vmem>>[vector<16xi32>], vector<16xf32>,
      %mul3A_1806 = arith.mulf %add3A_1442, %gather3A_1805 : vector<16xf32>
      %add3A_1807 = arith.addf %add3A_1801, %mul3A_1806 : vector<16xf32>
      %add3A_1808 = arith.constant 44 : i32
      %add3A_1809 = vector.broadcast %add3A_1808 : i32 to vector<16xi32>
      %add3A_1810 = arith.addi %mul3A_1590, %add3A_1809 : vector<16xi32>
      %gather3A_1811 = tpu.vector_load_idx %arg17[%add3A_1810] : memref<4160xf32, #tpu.memory_space<vmem>>[vector<16xi32>], vector<16xf32>,
      %mul3A_1812 = arith.mulf %add3A_1489, %gather3A_1811 : vector<16xf32>
      %add3A_1813 = arith.addf %add3A_1807, %mul3A_1812 : vector<16xf32>
      %add3A_1814 = arith.constant 52 : i32
      %add3A_1815 = vector.broadcast %add3A_1814 : i32 to vector<16xi32>
      %add3A_1816 = arith.addi %mul3A_1590, %add3A_1815 : vector<16xi32>
      %gather3A_1817 = tpu.vector_load_idx %arg17[%add3A_1816] : memref<4160xf32, #tpu.memory_space<vmem>>[vector<16xi32>], vector<16xf32>,
      %mul3A_1818 = arith.mulf %add3A_1536, %gather3A_1817 : vector<16xf32>
      %add3A_1819 = arith.addf %add3A_1813, %mul3A_1818 : vector<16xf32>
      %add3A_1820 = arith.constant 60 : i32
      %add3A_1821 = vector.broadcast %add3A_1820 : i32 to vector<16xi32>
      %add3A_1822 = arith.addi %mul3A_1590, %add3A_1821 : vector<16xi32>
      %gather3A_1823 = tpu.vector_load_idx %arg17[%add3A_1822] : memref<4160xf32, #tpu.memory_space<vmem>>[vector<16xi32>], vector<16xf32>,
      %mul3A_1824 = arith.mulf %add3A_1583, %gather3A_1823 : vector<16xf32>
      %add3A_1825 = arith.addf %add3A_1819, %mul3A_1824 : vector<16xf32>
      %add3A_1826 = arith.constant 5 : i32
      %add3A_1827 = vector.broadcast %add3A_1826 : i32 to vector<16xi32>
      %add3A_1828 = arith.addi %mul3A_1590, %add3A_1827 : vector<16xi32>
      %gather3A_1829 = tpu.vector_load_idx %arg17[%add3A_1828] : memref<4160xf32, #tpu.memory_space<vmem>>[vector<16xi32>], vector<16xf32>,
      %mul3A_1830 = arith.mulf %add3A_1254, %gather3A_1829 : vector<16xf32>
      %add3A_1831 = arith.constant 13 : i32
      %add3A_1832 = vector.broadcast %add3A_1831 : i32 to vector<16xi32>
      %add3A_1833 = arith.addi %mul3A_1590, %add3A_1832 : vector<16xi32>
      %gather3A_1834 = tpu.vector_load_idx %arg17[%add3A_1833] : memref<4160xf32, #tpu.memory_space<vmem>>[vector<16xi32>], vector<16xf32>,
      %mul3A_1835 = arith.mulf %add3A_1301, %gather3A_1834 : vector<16xf32>
      %add3A_1836 = arith.addf %mul3A_1830, %mul3A_1835 : vector<16xf32>
      %add3A_1837 = arith.constant 21 : i32
      %add3A_1838 = vector.broadcast %add3A_1837 : i32 to vector<16xi32>
      %add3A_1839 = arith.addi %mul3A_1590, %add3A_1838 : vector<16xi32>
      %gather3A_1840 = tpu.vector_load_idx %arg17[%add3A_1839] : memref<4160xf32, #tpu.memory_space<vmem>>[vector<16xi32>], vector<16xf32>,
      %mul3A_1841 = arith.mulf %add3A_1348, %gather3A_1840 : vector<16xf32>
      %add3A_1842 = arith.addf %add3A_1836, %mul3A_1841 : vector<16xf32>
      %add3A_1843 = arith.constant 29 : i32
      %add3A_1844 = vector.broadcast %add3A_1843 : i32 to vector<16xi32>
      %add3A_1845 = arith.addi %mul3A_1590, %add3A_1844 : vector<16xi32>
      %gather3A_1846 = tpu.vector_load_idx %arg17[%add3A_1845] : memref<4160xf32, #tpu.memory_space<vmem>>[vector<16xi32>], vector<16xf32>,
      %mul3A_1847 = arith.mulf %add3A_1395, %gather3A_1846 : vector<16xf32>
      %add3A_1848 = arith.addf %add3A_1842, %mul3A_1847 : vector<16xf32>
      %add3A_1849 = arith.constant 37 : i32
      %add3A_1850 = vector.broadcast %add3A_1849 : i32 to vector<16xi32>
      %add3A_1851 = arith.addi %mul3A_1590, %add3A_1850 : vector<16xi32>
      %gather3A_1852 = tpu.vector_load_idx %arg17[%add3A_1851] : memref<4160xf32, #tpu.memory_space<vmem>>[vector<16xi32>], vector<16xf32>,
      %mul3A_1853 = arith.mulf %add3A_1442, %gather3A_1852 : vector<16xf32>
      %add3A_1854 = arith.addf %add3A_1848, %mul3A_1853 : vector<16xf32>
      %add3A_1855 = arith.constant 45 : i32
      %add3A_1856 = vector.broadcast %add3A_1855 : i32 to vector<16xi32>
      %add3A_1857 = arith.addi %mul3A_1590, %add3A_1856 : vector<16xi32>
      %gather3A_1858 = tpu.vector_load_idx %arg17[%add3A_1857] : memref<4160xf32, #tpu.memory_space<vmem>>[vector<16xi32>], vector<16xf32>,
      %mul3A_1859 = arith.mulf %add3A_1489, %gather3A_1858 : vector<16xf32>
      %add3A_1860 = arith.addf %add3A_1854, %mul3A_1859 : vector<16xf32>
      %add3A_1861 = arith.constant 53 : i32
      %add3A_1862 = vector.broadcast %add3A_1861 : i32 to vector<16xi32>
      %add3A_1863 = arith.addi %mul3A_1590, %add3A_1862 : vector<16xi32>
      %gather3A_1864 = tpu.vector_load_idx %arg17[%add3A_1863] : memref<4160xf32, #tpu.memory_space<vmem>>[vector<16xi32>], vector<16xf32>,
      %mul3A_1865 = arith.mulf %add3A_1536, %gather3A_1864 : vector<16xf32>
      %add3A_1866 = arith.addf %add3A_1860, %mul3A_1865 : vector<16xf32>
      %add3A_1867 = arith.constant 61 : i32
      %add3A_1868 = vector.broadcast %add3A_1867 : i32 to vector<16xi32>
      %add3A_1869 = arith.addi %mul3A_1590, %add3A_1868 : vector<16xi32>
      %gather3A_1870 = tpu.vector_load_idx %arg17[%add3A_1869] : memref<4160xf32, #tpu.memory_space<vmem>>[vector<16xi32>], vector<16xf32>,
      %mul3A_1871 = arith.mulf %add3A_1583, %gather3A_1870 : vector<16xf32>
      %add3A_1872 = arith.addf %add3A_1866, %mul3A_1871 : vector<16xf32>
      %add3A_1873 = arith.constant 6 : i32
      %add3A_1874 = vector.broadcast %add3A_1873 : i32 to vector<16xi32>
      %add3A_1875 = arith.addi %mul3A_1590, %add3A_1874 : vector<16xi32>
      %gather3A_1876 = tpu.vector_load_idx %arg17[%add3A_1875] : memref<4160xf32, #tpu.memory_space<vmem>>[vector<16xi32>], vector<16xf32>,
      %mul3A_1877 = arith.mulf %add3A_1254, %gather3A_1876 : vector<16xf32>
      %add3A_1878 = arith.constant 14 : i32
      %add3A_1879 = vector.broadcast %add3A_1878 : i32 to vector<16xi32>
      %add3A_1880 = arith.addi %mul3A_1590, %add3A_1879 : vector<16xi32>
      %gather3A_1881 = tpu.vector_load_idx %arg17[%add3A_1880] : memref<4160xf32, #tpu.memory_space<vmem>>[vector<16xi32>], vector<16xf32>,
      %mul3A_1882 = arith.mulf %add3A_1301, %gather3A_1881 : vector<16xf32>
      %add3A_1883 = arith.addf %mul3A_1877, %mul3A_1882 : vector<16xf32>
      %add3A_1884 = arith.constant 22 : i32
      %add3A_1885 = vector.broadcast %add3A_1884 : i32 to vector<16xi32>
      %add3A_1886 = arith.addi %mul3A_1590, %add3A_1885 : vector<16xi32>
      %gather3A_1887 = tpu.vector_load_idx %arg17[%add3A_1886] : memref<4160xf32, #tpu.memory_space<vmem>>[vector<16xi32>], vector<16xf32>,
      %mul3A_1888 = arith.mulf %add3A_1348, %gather3A_1887 : vector<16xf32>
      %add3A_1889 = arith.addf %add3A_1883, %mul3A_1888 : vector<16xf32>
      %add3A_1890 = arith.constant 30 : i32
      %add3A_1891 = vector.broadcast %add3A_1890 : i32 to vector<16xi32>
      %add3A_1892 = arith.addi %mul3A_1590, %add3A_1891 : vector<16xi32>
      %gather3A_1893 = tpu.vector_load_idx %arg17[%add3A_1892] : memref<4160xf32, #tpu.memory_space<vmem>>[vector<16xi32>], vector<16xf32>,
      %mul3A_1894 = arith.mulf %add3A_1395, %gather3A_1893 : vector<16xf32>
      %add3A_1895 = arith.addf %add3A_1889, %mul3A_1894 : vector<16xf32>
      %add3A_1896 = arith.constant 38 : i32
      %add3A_1897 = vector.broadcast %add3A_1896 : i32 to vector<16xi32>
      %add3A_1898 = arith.addi %mul3A_1590, %add3A_1897 : vector<16xi32>
      %gather3A_1899 = tpu.vector_load_idx %arg17[%add3A_1898] : memref<4160xf32, #tpu.memory_space<vmem>>[vector<16xi32>], vector<16xf32>,
      %mul3A_1900 = arith.mulf %add3A_1442, %gather3A_1899 : vector<16xf32>
      %add3A_1901 = arith.addf %add3A_1895, %mul3A_1900 : vector<16xf32>
      %add3A_1902 = arith.constant 46 : i32
      %add3A_1903 = vector.broadcast %add3A_1902 : i32 to vector<16xi32>
      %add3A_1904 = arith.addi %mul3A_1590, %add3A_1903 : vector<16xi32>
      %gather3A_1905 = tpu.vector_load_idx %arg17[%add3A_1904] : memref<4160xf32, #tpu.memory_space<vmem>>[vector<16xi32>], vector<16xf32>,
      %mul3A_1906 = arith.mulf %add3A_1489, %gather3A_1905 : vector<16xf32>
      %add3A_1907 = arith.addf %add3A_1901, %mul3A_1906 : vector<16xf32>
      %add3A_1908 = arith.constant 54 : i32
      %add3A_1909 = vector.broadcast %add3A_1908 : i32 to vector<16xi32>
      %add3A_1910 = arith.addi %mul3A_1590, %add3A_1909 : vector<16xi32>
      %gather3A_1911 = tpu.vector_load_idx %arg17[%add3A_1910] : memref<4160xf32, #tpu.memory_space<vmem>>[vector<16xi32>], vector<16xf32>,
      %mul3A_1912 = arith.mulf %add3A_1536, %gather3A_1911 : vector<16xf32>
      %add3A_1913 = arith.addf %add3A_1907, %mul3A_1912 : vector<16xf32>
      %add3A_1914 = arith.constant 62 : i32
      %add3A_1915 = vector.broadcast %add3A_1914 : i32 to vector<16xi32>
      %add3A_1916 = arith.addi %mul3A_1590, %add3A_1915 : vector<16xi32>
      %gather3A_1917 = tpu.vector_load_idx %arg17[%add3A_1916] : memref<4160xf32, #tpu.memory_space<vmem>>[vector<16xi32>], vector<16xf32>,
      %mul3A_1918 = arith.mulf %add3A_1583, %gather3A_1917 : vector<16xf32>
      %add3A_1919 = arith.addf %add3A_1913, %mul3A_1918 : vector<16xf32>
      %add3A_1920 = arith.constant 7 : i32
      %add3A_1921 = vector.broadcast %add3A_1920 : i32 to vector<16xi32>
      %add3A_1922 = arith.addi %mul3A_1590, %add3A_1921 : vector<16xi32>
      %gather3A_1923 = tpu.vector_load_idx %arg17[%add3A_1922] : memref<4160xf32, #tpu.memory_space<vmem>>[vector<16xi32>], vector<16xf32>,
      %mul3A_1924 = arith.mulf %add3A_1254, %gather3A_1923 : vector<16xf32>
      %add3A_1925 = arith.constant 15 : i32
      %add3A_1926 = vector.broadcast %add3A_1925 : i32 to vector<16xi32>
      %add3A_1927 = arith.addi %mul3A_1590, %add3A_1926 : vector<16xi32>
      %gather3A_1928 = tpu.vector_load_idx %arg17[%add3A_1927] : memref<4160xf32, #tpu.memory_space<vmem>>[vector<16xi32>], vector<16xf32>,
      %mul3A_1929 = arith.mulf %add3A_1301, %gather3A_1928 : vector<16xf32>
      %add3A_1930 = arith.addf %mul3A_1924, %mul3A_1929 : vector<16xf32>
      %add3A_1931 = arith.constant 23 : i32
      %add3A_1932 = vector.broadcast %add3A_1931 : i32 to vector<16xi32>
      %add3A_1933 = arith.addi %mul3A_1590, %add3A_1932 : vector<16xi32>
      %gather3A_1934 = tpu.vector_load_idx %arg17[%add3A_1933] : memref<4160xf32, #tpu.memory_space<vmem>>[vector<16xi32>], vector<16xf32>,
      %mul3A_1935 = arith.mulf %add3A_1348, %gather3A_1934 : vector<16xf32>
      %add3A_1936 = arith.addf %add3A_1930, %mul3A_1935 : vector<16xf32>
      %add3A_1937 = arith.constant 31 : i32
      %add3A_1938 = vector.broadcast %add3A_1937 : i32 to vector<16xi32>
      %add3A_1939 = arith.addi %mul3A_1590, %add3A_1938 : vector<16xi32>
      %gather3A_1940 = tpu.vector_load_idx %arg17[%add3A_1939] : memref<4160xf32, #tpu.memory_space<vmem>>[vector<16xi32>], vector<16xf32>,
      %mul3A_1941 = arith.mulf %add3A_1395, %gather3A_1940 : vector<16xf32>
      %add3A_1942 = arith.addf %add3A_1936, %mul3A_1941 : vector<16xf32>
      %add3A_1943 = arith.constant 39 : i32
      %add3A_1944 = vector.broadcast %add3A_1943 : i32 to vector<16xi32>
      %add3A_1945 = arith.addi %mul3A_1590, %add3A_1944 : vector<16xi32>
      %gather3A_1946 = tpu.vector_load_idx %arg17[%add3A_1945] : memref<4160xf32, #tpu.memory_space<vmem>>[vector<16xi32>], vector<16xf32>,
      %mul3A_1947 = arith.mulf %add3A_1442, %gather3A_1946 : vector<16xf32>
      %add3A_1948 = arith.addf %add3A_1942, %mul3A_1947 : vector<16xf32>
      %add3A_1949 = arith.constant 47 : i32
      %add3A_1950 = vector.broadcast %add3A_1949 : i32 to vector<16xi32>
      %add3A_1951 = arith.addi %mul3A_1590, %add3A_1950 : vector<16xi32>
      %gather3A_1952 = tpu.vector_load_idx %arg17[%add3A_1951] : memref<4160xf32, #tpu.memory_space<vmem>>[vector<16xi32>], vector<16xf32>,
      %mul3A_1953 = arith.mulf %add3A_1489, %gather3A_1952 : vector<16xf32>
      %add3A_1954 = arith.addf %add3A_1948, %mul3A_1953 : vector<16xf32>
      %add3A_1955 = arith.constant 55 : i32
      %add3A_1956 = vector.broadcast %add3A_1955 : i32 to vector<16xi32>
      %add3A_1957 = arith.addi %mul3A_1590, %add3A_1956 : vector<16xi32>
      %gather3A_1958 = tpu.vector_load_idx %arg17[%add3A_1957] : memref<4160xf32, #tpu.memory_space<vmem>>[vector<16xi32>], vector<16xf32>,
      %mul3A_1959 = arith.mulf %add3A_1536, %gather3A_1958 : vector<16xf32>
      %add3A_1960 = arith.addf %add3A_1954, %mul3A_1959 : vector<16xf32>
      %add3A_1961 = arith.constant 63 : i32
      %add3A_1962 = vector.broadcast %add3A_1961 : i32 to vector<16xi32>
      %add3A_1963 = arith.addi %mul3A_1590, %add3A_1962 : vector<16xi32>
      %gather3A_1964 = tpu.vector_load_idx %arg17[%add3A_1963] : memref<4160xf32, #tpu.memory_space<vmem>>[vector<16xi32>], vector<16xf32>,
      %mul3A_1965 = arith.mulf %add3A_1583, %gather3A_1964 : vector<16xf32>
      %add3A_1966 = arith.addf %add3A_1960, %mul3A_1965 : vector<16xf32>
      %add3A_1967 = arith.constant 3072 : i32
      %add3A_1968 = arith.addi %add3A_1967, %mul3A_14 : i32
      %get3A_1969 = arith.index_cast %add3A_1968 : i32 to index
      %get3A_1970 = tpu.vector_load %arg11[%get3A_1969] {strides = array<i32>} : memref<3584xi32, #tpu.memory_space<vmem>>, vector<16xi32>,
      %mul3A_1971 = arith.constant 9 : i32
      %mul3A_1972 = vector.broadcast %mul3A_1971 : i32 to vector<16xi32>
      %mul3A_1973 = arith.muli %get3A_1970, %mul3A_1972 : vector<16xi32>
      %add3A_1974 = arith.constant 0 : i32
      %add3A_1975 = vector.broadcast %add3A_1974 : i32 to vector<16xi32>
      %add3A_1976 = arith.addi %mul3A_1973, %add3A_1975 : vector<16xi32>
      %gather3A_1977 = tpu.vector_load_idx %arg18[%add3A_1976] : memref<576xf32, #tpu.memory_space<vmem>>[vector<16xi32>], vector<16xf32>,
      %mul3A_1978 = arith.mulf %add3A_1637, %gather3A_1977 : vector<16xf32>
      %add3A_1979 = arith.constant 1 : i32
      %add3A_1980 = vector.broadcast %add3A_1979 : i32 to vector<16xi32>
      %add3A_1981 = arith.addi %mul3A_1973, %add3A_1980 : vector<16xi32>
      %gather3A_1982 = tpu.vector_load_idx %arg18[%add3A_1981] : memref<576xf32, #tpu.memory_space<vmem>>[vector<16xi32>], vector<16xf32>,
      %mul3A_1983 = arith.mulf %add3A_1684, %gather3A_1982 : vector<16xf32>
      %add3A_1984 = arith.addf %mul3A_1978, %mul3A_1983 : vector<16xf32>
      %add3A_1985 = arith.constant 2 : i32
      %add3A_1986 = vector.broadcast %add3A_1985 : i32 to vector<16xi32>
      %add3A_1987 = arith.addi %mul3A_1973, %add3A_1986 : vector<16xi32>
      %gather3A_1988 = tpu.vector_load_idx %arg18[%add3A_1987] : memref<576xf32, #tpu.memory_space<vmem>>[vector<16xi32>], vector<16xf32>,
      %mul3A_1989 = arith.mulf %add3A_1731, %gather3A_1988 : vector<16xf32>
      %add3A_1990 = arith.addf %add3A_1984, %mul3A_1989 : vector<16xf32>
      %add3A_1991 = arith.constant 3 : i32
      %add3A_1992 = vector.broadcast %add3A_1991 : i32 to vector<16xi32>
      %add3A_1993 = arith.addi %mul3A_1973, %add3A_1992 : vector<16xi32>
      %gather3A_1994 = tpu.vector_load_idx %arg18[%add3A_1993] : memref<576xf32, #tpu.memory_space<vmem>>[vector<16xi32>], vector<16xf32>,
      %mul3A_1995 = arith.mulf %add3A_1778, %gather3A_1994 : vector<16xf32>
      %add3A_1996 = arith.addf %add3A_1990, %mul3A_1995 : vector<16xf32>
      %add3A_1997 = arith.constant 4 : i32
      %add3A_1998 = vector.broadcast %add3A_1997 : i32 to vector<16xi32>
      %add3A_1999 = arith.addi %mul3A_1973, %add3A_1998 : vector<16xi32>
      %gather3A_2000 = tpu.vector_load_idx %arg18[%add3A_1999] : memref<576xf32, #tpu.memory_space<vmem>>[vector<16xi32>], vector<16xf32>,
      %mul3A_2001 = arith.mulf %add3A_1825, %gather3A_2000 : vector<16xf32>
      %add3A_2002 = arith.addf %add3A_1996, %mul3A_2001 : vector<16xf32>
      %add3A_2003 = arith.constant 5 : i32
      %add3A_2004 = vector.broadcast %add3A_2003 : i32 to vector<16xi32>
      %add3A_2005 = arith.addi %mul3A_1973, %add3A_2004 : vector<16xi32>
      %gather3A_2006 = tpu.vector_load_idx %arg18[%add3A_2005] : memref<576xf32, #tpu.memory_space<vmem>>[vector<16xi32>], vector<16xf32>,
      %mul3A_2007 = arith.mulf %add3A_1872, %gather3A_2006 : vector<16xf32>
      %add3A_2008 = arith.addf %add3A_2002, %mul3A_2007 : vector<16xf32>
      %add3A_2009 = arith.constant 6 : i32
      %add3A_2010 = vector.broadcast %add3A_2009 : i32 to vector<16xi32>
      %add3A_2011 = arith.addi %mul3A_1973, %add3A_2010 : vector<16xi32>
      %gather3A_2012 = tpu.vector_load_idx %arg18[%add3A_2011] : memref<576xf32, #tpu.memory_space<vmem>>[vector<16xi32>], vector<16xf32>,
      %mul3A_2013 = arith.mulf %add3A_1919, %gather3A_2012 : vector<16xf32>
      %add3A_2014 = arith.addf %add3A_2008, %mul3A_2013 : vector<16xf32>
      %add3A_2015 = arith.constant 7 : i32
      %add3A_2016 = vector.broadcast %add3A_2015 : i32 to vector<16xi32>
      %add3A_2017 = arith.addi %mul3A_1973, %add3A_2016 : vector<16xi32>
      %gather3A_2018 = tpu.vector_load_idx %arg18[%add3A_2017] : memref<576xf32, #tpu.memory_space<vmem>>[vector<16xi32>], vector<16xf32>,
      %mul3A_2019 = arith.mulf %add3A_1966, %gather3A_2018 : vector<16xf32>
      %add3A_2020 = arith.addf %add3A_2014, %mul3A_2019 : vector<16xf32>
      %swap3A = arith.index_cast %mul3A_14 : i32 to index
      %swap3A_2021 = tpu.vector_load %arg19[%swap3A] {strides = array<i32>} : memref<512xf32, #tpu.memory_space<vmem>>, vector<16xf32>,
      tpu.vector_store %arg19[%swap3A], %add3A_2020 {strides = array<i32>} : memref<512xf32, #tpu.memory_space<vmem>>, vector<16xf32>,
    }
    %scan3A_11 = arith.constant 32 : i32
    "tpu.region"() ({
      %run_scoped3A = tpu.sem_alloc : memref<!tpu.dma_semaphore, #tpu.memory_space<semaphore_mem>>
      %dma_start3A_12 = tpu.memref_slice %arg10[%mul3A_2] : memref<16384xf32, #tpu.memory_space<hbm>> -> memref<512xf32, #tpu.memory_space<hbm>>
      %dma_start3A_13 = tpu.memref_slice %arg10[%mul3A_2] : memref<16384xf32, #tpu.memory_space<hbm>> -> memref<512xf32, #tpu.memory_space<hbm>>
      tpu.enqueue_dma source(%arg19 : memref<512xf32, #tpu.memory_space<vmem>>) target(%dma_start3A_13 : memref<512xf32, #tpu.memory_space<hbm>>) target_semaphore(%run_scoped3A : memref<!tpu.dma_semaphore, #tpu.memory_space<semaphore_mem>>)
      %dma_wait3A_14 = tpu.memref_slice %arg10[%mul3A_2] : memref<16384xf32, #tpu.memory_space<hbm>> -> memref<512xf32, #tpu.memory_space<hbm>>
      %dma_wait3A_15 = tpu.memref_slice %arg10[%mul3A_2] : memref<16384xf32, #tpu.memory_space<hbm>> -> memref<512xf32, #tpu.memory_space<hbm>>
      tpu.wait_dma2 semaphore(%run_scoped3A : memref<!tpu.dma_semaphore, #tpu.memory_space<semaphore_mem>>) src(%arg19 : memref<512xf32, #tpu.memory_space<vmem>>) dst(%dma_wait3A_15 : memref<512xf32, #tpu.memory_space<hbm>>)
      tpu.yield
    }) : () -> ()
    return
  }
}

</mosaic_0001>

<sc_bundles>
// kernel: kernel.3.cloned.1.call-start
scs
__scs_entry_jumppad:
0x0: {  	(pc) =	sbr.rel $0x88, $3  }
0x1: {  	(tag) =	ssettag $0x0;
	lr =	simm.s32 $0x1  }
0x2: {  	[smem:$0x3F98] =	sst lr;
	_ =	strace $0xD0000000  }
0x3: {  	_ = 	snop  }
0x4: {  	_ = 	snop  }
0x5: {  	_ = 	snop  }
0x6: {  	_ = 	snop  }
0x7: {  	_ = 	snop  }
__scs_overlays_trampoline_lowered:
0x8: {  	[smem:$0x3FA7] =	sst s0  }
0x9: {  	[smem:$0x3FA8] =	sst s1  }
0xa: {  	[smem:$0x3FA9] =	sst s2  }
0xb: {  	[smem:$0x3FAA] =	sst s3  }
0xc: {  	[smem:$0x3FAB] =	sst s4  }
0xd: {  	[smem:$0x3FAC] =	sst s5  }
0xe: {  	[smem:$0x3FAD] =	sst s6  }
0xf: {  	[smem:$0x3FAE] =	sst s7  }
0x10: {  	[smem:$0x3FAF] =	sst s8  }
0x11: {  	[smem:$0x3FB0] =	sst s9;
	s0 =	simm.s32 @!p0 $0x0  }
0x12: {  	s1 =	sld [smem:$0x3F96];
	s0 =	simm.s32 @p0 $0x1  }
0x13: {  	[smem:$0x3FB1] =	sst s0;
	s0 =	simm.s32 @!p1 $0x0  }
0x14: {  	s2 =	sld [smem:$0x3F95];
	s0 =	simm.s32 @p1 $0x1  }
0x15: {  	[smem:$0x3FB2] =	sst s0;
	s0 =	simm.s32 @!p2 $0x0  }
0x16: {  	s3 =	sld [smem:$0x3FDB];
	s0 =	simm.s32 @p2 $0x1  }
0x17: {  	s4 =	simm.s32 $0x1BF5;
	[smem:$0x3FB4] =	sst s0  }
0x18: {  	s0 =	sld [smem:$0x3F97];
	_ =	swait.ge [sflag:s4], $0x0  }
0x19: {  	s7 =	sld [smem:$0x3F98]  }
0x1a: {  	s8 =	sadd.s32 $0xFFFFE003, lr  }
0x1b: {  	s9 =	sadd.s32 $0xFFFFFEF7, lr;
	s5 =	simm.s32 $0xFFFFFFFF;
	p2 =	slt.u32 s8, $0xFFFFF086  }
0x1c: {  	p1 =	slt.u32 s9, $0xF7A;
	s5 =	simm.s32 @!p2 $0x0  }
0x1d: {  	s5 =	simm.s32 @p1 $0x1;
	p0 =	seq.s32 s7, s2  }
0x1e: {  	s7 =	smul.u32 @!p0 $0xF7A, s2;
	p2 =	seq.s32 @!p0 s5, $0x0  }
0x1f: {  	s9 =	smul.u32 $0xF7A, s1;
	s8 =	simm.s32 @!p0 $0x1BF5;
	p2 =	por !p2, p0  }
0x20: {  	[sflag:s8] =	ssyncset.s32 @!p0 $0xFFFFF086;
	s6 =	sadd.s32 @!p0 s3, s7;
	s7 =	simm.s32 @!p0 $0x108  }
0x21: {  	s3 =	sadd.s32 s3, s9;
	s6 =	sadd.s32 @!p0 $0x88, s6;
	s7 =	simm.s32 @p2 $0x1082  }
0x22: {  	[simem:s7], [sflag:s8] =	dma.local @!p0 [hbm:s6], $0xF7A  }
0x23: {  	s9 =	sor.u32 $0xD0000000, s2;
	s6 =	simm.s32 $0x108;
	_ =	swait.ge @!p0 [sflag:s8], $0x0  }
0x24: {  	s3 =	sadd.s32 $0x88, s3;
	s6 =	simm.s32 @!p1 $0x1082;
	[sflag:s4] =	ssyncset.s32 $0xFFFFF086  }
0x25: {  	[simem:s6], [sflag:s4] =	dma.local [hbm:s3], $0xF7A  }
0x26: {  	[smem:$0x3F98] =	sst s1;
	(tag) =	ssettag s2;
	_ =	strace s9  }
0x27: {  	s1 =	sld [smem:$0x3FA8]  }
0x28: {  	s2 =	sld [smem:$0x3FA9]  }
0x29: {  	s4 =	sld [smem:$0x3FAB]  }
0x2a: {  	p0 =	seq.s32 s5, $0x0;
	s5 =	sld [smem:$0x3FAC]  }
0x2b: {  	s6 =	sld [smem:$0x3FAD]  }
0x2c: {  	s7 =	sld [smem:$0x3FAE]  }
0x2d: {  	s3 =	simm.s32 $0x108;
	s8 =	sld [smem:$0x3FAF]  }
0x2e: {  	s3 =	simm.s32 @!p0 $0x1082;
	s9 =	sld [smem:$0x3FB0]  }
0x2f: {  	lr =	sadd.s32 s0, s3;
	s0 =	sld [smem:$0x3FA7]  }
0x30: {  	s3 =	sld [smem:$0x3FAA]  }
0x31: {  	[smem:$0x3FB3] =	sst s10  }
0x32: {  	s10 =	sld [smem:$0x3FB1];
	_ =	sdelay $0x3  }
0x33: {  	p0 =	seq.s32 s10, $0x1;
	s10 =	sld [smem:$0x3FB3];
	_ =	sdelay $0x3  }
0x34: {  	[smem:$0x3FB3] =	sst s10  }
0x35: {  	s10 =	sld [smem:$0x3FB2];
	_ =	sdelay $0x3  }
0x36: {  	p1 =	seq.s32 s10, $0x1;
	s10 =	sld [smem:$0x3FB3];
	_ =	sdelay $0x3  }
0x37: {  	[smem:$0x3FB3] =	sst s10  }
0x38: {  	s10 =	sld [smem:$0x3FB4]  }
0x39: {  	_ = 	snop;
	(pc) =	sbr.ind lr, $3  }
0x3a: {  	_ = 	snop  }
0x3b: {  	_ = 	snop  }
0x3c: {  	p2 =	seq.s32 s10, $0x1;
	s10 =	sld [smem:$0x3FB3]  }
0x3d: {  	_ =	shalt  }
0x3e: {  	_ =	shalt  }
0x3f: {  	_ =	shalt  }
0x40: {  	_ =	shalt  }
0x41: {  	_ =	shalt  }
0x42: {  	_ =	shalt  }
0x43: {  	_ =	shalt  }
0x44: {  	_ =	shalt  }
0x45: {  	_ =	shalt  }
0x46: {  	_ =	shalt  }
0x47: {  	_ =	shalt  }
0x48: {  	_ =	shalt  }
0x49: {  	_ =	shalt  }
0x4a: {  	_ =	shalt  }
0x4b: {  	_ =	shalt  }
0x4c: {  	_ =	shalt  }
0x4d: {  	_ =	shalt  }
0x4e: {  	_ =	shalt  }
0x4f: {  	_ =	shalt  }
0x50: {  	_ =	shalt  }
0x51: {  	_ =	shalt  }
0x52: {  	_ =	shalt  }
0x53: {  	_ =	shalt  }
0x54: {  	_ =	shalt  }
0x55: {  	_ =	shalt  }
0x56: {  	_ =	shalt  }
0x57: {  	_ =	shalt  }
0x58: {  	_ =	shalt  }
0x59: {  	_ =	shalt  }
0x5a: {  	_ =	shalt  }
0x5b: {  	_ =	shalt  }
0x5c: {  	_ =	shalt  }
0x5d: {  	_ =	shalt  }
0x5e: {  	_ =	shalt  }
0x5f: {  	_ =	shalt  }
0x60: {  	_ =	shalt  }
0x61: {  	_ =	shalt  }
0x62: {  	_ =	shalt  }
0x63: {  	_ =	shalt  }
0x64: {  	_ =	shalt  }
0x65: {  	_ =	shalt  }
0x66: {  	_ =	shalt  }
0x67: {  	_ =	shalt  }
0x68: {  	_ =	shalt  }
0x69: {  	_ =	shalt  }
0x6a: {  	_ =	shalt  }
0x6b: {  	_ =	shalt  }
0x6c: {  	_ =	shalt  }
0x6d: {  	_ =	shalt  }
0x6e: {  	_ =	shalt  }
0x6f: {  	_ =	shalt  }
0x70: {  	_ =	shalt  }
0x71: {  	_ =	shalt  }
0x72: {  	_ =	shalt  }
0x73: {  	_ =	shalt  }
0x74: {  	_ =	shalt  }
0x75: {  	_ =	shalt  }
0x76: {  	_ =	shalt  }
0x77: {  	_ =	shalt  }
0x78: {  	_ =	shalt  }
0x79: {  	_ =	shalt  }
0x7a: {  	_ =	shalt  }
0x7b: {  	_ =	shalt  }
0x7c: {  	_ =	shalt  }
0x7d: {  	_ =	shalt  }
0x7e: {  	_ =	shalt  }
0x7f: {  	_ =	shalt  }
0x80: {  	_ =	shalt  }
0x81: {  	_ =	shalt  }
0x82: {  	_ =	shalt  }
0x83: {  	_ =	shalt  }
0x84: {  	_ =	shalt  }
0x85: {  	_ =	shalt  }
0x86: {  	_ =	shalt  }
0x87: {  	_ =	shalt  }
.Lfunc_end0:
.L_simem_size_0:
called_computation_lowered:
.L_overlay_start_0:
0x88: {  	s2 =	sld [smem:$0x3FD9]  }
0x89: {  	s3 =	sld [smem:$0x3FFE];
	_ =	sdelay $0x1  }
0x8a: {  	s1 =	srdreg.scid  }
0x8b: {  	s0 =	sand.u32 $0x1, s1  }
0x8c: {  	s17 =	sshll.u32 s0, $0xA;
	s2 =	sadd.s32 s3, s2  }
0x8d: {  	s2 =	sadd.s32 s2, s17  }
0x8e: {  	[smem:$0x3FBF] =	sst s2  }
0x8f: {  	_ = 	snop  }
0x90: {  	s2 =	sld [smem:$0x3FD0];
	(tm) =	ssettm $0x1  }
0x91: {  	s18 =	sld [smem:$0x3FFB];
	_ =	sdelay $0x3  }
0x92: {  	_ =	strace s18  }
0x93: {  	s3 =	sld [smem:$0x3FFC];
	_ =	sdelay $0x3  }
0x94: {  	_ =	strace s3  }
0x95: {  	s3 =	sld [smem:$0x3FFD];
	_ =	sdelay $0x3  }
0x96: {  	_ =	strace s3  }
0x97: {  	_ =	strace $0x8FFFFFFF  }
0x98: {  	s19 =	sld [smem:$0x3FDB];
	_ =	sdelay $0x1  }
0x99: {  	s4 =	simm.s32 $_scs_section_size  }
0x9a: {  	s5 =	simm.s32 $_size__tile_overlayer_lowered;
	s6 =	simm.s32 $_tile_overlayer_lowered  }
0x9b: {  	s22 =	simm.s32 $0x1BFF;
	s21 =	sshll.u32 s6, $0x1;
	s3 =	sadd.s32 s4, s19  }
0x9c: {  	s7 =	simm.s32 $0x0;
	s20 =	sshll.u32 s5, $0x1;
	s5 =	sadd.s32 s21, s3  }
0x9d: {  	[timem:s7], [sflag:s22] =	dma.local [hbm:s5], s20  }
0x9e: {  	_ =	swait.ge [sflag:s22], s20  }
0x9f: {  	s4 =	ssub.s32 $0x0, s20;
	[sflag:s22] =	ssyncset.done $0x0  }
0xa0: {  	[sflag:s22] =	ssyncadd.s32 s4;
	_ =	sdelay $0x1  }
0xa1: {  	s23 =	simm.s32 $0x1B8B  }
0xa2: {  	_ =	swait.ge [sflag:s23], $0x1  }
0xa3: {  	[sflag:s23] =	ssyncset.done $0x0  }
0xa4: {  	s25 =	simm.s32 $0x1B8E;
	s24 =	sld [smem:$0x3FFE];
	[sflag:s23] =	ssyncadd.s32 $0xFFFFFFFF  }
0xa5: {  	s26 =	simm.s32 $execute0_lowered;
	[smem:$0x3FD2] =	sst s25  }
0xa6: {  	s5 =	sshll.u32 s26, $0x1;
	_ =	strace $0x80000046;
	[dreg:$0x1] =	wrdreg $0xFFFFFFFF  }
0xa7: {  	s28 =	simm.s32 $_size_execute0_lowered;
	s3 =	sadd.s32 s3, s5;
	[dreg:$0x0] =	wrdreg $0x0  }
0xa8: {  	s5 =	sshll.u32 s28, $0x1;
	[dreg:$0x2] =	wrdreg s3  }
0xa9: {  	[dreg:$0x3] =	wrdreg s5  }
0xaa: {  	[dreg:$0x4] =	wrdreg $0xC0  }
0xab: {  	_ =	task [dreg:s7], $0x5FFFF  }
0xac: {  	[dreg:$0x1] =	wrdreg $0xFFFFFFFF  }
0xad: {  	[dreg:$0x0] =	wrdreg $0x60  }
0xae: {  	[dreg:$0x2] =	wrdreg s24  }
0xaf: {  	[dreg:$0x3] =	wrdreg s2  }
0xb0: {  	[dreg:$0x4] =	wrdreg $0x9  }
0xb1: {  	_ =	task.clear_ibuf [dreg:s7], $0x5FFFF;
	_ =	strace $0x90000046  }
0xb2: {  	s29 =	simm.s32 $0x9;
	_ =	strace $0x80000048  }
0xb3: {  	_ =	swait.ge [sflag:s29], $0x1  }
0xb4: {  	[sflag:s29] =	ssyncadd.s32 $0xFFFFFFFF  }
0xb5: {  	_ =	strace $0x90000048  }
0xb6: {  	_ =	sfence  }
0xb7: {  	s30 =	sld [smem:$0x0];
	_ =	sdelay $0x2  }
0xb8: {  	s31 =	sshll.u32 s1, $0xD;
	s1 =	sshrl.u32 s1, $0x2  }
0xb9: {  	s3 =	sand.u32 $0x4000, s31;
	s1 =	sadd.s32 s1, s30  }
0xba: {  	s0 =	sor.u32 s3, s0;
	s1 =	sshll.u32 s1, $0x11  }
0xbb: {  	s0 =	sor.u32 s1, s0  }
0xbc: {  	s0 =	sadd.s32 $0x8F2B, s0  }
0xbd: {  	[sflag:s0] =	ssyncadd.remote.s32 $0x1  }
0xbe: {  	_ =	sfence.sel $0xFFFF  }
0xbf: {  	[dreg:$0x0] =	wrdreg $0xFFFFFFFF;
	(pc) =	sbr.abs _section_cstart, $3  }
0xc0: {  	[dreg:$0x1] =	wrdreg $0xFFFFFFFF  }
0xc1: {  	_ =	task.clear_ibuf [dreg:s7], $0x2FFFF;
	_ =	strace $0x9FFFFFFF  }
0xc2: {  	(tm) =	ssettm $0x7FFFFFFF  }
0xc3: {  	_ =	shalt  }
tec
execute0_lowered:
.L_overlay_start_1:
0x0: {  	(tag) =	ssettag $0x1  }
0x1: {  	s1 =	srdreg.scid;
	s9 =	rddreg [dreg:$0x0]  }
0x2: {  	s0 =	stileid.u32;
	s11 =	rddreg [dreg:$0x1];
	s2 =	simm.s32 $0x0  }
0x3: {  	s15 =	simm.s32 $0x2100;
	s16 =	simm.s32 $0x3180;
	s17 =	simm.s32 $0x4200  }
0x4: {  	s18 =	simm.s32 $0x5280;
	s19 =	simm.s32 $0x6300;
	s20 =	simm.s32 $0x1  }
0x5: {  	s21 =	simm.s32 $0x6580;
	s22 =	simm.s32 $0x2;
	s23 =	simm.s32 $0x0  }
0x6: {  	s10 =	sand.u32 $0x1, s1;
	s31 =	sshll.u32 s0, $0x1;
	s1 =	rddreg [dreg:$0x2]  }
0x7: {  	[smem:$0x7FF] =	sst s2;
	s4 =	sadd.s32 $0x4A00, s9;
	s5 =	sadd.s32 $0x4E00, s9  }
0x8: {  	s6 =	sadd.s32 $0x5200, s9;
	s7 =	sadd.s32 $0x5600, s9;
	s12 =	sor.u32 s10, s31  }
0x9: {  	s8 =	sadd.s32 $0x5A00, s9;
	s10 =	ssub.s32 $0x2, s10;
	s3 =	smul.u32 $0x1C0, s12  }
0xa: {  	_ =	strace $0x80000047;
	s14 =	sshrl.u32 s10, $0x1;
	s12 =	sshll.u32 s12, $0x6  }
0xb: {  	s14 =	ssub.s32 s10, s14;
	s11 =	sadd.s32 s11, s12;
	s13 =	sadd.s32 s3, s9  }
0xc: {  	s3 =	sadd.s32 $0x5E00, s9;
	s9 =	sadd.s32 $0x6000, s9;
	s12 =	smax.u32 s14, $0x1  }
0xd: {  	s14 =	simm.s32 $0x1080;
	s10 =	sadd.s32 $0x1200, s13;
	s13 =	simm.s32 $0xE00  }
.LBB2_1:
0xe: {  	[tilespmem:s13], [sflag:$0x1] =	stream.linear.gather [hbm4b:s3+s2], $0x280, $0x38;
	[tilespmem:$0x6780] =	vst v63  }
0xf: {  	_ = 	snop  }
0x10: {  	[tilespmem:s14], [sflag:$0x1] =	stream.linear.gather [hbm4b:s4+s2], $0x1080, $0x38;
	[tilespmem:$0x6780] =	vst v63  }
0x11: {  	_ = 	snop  }
0x12: {  	[tilespmem:s15], [sflag:$0x1] =	stream.linear.gather [hbm4b:s5+s2], $0x1080, $0x38;
	[tilespmem:$0x6780] =	vst v63  }
0x13: {  	_ = 	snop  }
0x14: {  	[tilespmem:s16], [sflag:$0x1] =	stream.linear.gather [hbm4b:s6+s2], $0x1080, $0x38;
	[tilespmem:$0x6780] =	vst v63  }
0x15: {  	_ = 	snop  }
0x16: {  	[tilespmem:s17], [sflag:$0x1] =	stream.linear.gather [hbm4b:s7+s2], $0x1080, $0x38;
	[tilespmem:$0x6780] =	vst v63  }
0x17: {  	_ = 	snop  }
0x18: {  	[tilespmem:s18], [sflag:$0x1] =	stream.linear.gather [hbm4b:s8+s2], $0x1080, $0x38;
	[tilespmem:$0x6780] =	vst v63  }
0x19: {  	_ = 	snop  }
0x1a: {  	[tilespmem:s19], [sflag:$0x1] =	stream.linear.gather [hbm4b:s9+s2], $0x280, $0x38;
	[tilespmem:$0x6780] =	vst v63  }
0x1b: {  	_ = 	snop  }
0x1c: {  	[tilespmem:s2], [sflag:$0x1] =	stream.linear.gather [hbm4b:s10+s2], $0xE00, $0x38;
	[tilespmem:$0x6780] =	vst v63  }
0x1d: {  	_ =	swait.ge [sflag:s20], $0x280  }
0x1e: {  	[sflag:s20] =	ssyncset.done $0x0  }
0x1f: {  	[sflag:s20] =	ssyncadd.s32 $0xFFFFFD80  }
0x20: {  	_ =	swait.ge [sflag:s20], $0x1080  }
0x21: {  	[sflag:s20] =	ssyncset.done $0x0  }
0x22: {  	[sflag:s20] =	ssyncadd.s32 $0xFFFFEF80  }
0x23: {  	_ =	swait.ge [sflag:s20], $0x1080  }
0x24: {  	[sflag:s20] =	ssyncset.done $0x0  }
0x25: {  	[sflag:s20] =	ssyncadd.s32 $0xFFFFEF80  }
0x26: {  	_ =	swait.ge [sflag:s20], $0x1080  }
0x27: {  	[sflag:s20] =	ssyncset.done $0x0  }
0x28: {  	[sflag:s20] =	ssyncadd.s32 $0xFFFFEF80  }
0x29: {  	_ =	swait.ge [sflag:s20], $0x1080  }
0x2a: {  	[sflag:s20] =	ssyncset.done $0x0  }
0x2b: {  	[sflag:s20] =	ssyncadd.s32 $0xFFFFEF80  }
0x2c: {  	_ =	swait.ge [sflag:s20], $0x1080  }
0x2d: {  	[sflag:s20] =	ssyncset.done $0x0  }
0x2e: {  	[sflag:s20] =	ssyncadd.s32 $0xFFFFEF80  }
0x2f: {  	_ =	swait.ge [sflag:s20], $0x280  }
0x30: {  	[sflag:s20] =	ssyncset.done $0x0  }
0x31: {  	[sflag:s20] =	ssyncadd.s32 $0xFFFFFD80  }
0x32: {  	_ =	swait.ge [sflag:s20], $0xE00  }
0x33: {  	s24 =	simm.s32 $0x6580;
	[sflag:s20] =	ssyncset.done $0x0  }
0x34: {  	s25 =	simm.s32 $0x0;
	s26 =	simm.s32 $0x0;
	[sflag:s20] =	ssyncadd.s32 $0xFFFFF200  }
.LBB2_2:
0x35: {  	v0 =	vld [tilespmem:s25+$0x0];
	_ =	sdelay $0x4  }
0x36: {  	v0 =	vmul.u32 $0x9, v0  }
0x37: {  	s28 =	sand.u32 $0x1F0, s26  }
0x38: {  	v3 =	vld [tilespmem:s28+$0x200];
	v1 =	vadd.s32 $0x1, v0  }
0x39: {  	v2 =	vadd.s32 $0x2, v0  }
0x3a: {  	v4 =	vadd.s32 $0x3, v0  }
0x3b: {  	v5 =	vadd.s32 $0x4, v0  }
0x3c: {  	v6 =	vadd.s32 $0x5, v0;
	v10 =	vld.idx.msk [tilespmem:v0+s13+$0x0], $0xffff  }
0x3d: {  	v3 =	vmul.u32 $0x41, v3;
	v50 =	vadd.s32 $0x6, v0;
	v12 =	vld.idx.msk [tilespmem:v1+s13+$0x0], $0xffff  }
0x3e: {  	v8 =	vld.idx.msk [tilespmem:v2+s13+$0x0], $0xffff  }
0x3f: {  	v9 =	vadd.s32 $0x8, v3;
	v7 =	vld.idx.msk [tilespmem:v4+s13+$0x0], $0xffff  }
0x40: {  	v51 =	vadd.s32 $0x10, v3;
	v5 =	vld.idx.msk [tilespmem:v5+s13+$0x0], $0xffff  }
0x41: {  	v11 =	vadd.s32 $0x18, v3;
	v4 =	vld.idx.msk [tilespmem:v6+s13+$0x0], $0xffff  }
0x42: {  	v14 =	vadd.s32 $0x28, v3;
	v2 =	vld.idx.msk [tilespmem:v50+s13+$0x0], $0xffff  }
0x43: {  	v15 =	vadd.s32 $0x30, v3;
	v13 =	vld.idx.msk [tilespmem:v3+s14+$0x0], $0xffff  }
0x44: {  	v16 =	vadd.s32 $0x38, v3;
	v9 =	vld.idx.msk [tilespmem:v9+s14+$0x0], $0xffff  }
0x45: {  	v53 =	vadd.s32 $0x1, v3;
	v6 =	vld.idx.msk [tilespmem:v51+s14+$0x0], $0xffff  }
0x46: {  	v18 =	vadd.s32 $0x9, v3;
	v17 =	vld.idx.msk [tilespmem:v11+s14+$0x0], $0xffff  }
0x47: {  	v19 =	vadd.s32 $0x11, v3;
	v14 =	vld.idx.msk [tilespmem:v14+s14+$0x0], $0xffff  }
0x48: {  	v20 =	vadd.s32 $0x19, v3;
	v15 =	vld.idx.msk [tilespmem:v15+s14+$0x0], $0xffff  }
0x49: {  	v21 =	vadd.s32 $0x21, v3;
	v16 =	vld.idx.msk [tilespmem:v16+s14+$0x0], $0xffff  }
0x4a: {  	v22 =	vadd.s32 $0x29, v3;
	v11 =	vld.idx.msk [tilespmem:v53+s14+$0x0], $0xffff  }
0x4b: {  	v23 =	vadd.s32 $0x31, v3;
	v18 =	vld.idx.msk [tilespmem:v18+s14+$0x0], $0xffff  }
0x4c: {  	v54 =	vadd.s32 $0x39, v3;
	v24 =	vld.idx.msk [tilespmem:v19+s14+$0x0], $0xffff  }
0x4d: {  	v25 =	vadd.s32 $0x2, v3;
	v20 =	vld.idx.msk [tilespmem:v20+s14+$0x0], $0xffff  }
0x4e: {  	v55 =	vadd.s32 $0xA, v3;
	v26 =	vld.idx.msk [tilespmem:v21+s14+$0x0], $0xffff  }
0x4f: {  	v27 =	vadd.s32 $0x12, v3;
	v22 =	vld.idx.msk [tilespmem:v22+s14+$0x0], $0xffff  }
0x50: {  	v28 =	vadd.s32 $0x1A, v3;
	v23 =	vld.idx.msk [tilespmem:v23+s14+$0x0], $0xffff  }
0x51: {  	v56 =	vadd.s32 $0x22, v3;
	v29 =	vld.idx.msk [tilespmem:v54+s14+$0x0], $0xffff  }
0x52: {  	v30 =	vadd.s32 $0x2A, v3;
	v25 =	vld.idx.msk [tilespmem:v25+s14+$0x0], $0xffff  }
0x53: {  	v57 =	vadd.s32 $0x32, v3;
	v31 =	vld.idx.msk [tilespmem:v55+s14+$0x0], $0xffff  }
0x54: {  	v32 =	vadd.s32 $0x3A, v3;
	v27 =	vld.idx.msk [tilespmem:v27+s14+$0x0], $0xffff  }
0x55: {  	v33 =	vadd.s32 $0x3, v3;
	v28 =	vld.idx.msk [tilespmem:v28+s14+$0x0], $0xffff  }
0x56: {  	v35 =	vadd.s32 $0xB, v3;
	v34 =	vld.idx.msk [tilespmem:v56+s14+$0x0], $0xffff  }
0x57: {  	v36 =	vadd.s32 $0x13, v3;
	v30 =	vld.idx.msk [tilespmem:v30+s14+$0x0], $0xffff  }
0x58: {  	v58 =	vadd.s32 $0x1B, v3;
	v37 =	vld.idx.msk [tilespmem:v57+s14+$0x0], $0xffff  }
0x59: {  	v59 =	vadd.s32 $0x23, v3;
	v19 =	vld.idx.msk [tilespmem:v32+s14+$0x0], $0xffff  }
0x5a: {  	v38 =	vadd.s32 $0x2B, v3;
	v33 =	vld.idx.msk [tilespmem:v33+s14+$0x0], $0xffff  }
0x5b: {  	v39 =	vadd.s32 $0x33, v3;
	v35 =	vld.idx.msk [tilespmem:v35+s14+$0x0], $0xffff  }
0x5c: {  	v40 =	vadd.s32 $0x3B, v3;
	v36 =	vld.idx.msk [tilespmem:v36+s14+$0x0], $0xffff  }
0x5d: {  	v60 =	vadd.s32 $0x4, v3;
	v41 =	vld.idx.msk [tilespmem:v58+s14+$0x0], $0xffff  }
0x5e: {  	v42 =	vadd.s32 $0xC, v3;
	v32 =	vld.idx.msk [tilespmem:v59+s14+$0x0], $0xffff  }
0x5f: {  	v43 =	vadd.s32 $0x14, v3;
	v38 =	vld.idx.msk [tilespmem:v38+s14+$0x0], $0xffff  }
0x60: {  	v44 =	vadd.s32 $0x1C, v3;
	v39 =	vld.idx.msk [tilespmem:v39+s14+$0x0], $0xffff  }
0x61: {  	v61 =	vadd.s32 $0x5, v3;
	v40 =	vld.idx.msk [tilespmem:v40+s14+$0x0], $0xffff  }
0x62: {  	v0 =	vadd.s32 $0x7, v0;
	v46 =	vld.idx.msk [tilespmem:v60+s14+$0x0], $0xffff  }
0x63: {  	v52 =	vadd.s32 $0x20, v3;
	v42 =	vld.idx.msk [tilespmem:v42+s14+$0x0], $0xffff  }
0x64: {  	v47 =	vadd.s32 $0x2C, v3;
	v43 =	vld.idx.msk [tilespmem:v43+s14+$0x0], $0xffff  }
0x65: {  	v63 =	vadd.s32 $0x15, v3;
	v21 =	vld.idx.msk [tilespmem:v44+s14+$0x0], $0xffff  }
0x66: {  	v53 =	vadd.s32 $0x1D, v3;
	v44 =	vld.idx.msk [tilespmem:v61+s14+$0x0], $0xffff  }
0x67: {  	v45 =	vadd.s32 $0x24, v3;
	v48 =	vadd.s32 $0x34, v3;
	v49 =	vadd.s32 $0x3C, v3;
	v1 =	vld.idx.msk [tilespmem:v0+s13+$0x0], $0xffff  }
0x68: {  	v62 =	vadd.s32 $0xD, v3;
	v54 =	vadd.s32 $0x25, v3;
	v56 =	vadd.s32 $0x35, v3;
	v0 =	vld.idx.msk [tilespmem:v52+s14+$0x0], $0xffff  }
0x69: {  	v55 =	vadd.s32 $0x2D, v3;
	v13 =	vmul.f32 v13, v10;
	v50 =	vmul.f32 v11, v10;
	v11 =	vld.idx.msk [tilespmem:v47+s14+$0x0], $0xffff  }
0x6a: {  	v57 =	vadd.s32 $0x3D, v3;
	v9 =	vmul.f32 v9, v12;
	v6 =	vmul.f32 v6, v8;
	v47 =	vld.idx.msk [tilespmem:v63+s14+$0x0], $0xffff  }
0x6b: {  	v59 =	vadd.s32 $0x6, v3;
	v18 =	vmul.f32 v18, v12;
	v58 =	vmul.f32 v26, v5;
	v26 =	vld.idx.msk [tilespmem:v53+s14+$0x0], $0xffff  }
0x6c: {  	v17 =	vmul.f32 v17, v7;
	v24 =	vmul.f32 v24, v8;
	v9 =	vadd.f32 v9, v13;
	v13 =	vld.idx.msk [tilespmem:v45+s14+$0x0], $0xffff  }
0x6d: {  	v61 =	vadd.s32 $0xE, v3;
	v20 =	vmul.f32 v20, v7;
	v14 =	vmul.f32 v14, v4;
	v45 =	vld.idx.msk [tilespmem:v56+s14+$0x0], $0xffff  }
0x6e: {  	v60 =	vmul.f32 v15, v2;
	v18 =	vadd.f32 v18, v50;
	v51 =	vadd.f32 v6, v9;
	v9 =	vld.idx.msk [tilespmem:v48+s14+$0x0], $0xffff  }
0x6f: {  	v63 =	vadd.s32 $0x16, v3;
	v27 =	vmul.f32 v27, v8;
	v34 =	vmul.f32 v34, v5;
	v6 =	vld.idx.msk [tilespmem:v49+s14+$0x0], $0xffff  }
0x70: {  	v0 =	vmul.f32 v0, v5;
	v18 =	vadd.f32 v24, v18;
	v24 =	vld.idx.msk [tilespmem:v62+s14+$0x0], $0xffff;
	v17 =	vadd.f32 v17, v51  }
0x71: {  	v32 =	vmul.f32 v32, v5;
	v56 =	vadd.s32 $0x26, v3;
	v49 =	vld.idx.msk [tilespmem:v54+s14+$0x0], $0xffff;
	v54 =	vadd.s32 $0x1E, v3  }
0x72: {  	v62 =	vmul.f32 v22, v4;
	v22 =	vld.idx.msk [tilespmem:v55+s14+$0x0], $0xffff;
	v18 =	vadd.f32 v20, v18;
	v0 =	vadd.f32 v0, v17  }
0x73: {  	v53 =	vmul.f32 v16, v1;
	v55 =	vmul.f32 v23, v2;
	v23 =	vld.idx.msk [tilespmem:v57+s14+$0x0], $0xffff;
	v57 =	vadd.s32 $0x2E, v3  }
0x74: {  	v48 =	vld.idx.msk [tilespmem:v59+s14+$0x0], $0xffff;
	v59 =	vmul.f32 v31, v12;
	v18 =	vadd.f32 v58, v18;
	v0 =	vadd.f32 v14, v0  }
0x75: {  	v52 =	vadd.s32 $0x3E, v3;
	v58 =	vmul.f32 v25, v10;
	v25 =	vld.idx.msk [tilespmem:v61+s14+$0x0], $0xffff;
	v61 =	vmul.f32 v35, v12  }
0x76: {  	v20 =	vld.idx.msk [tilespmem:v54+s14+$0x0], $0xffff;
	v18 =	vadd.f32 v62, v18;
	v62 =	vadd.s32 $0x36, v3;
	v0 =	vadd.f32 v60, v0  }
0x77: {  	v60 =	vmul.f32 v33, v10;
	v33 =	vld.idx.msk [tilespmem:v63+s14+$0x0], $0xffff;
	v63 =	vadd.f32 v59, v58;
	v59 =	vadd.s32 $0x17, v3  }
0x78: {  	v30 =	vmul.f32 v30, v4;
	v54 =	vadd.s32 $0x7, v3;
	v16 =	vld.idx.msk [tilespmem:v57+s14+$0x0], $0xffff;
	v51 =	vadd.f32 v55, v18  }
0x79: {  	v18 =	vld.idx.msk [tilespmem:v56+s14+$0x0], $0xffff;
	v0 =	vadd.f32 v53, v0;
	v15 =	vadd.f32 v61, v60;
	v53 =	vmul.f32 v36, v8  }
0x7a: {  	v56 =	vmul.f32 v28, v7;
	v55 =	vadd.f32 v27, v63;
	v60 =	vld [tilespmem:s28+$0x400];
	v63 =	vadd.s32 $0x2F, v3  }
0x7b: {  	v57 =	vadd.s32 $0xF, v3;
	v58 =	vmul.f32 v41, v7;
	v17 =	vld.idx.msk [tilespmem:v62+s14+$0x0], $0xffff;
	v15 =	vadd.f32 v53, v15  }
0x7c: {  	v38 =	vmul.f32 v38, v4;
	v61 =	vadd.s32 $0x1F, v3;
	v27 =	vadd.f32 v56, v55;
	v31 =	vld.idx.msk [tilespmem:v59+s14+$0x0], $0xffff  }
0x7d: {  	v42 =	vmul.f32 v42, v12;
	v62 =	vadd.s32 $0x27, v3;
	v28 =	vadd.f32 v58, v15;
	v15 =	vld.idx.msk [tilespmem:v52+s14+$0x0], $0xffff  }
0x7e: {  	v44 =	vmul.f32 v44, v10;
	v56 =	vadd.s32 $0x37, v3;
	v27 =	vadd.f32 v34, v27;
	v34 =	vld.idx.msk [tilespmem:v54+s14+$0x0], $0xffff  }
0x7f: {  	v21 =	vmul.f32 v21, v7;
	v53 =	vadd.s32 $0x3F, v3;
	v14 =	vmul.u32 $0x41, v60;
	v36 =	vld.idx.msk [tilespmem:v63+s14+$0x0], $0xffff  }
0x80: {  	v29 =	vmul.f32 v29, v1;
	v26 =	vmul.f32 v26, v7;
	v28 =	vadd.f32 v32, v28;
	v32 =	vld.idx.msk [tilespmem:v57+s14+$0x0], $0xffff  }
0x81: {  	v11 =	vmul.f32 v11, v4;
	v27 =	vadd.f32 v30, v27;
	v30 =	vld.idx.msk [tilespmem:v61+s14+$0x0], $0xffff;
	v59 =	vadd.s32 $0x8, v14  }
0x82: {  	v13 =	vmul.f32 v13, v5;
	v57 =	vmul.f32 v37, v2;
	v37 =	vld.idx.msk [tilespmem:v62+s14+$0x0], $0xffff;
	v60 =	vadd.s32 $0x10, v14  }
0x83: {  	v24 =	vmul.f32 v24, v12;
	v58 =	vmul.f32 v39, v2;
	v39 =	vld.idx.msk [tilespmem:v56+s14+$0x0], $0xffff;
	v61 =	vadd.s32 $0x18, v14  }
0x84: {  	v3 =	vadd.f32 v29, v51;
	v62 =	vmul.f32 v46, v10;
	v46 =	vld.idx.msk [tilespmem:v53+s14+$0x0], $0xffff;
	v63 =	vadd.s32 $0x20, v14  }
0x85: {  	v56 =	vadd.s32 $0x28, v14;
	v28 =	vadd.f32 v38, v28;
	v27 =	vadd.f32 v57, v27;
	v51 =	vld.idx.msk [tilespmem:v14+s15+$0x0], $0xffff  }
0x86: {  	v41 =	vadd.f32 v42, v62;
	v57 =	vmul.f32 v43, v8;
	v62 =	vadd.s32 $0x9, v14;
	v38 =	vld.idx.msk [tilespmem:v59+s15+$0x0], $0xffff  }
0x87: {  	v28 =	vadd.f32 v58, v28;
	v58 =	vadd.s32 $0x30, v14;
	v59 =	vmul.f32 v47, v8;
	v47 =	vld.idx.msk [tilespmem:v60+s15+$0x0], $0xffff  }
0x88: {  	v35 =	vmul.f32 v40, v1;
	v41 =	vadd.f32 v57, v41;
	v57 =	vadd.s32 $0x21, v14;
	v40 =	vld.idx.msk [tilespmem:v61+s15+$0x0], $0xffff  }
0x89: {  	v22 =	vmul.f32 v22, v4;
	v24 =	vadd.f32 v24, v44;
	v60 =	vadd.s32 $0x38, v14;
	v44 =	vld.idx.msk [tilespmem:v63+s15+$0x0], $0xffff  }
0x8a: {  	v9 =	vmul.f32 v9, v2;
	v6 =	vmul.f32 v6, v1;
	v61 =	vadd.s32 $0x1, v14;
	v52 =	vld.idx.msk [tilespmem:v56+s15+$0x0], $0xffff  }
0x8b: {  	v55 =	vmul.f32 v49, v5;
	v41 =	vadd.f32 v21, v41;
	v56 =	vadd.s32 $0x19, v14;
	v49 =	vld.idx.msk [tilespmem:v62+s15+$0x0], $0xffff  }
0x8c: {  	v23 =	vmul.f32 v23, v1;
	v62 =	vadd.s32 $0x39, v14;
	v24 =	vadd.f32 v59, v24;
	v21 =	vld.idx.msk [tilespmem:v58+s15+$0x0], $0xffff  }
0x8d: {  	v25 =	vmul.f32 v25, v12;
	v63 =	vadd.s32 $0x11, v14;
	v13 =	vadd.f32 v13, v41;
	v41 =	vld.idx.msk [tilespmem:v57+s15+$0x0], $0xffff  }
0x8e: {  	v29 =	vmul.f32 v19, v1;
	v58 =	vadd.s32 $0x29, v14;
	v24 =	vadd.f32 v26, v24;
	v19 =	vld.idx.msk [tilespmem:v60+s15+$0x0], $0xffff  }
0x8f: {  	v54 =	vadd.s32 $0xA, v14;
	v53 =	vadd.s32 $0x13, v14;
	v11 =	vadd.f32 v11, v13;
	v26 =	vld.idx.msk [tilespmem:v61+s15+$0x0], $0xffff  }
0x90: {  	v12 =	vmul.f32 v32, v12;
	v43 =	vld.idx.msk [tilespmem:v56+s15+$0x0], $0xffff;
	v56 =	vadd.s32 $0x12, v14;
	v24 =	vadd.f32 v55, v24  }
0x91: {  	v59 =	vadd.s32 $0x31, v14;
	v9 =	vadd.f32 v9, v11;
	v11 =	vadd.f32 v35, v28;
	v35 =	vld.idx.msk [tilespmem:v62+s15+$0x0], $0xffff  }
0x92: {  	v57 =	vadd.s32 $0x1A, v14;
	v61 =	vmul.f32 v45, v2;
	v60 =	vadd.f32 v22, v24;
	v24 =	vld.idx.msk [tilespmem:v63+s15+$0x0], $0xffff  }
0x93: {  	v13 =	vadd.f32 v29, v27;
	v63 =	vadd.s32 $0x2, v14;
	v27 =	vld.idx.msk [tilespmem:v58+s15+$0x0], $0xffff;
	v58 =	vmul.f32 v48, v10  }
0x94: {  	v10 =	vmul.f32 v34, v10;
	v22 =	vadd.f32 v61, v60;
	v61 =	vmul.f32 v33, v8;
	v33 =	vld.idx.msk [tilespmem:v54+s15+$0x0], $0xffff  }
0x95: {  	v20 =	vmul.f32 v20, v7;
	v62 =	vadd.s32 $0x32, v14;
	v9 =	vadd.f32 v6, v9;
	v28 =	vld.idx.msk [tilespmem:v56+s15+$0x0], $0xffff  }
0x96: {  	v60 =	vadd.s32 $0x2A, v14;
	v10 =	vadd.f32 v12, v10;
	v8 =	vmul.f32 v31, v8;
	v31 =	vld.idx.msk [tilespmem:v53+s15+$0x0], $0xffff  }
0x97: {  	v25 =	vadd.f32 v25, v58;
	v53 =	vadd.s32 $0x34, v14;
	v6 =	vadd.f32 v23, v22;
	v22 =	vld.idx.msk [tilespmem:v59+s15+$0x0], $0xffff  }
0x98: {  	v7 =	vmul.f32 v30, v7;
	v48 =	vadd.s32 $0x3, v14;
	v23 =	vld.idx.msk [tilespmem:v57+s15+$0x0], $0xffff;
	v8 =	vadd.f32 v8, v10  }
0x99: {  	v16 =	vmul.f32 v16, v4;
	v59 =	vadd.s32 $0x22, v14;
	v25 =	vadd.f32 v61, v25;
	v32 =	vld.idx.msk [tilespmem:v63+s15+$0x0], $0xffff  }
0x9a: {  	v18 =	vmul.f32 v18, v5;
	v57 =	vadd.s32 $0x2B, v14;
	v8 =	vadd.f32 v7, v8;
	v7 =	vld.idx.msk [tilespmem:v62+s15+$0x0], $0xffff  }
0x9b: {  	v17 =	vmul.f32 v17, v2;
	v61 =	vadd.s32 $0xC, v14;
	v20 =	vadd.f32 v20, v25;
	v25 =	vld.idx.msk [tilespmem:v60+s15+$0x0], $0xffff  }
0x9c: {  	v63 =	vadd.s32 $0x3A, v14;
	v62 =	vmul.f32 v51, v0;
	v51 =	vmul.f32 v40, v11;
	v40 =	vld.idx.msk [tilespmem:v53+s15+$0x0], $0xffff  }
0x9d: {  	v50 =	vadd.s32 $0xB, v14;
	v15 =	vmul.f32 v15, v1;
	v18 =	vadd.f32 v18, v20;
	v20 =	vld.idx.msk [tilespmem:v48+s15+$0x0], $0xffff  }
0x9e: {  	v4 =	vmul.f32 v36, v4;
	v55 =	vadd.s32 $0x1B, v14;
	v54 =	vmul.f32 v37, v5;
	v10 =	vld.idx.msk [tilespmem:v59+s15+$0x0], $0xffff  }
0x9f: {  	v1 =	vmul.f32 v46, v1;
	v49 =	vmul.f32 v49, v3;
	v56 =	vadd.s32 $0x23, v14;
	v29 =	vld.idx.msk [tilespmem:v57+s15+$0x0], $0xffff  }
0xa0: {  	v26 =	vmul.f32 v26, v0;
	v60 =	vadd.s32 $0x4, v14;
	v8 =	vadd.f32 v54, v8;
	v36 =	vld.idx.msk [tilespmem:v61+s15+$0x0], $0xffff  }
0xa1: {  	v2 =	vmul.f32 v39, v2;
	v45 =	vadd.s32 $0x1C, v14;
	v5 =	vld.idx.msk [tilespmem:v63+s15+$0x0], $0xffff;
	v16 =	vadd.f32 v16, v18  }
0xa2: {  	v26 =	vadd.f32 v49, v26;
	v49 =	vadd.s32 $0x2D, v14;
	v18 =	vld.idx.msk [tilespmem:v50+s15+$0x0], $0xffff;
	v4 =	vadd.f32 v4, v8  }
0xa3: {  	v38 =	vmul.f32 v38, v3;
	v53 =	vadd.s32 $0x3D, v14;
	v16 =	vadd.f32 v17, v16;
	v17 =	vld.idx.msk [tilespmem:v55+s15+$0x0], $0xffff  }
0xa4: {  	v24 =	vmul.f32 v24, v13;
	v48 =	vadd.s32 $0x24, v14;
	v2 =	vadd.f32 v2, v4;
	v4 =	vld.idx.msk [tilespmem:v56+s15+$0x0], $0xffff  }
0xa5: {  	v33 =	vmul.f32 v33, v3;
	v46 =	vadd.f32 v38, v62;
	v54 =	vadd.s32 $0x3C, v14;
	v34 =	vld.idx.msk [tilespmem:v60+s15+$0x0], $0xffff  }
0xa6: {  	v62 =	vadd.s32 $0x1D, v14;
	v32 =	vmul.f32 v32, v0;
	v55 =	vmul.f32 v44, v9;
	v44 =	vld.idx.msk [tilespmem:v45+s15+$0x0], $0xffff  }
0xa7: {  	v47 =	vmul.f32 v47, v13;
	v58 =	vadd.s32 $0x33, v14;
	v45 =	vld.idx.msk [tilespmem:v49+s15+$0x0], $0xffff  }
0xa8: {  	v24 =	vadd.f32 v24, v26;
	v59 =	vadd.s32 $0x3B, v14;
	v32 =	vadd.f32 v33, v32;
	v33 =	vld.idx.msk [tilespmem:v53+s15+$0x0], $0xffff  }
0xa9: {  	v28 =	vmul.f32 v28, v13;
	v57 =	vmul.f32 v43, v11;
	v63 =	vadd.s32 $0x14, v14;
	v43 =	vld.idx.msk [tilespmem:v48+s15+$0x0], $0xffff  }
0xaa: {  	v61 =	vmul.f32 v41, v9;
	v23 =	vmul.f32 v23, v11;
	v50 =	vadd.s32 $0x2C, v14;
	v8 =	vld.idx.msk [tilespmem:v54+s15+$0x0], $0xffff  }
0xab: {  	v24 =	vadd.f32 v57, v24;
	v57 =	vadd.s32 $0x16, v14;
	v56 =	vadd.s32 $0x5, v14;
	v41 =	vld.idx.msk [tilespmem:v62+s15+$0x0], $0xffff  }
0xac: {  	v60 =	vadd.s32 $0x15, v14;
	v49 =	vadd.s32 $0x3E, v14;
	v15 =	vadd.f32 v15, v16;
	v16 =	vld.idx.msk [tilespmem:v58+s15+$0x0], $0xffff  }
0xad: {  	v24 =	vadd.f32 v61, v24;
	v48 =	vmul.f32 v27, v6;
	v54 =	vadd.s32 $0x6, v14;
	v37 =	vld.idx.msk [tilespmem:v59+s15+$0x0], $0xffff  }
0xae: {  	v20 =	vmul.f32 v20, v0;
	v12 =	vadd.f32 v1, v2;
	v2 =	vadd.f32 v47, v46;
	v38 =	vld.idx.msk [tilespmem:v63+s15+$0x0], $0xffff  }
0xaf: {  	v61 =	vadd.s32 $0x2E, v14;
	v58 =	vadd.s32 $0xD, v14;
	v59 =	vmul.f32 v52, v6;
	v30 =	vld.idx.msk [tilespmem:v50+s15+$0x0], $0xffff  }
0xb0: {  	v63 =	vadd.s32 $0x25, v14;
	v18 =	vmul.f32 v18, v3;
	v2 =	vadd.f32 v51, v2;
	v27 =	vld.idx.msk [tilespmem:v56+s15+$0x0], $0xffff  }
0xb1: {  	v52 =	vadd.s32 $0x35, v14;
	v62 =	vadd.f32 v28, v32;
	v21 =	vmul.f32 v21, v15;
	v26 =	vld.idx.msk [tilespmem:v60+s15+$0x0], $0xffff  }
0xb2: {  	v56 =	vadd.s32 $0xE, v14;
	v18 =	vadd.f32 v18, v20;
	v20 =	vld.idx.msk [tilespmem:v57+s15+$0x0], $0xffff;
	v2 =	vadd.f32 v55, v2  }
0xb3: {  	v24 =	vadd.f32 v48, v24;
	v51 =	vmul.f32 v19, v12;
	v60 =	vmul.f32 v31, v13;
	v31 =	vld.idx.msk [tilespmem:v54+s15+$0x0], $0xffff  }
0xb4: {  	v22 =	vmul.f32 v22, v15;
	v57 =	vadd.s32 $0x27, v14;
	v19 =	vld.idx.msk [tilespmem:v58+s15+$0x0], $0xffff;
	v2 =	vadd.f32 v59, v2  }
0xb5: {  	v17 =	vmul.f32 v17, v11;
	v55 =	vmul.f32 v35, v12;
	v18 =	vadd.f32 v60, v18;
	v35 =	vld.idx.msk [tilespmem:v63+s15+$0x0], $0xffff  }
0xb6: {  	v22 =	vadd.f32 v22, v24;
	v54 =	vadd.s32 $0x17, v14;
	v50 =	vadd.f32 v21, v2;
	v21 =	vld.idx.msk [tilespmem:v52+s15+$0x0], $0xffff  }
0xb7: {  	v4 =	vmul.f32 v4, v9;
	v58 =	vadd.s32 $0x1E, v14;
	v17 =	vadd.f32 v17, v18;
	v24 =	vld.idx.msk [tilespmem:v56+s15+$0x0], $0xffff  }
0xb8: {  	v10 =	vmul.f32 v10, v9;
	v2 =	vadd.f32 v55, v22;
	v22 =	vadd.f32 v23, v62;
	v55 =	vld [tilespmem:s28+$0x600]  }
0xb9: {  	v59 =	vadd.s32 $0x26, v14;
	v63 =	vadd.s32 $0x36, v14;
	v32 =	vld.idx.msk [tilespmem:v57+s15+$0x0], $0xffff;
	v4 =	vadd.f32 v4, v17  }
0xba: {  	v17 =	vld.idx.msk [tilespmem:v49+s15+$0x0], $0xffff;
	v1 =	vadd.f32 v51, v50;
	v10 =	vadd.f32 v10, v22;
	v51 =	vmul.f32 v25, v6  }
0xbb: {  	v53 =	vmul.f32 v29, v6;
	v60 =	vadd.s32 $0x37, v14;
	v29 =	vld.idx.msk [tilespmem:v54+s15+$0x0], $0xffff  }
0xbc: {  	v7 =	vmul.f32 v7, v15;
	v52 =	vadd.s32 $0xF, v14;
	v23 =	vld.idx.msk [tilespmem:v58+s15+$0x0], $0xffff;
	v10 =	vadd.f32 v51, v10  }
0xbd: {  	v5 =	vmul.f32 v5, v12;
	v56 =	vadd.s32 $0x1F, v14;
	v27 =	vmul.f32 v27, v0;
	v25 =	vld.idx.msk [tilespmem:v61+s15+$0x0], $0xffff  }
0xbe: {  	v50 =	vadd.s32 $0x7, v14;
	v19 =	vmul.f32 v19, v3;
	v18 =	vld.idx.msk [tilespmem:v59+s15+$0x0], $0xffff;
	v7 =	vadd.f32 v7, v10  }
0xbf: {  	v58 =	vadd.s32 $0x2F, v14;
	v14 =	vadd.s32 $0x3F, v14;
	v22 =	vld.idx.msk [tilespmem:v63+s15+$0x0], $0xffff  }
0xc0: {  	v19 =	vadd.f32 v19, v27;
	v27 =	vld.idx.msk [tilespmem:v60+s15+$0x0], $0xffff;
	v5 =	vadd.f32 v5, v7;
	v7 =	vmul.u32 $0x41, v55  }
0xc1: {  	v59 =	vmul.f32 v37, v12;
	v37 =	vld.idx.msk [tilespmem:v52+s15+$0x0], $0xffff  }
0xc2: {  	v16 =	vmul.f32 v16, v15;
	v62 =	vmul.f32 v36, v3;
	v28 =	vld.idx.msk [tilespmem:v56+s15+$0x0], $0xffff;
	v63 =	vadd.s32 $0x8, v7  }
0xc3: {  	v61 =	vmul.f32 v34, v0;
	v4 =	vadd.f32 v53, v4;
	v39 =	vld.idx.msk [tilespmem:v50+s15+$0x0], $0xffff;
	v49 =	vadd.s32 $0x10, v7  }
0xc4: {  	v8 =	vmul.f32 v8, v12;
	v48 =	vmul.f32 v38, v13;
	v38 =	vld.idx.msk [tilespmem:v58+s15+$0x0], $0xffff;
	v50 =	vadd.s32 $0x18, v7  }
0xc5: {  	v4 =	vadd.f32 v16, v4;
	v16 =	vadd.f32 v62, v61;
	v14 =	vld.idx.msk [tilespmem:v14+s15+$0x0], $0xffff;
	v52 =	vadd.s32 $0x20, v7  }
0xc6: {  	v30 =	vmul.f32 v30, v6;
	v53 =	vmul.f32 v41, v11;
	v46 =	vadd.s32 $0x28, v7;
	v41 =	vld.idx.msk [tilespmem:v7+s16+$0x0], $0xffff  }
0xc7: {  	v51 =	vmul.f32 v44, v11;
	v16 =	vadd.f32 v48, v16;
	v55 =	vadd.s32 $0x30, v7;
	v36 =	vld.idx.msk [tilespmem:v63+s16+$0x0], $0xffff  }
0xc8: {  	v26 =	vmul.f32 v26, v13;
	v56 =	vmul.f32 v35, v9;
	v57 =	vadd.s32 $0x38, v7;
	v35 =	vld.idx.msk [tilespmem:v49+s16+$0x0], $0xffff  }
0xc9: {  	v54 =	vmul.f32 v43, v9;
	v16 =	vadd.f32 v51, v16;
	v58 =	vadd.s32 $0x1, v7;
	v34 =	vld.idx.msk [tilespmem:v50+s16+$0x0], $0xffff  }
0xca: {  	v20 =	vmul.f32 v20, v13;
	v19 =	vadd.f32 v26, v19;
	v60 =	vadd.s32 $0x9, v7;
	v44 =	vld.idx.msk [tilespmem:v52+s16+$0x0], $0xffff  }
0xcb: {  	v61 =	vmul.f32 v40, v15;
	v51 =	vadd.s32 $0x3A, v7;
	v16 =	vadd.f32 v54, v16;
	v40 =	vld.idx.msk [tilespmem:v46+s16+$0x0], $0xffff  }
0xcc: {  	v4 =	vadd.f32 v59, v4;
	v19 =	vadd.f32 v53, v19;
	v54 =	vadd.s32 $0x29, v7;
	v26 =	vld.idx.msk [tilespmem:v55+s16+$0x0], $0xffff  }
0xcd: {  	v59 =	vmul.f32 v45, v6;
	v43 =	vadd.s32 $0x22, v7;
	v16 =	vadd.f32 v30, v16;
	v30 =	vld.idx.msk [tilespmem:v57+s16+$0x0], $0xffff  }
0xce: {  	v53 =	vmul.f32 v33, v12;
	v19 =	vadd.f32 v56, v19;
	v62 =	vadd.s32 $0x11, v7;
	v33 =	vld.idx.msk [tilespmem:v58+s16+$0x0], $0xffff  }
0xcf: {  	v21 =	vmul.f32 v21, v15;
	v48 =	vmul.f32 v25, v6;
	v56 =	vadd.s32 $0x39, v7;
	v45 =	vld.idx.msk [tilespmem:v60+s16+$0x0], $0xffff  }
0xd0: {  	v19 =	vadd.f32 v59, v19;
	v59 =	vadd.s32 $0xA, v7;
	v50 =	vmul.f32 v32, v9;
	v32 =	vld.idx.msk [tilespmem:v51+s16+$0x0], $0xffff  }
0xd1: {  	v63 =	vadd.s32 $0x19, v7;
	v16 =	vadd.f32 v61, v16;
	v60 =	vmul.f32 v23, v11;
	v23 =	vld.idx.msk [tilespmem:v54+s16+$0x0], $0xffff  }
0xd2: {  	v19 =	vadd.f32 v21, v19;
	v52 =	vadd.s32 $0x21, v7;
	v54 =	vmul.f32 v38, v6;
	v6 =	vld.idx.msk [tilespmem:v43+s16+$0x0], $0xffff  }
0xd3: {  	v31 =	vmul.f32 v31, v0;
	v55 =	vadd.s32 $0x31, v7;
	v10 =	vadd.f32 v8, v16;
	v16 =	vld.idx.msk [tilespmem:v62+s16+$0x0], $0xffff  }
0xd4: {  	v24 =	vmul.f32 v24, v3;
	v58 =	vadd.s32 $0x2, v7;
	v8 =	vadd.f32 v53, v19;
	v19 =	vld.idx.msk [tilespmem:v56+s16+$0x0], $0xffff  }
0xd5: {  	v17 =	vmul.f32 v17, v12;
	v18 =	vmul.f32 v18, v9;
	v61 =	vadd.s32 $0x12, v7;
	v25 =	vld.idx.msk [tilespmem:v59+s16+$0x0], $0xffff  }
0xd6: {  	v3 =	vmul.f32 v37, v3;
	v57 =	vadd.f32 v24, v31;
	v49 =	vadd.s32 $0x32, v7;
	v24 =	vld.idx.msk [tilespmem:v63+s16+$0x0], $0xffff  }
0xd7: {  	v47 =	vadd.s32 $0x2A, v7;
	v42 =	vadd.s32 $0x3B, v7;
	v0 =	vmul.f32 v39, v0;
	v37 =	vld.idx.msk [tilespmem:v52+s16+$0x0], $0xffff  }
0xd8: {  	v20 =	vadd.f32 v20, v57;
	v62 =	vmul.f32 v29, v13;
	v53 =	vadd.s32 $0x3, v7;
	v29 =	vld.idx.msk [tilespmem:v55+s16+$0x0], $0xffff  }
0xd9: {  	v0 =	vadd.f32 v3, v0;
	v46 =	vmul.f32 v28, v11;
	v56 =	vadd.s32 $0x13, v7;
	v11 =	vld.idx.msk [tilespmem:v58+s16+$0x0], $0xffff  }
0xda: {  	v57 =	vmul.f32 v27, v15;
	v20 =	vadd.f32 v60, v20;
	v60 =	vadd.s32 $0x23, v7;
	v9 =	vld.idx.msk [tilespmem:v61+s16+$0x0], $0xffff  }
0xdb: {  	v0 =	vadd.f32 v62, v0;
	v62 =	vadd.s32 $0x2B, v7;
	v52 =	vmul.f32 v22, v15;
	v15 =	vld.idx.msk [tilespmem:v49+s16+$0x0], $0xffff  }
0xdc: {  	v59 =	vmul.f32 v41, v1;
	v63 =	vadd.s32 $0x1A, v7;
	v18 =	vadd.f32 v18, v20;
	v20 =	vld.idx.msk [tilespmem:v47+s16+$0x0], $0xffff  }
0xdd: {  	v55 =	vadd.s32 $0xB, v7;
	v36 =	vmul.f32 v36, v2;
	v61 =	vmul.f32 v14, v12;
	v12 =	vld.idx.msk [tilespmem:v53+s16+$0x0], $0xffff  }
0xde: {  	v58 =	vadd.s32 $0x1B, v7;
	v35 =	vmul.f32 v35, v5;
	v49 =	vmul.f32 v45, v2;
	v3 =	vld.idx.msk [tilespmem:v56+s16+$0x0], $0xffff  }
0xdf: {  	v51 =	vmul.f32 v44, v10;
	v0 =	vadd.f32 v46, v0;
	v46 =	vmul.f32 v34, v4;
	v34 =	vld.idx.msk [tilespmem:v60+s16+$0x0], $0xffff  }
0xe0: {  	v44 =	vadd.s32 $0x15, v7;
	v47 =	vadd.s32 $0x4, v7;
	v23 =	vmul.f32 v23, v8;
	v38 =	vld.idx.msk [tilespmem:v62+s16+$0x0], $0xffff  }
0xe1: {  	v6 =	vmul.f32 v6, v10;
	v31 =	vadd.f32 v36, v59;
	v18 =	vadd.f32 v48, v18;
	v22 =	vld.idx.msk [tilespmem:v63+s16+$0x0], $0xffff  }
0xe2: {  	v16 =	vmul.f32 v16, v5;
	v0 =	vadd.f32 v50, v0;
	v50 =	vadd.s32 $0xC, v7;
	v21 =	vld.idx.msk [tilespmem:v55+s16+$0x0], $0xffff  }
0xe3: {  	v48 =	vmul.f32 v33, v1;
	v60 =	vadd.s32 $0x3C, v7;
	v18 =	vadd.f32 v52, v18;
	v27 =	vld.idx.msk [tilespmem:v58+s16+$0x0], $0xffff  }
0xe4: {  	v0 =	vadd.f32 v54, v0;
	v63 =	vadd.s32 $0x33, v7;
	v54 =	vmul.f32 v40, v8;
	v40 =	vld.idx.msk [tilespmem:v42+s16+$0x0], $0xffff  }
0xe5: {  	v53 =	vadd.s32 $0x1C, v7;
	v52 =	vadd.s32 $0x14, v7;
	v28 =	vld.idx.msk [tilespmem:v47+s16+$0x0], $0xffff;
	v14 =	vadd.f32 v17, v18  }
0xe6: {  	v43 =	vadd.f32 v35, v31;
	v31 =	vadd.f32 v49, v48;
	v55 =	vadd.s32 $0x24, v7;
	v18 =	vld.idx.msk [tilespmem:v44+s16+$0x0], $0xffff  }
0xe7: {  	v58 =	vadd.s32 $0x34, v7;
	v0 =	vadd.f32 v57, v0;
	v57 =	vmul.f32 v26, v14;
	v26 =	vld.idx.msk [tilespmem:v50+s16+$0x0], $0xffff  }
0xe8: {  	v25 =	vmul.f32 v25, v2;
	v24 =	vmul.f32 v24, v4;
	v48 =	vadd.s32 $0x2D, v7;
	v35 =	vld.idx.msk [tilespmem:v60+s16+$0x0], $0xffff  }
0xe9: {  	v11 =	vmul.f32 v11, v1;
	v49 =	vadd.s32 $0x35, v7;
	v16 =	vadd.f32 v16, v31;
	v33 =	vld.idx.msk [tilespmem:v63+s16+$0x0], $0xffff  }
0xea: {  	v59 =	vmul.f32 v37, v10;
	v9 =	vmul.f32 v9, v5;
	v17 =	vadd.f32 v46, v43;
	v37 =	vld.idx.msk [tilespmem:v52+s16+$0x0], $0xffff  }
0xeb: {  	v46 =	vadd.s32 $0x1D, v7;
	v11 =	vadd.f32 v25, v11;
	v16 =	vadd.f32 v24, v16;
	v24 =	vld.idx.msk [tilespmem:v55+s16+$0x0], $0xffff  }
0xec: {  	v56 =	vadd.s32 $0x2C, v7;
	v47 =	vadd.s32 $0x25, v7;
	v45 =	vmul.f32 v29, v14;
	v29 =	vld.idx.msk [tilespmem:v58+s16+$0x0], $0xffff  }
0xed: {  	v44 =	vadd.s32 $0x3E, v7;
	v13 =	vadd.f32 v61, v0;
	v9 =	vadd.f32 v9, v11;
	v11 =	vld.idx.msk [tilespmem:v48+s16+$0x0], $0xffff  }
0xee: {  	v62 =	vadd.s32 $0x5, v7;
	v12 =	vmul.f32 v12, v1;
	v55 =	vmul.f32 v27, v4;
	v27 =	vld.idx.msk [tilespmem:v49+s16+$0x0], $0xffff  }
0xef: {  	v50 =	vadd.s32 $0x3D, v7;
	v21 =	vmul.f32 v21, v2;
	v61 =	vmul.f32 v30, v13;
	v30 =	vld.idx.msk [tilespmem:v53+s16+$0x0], $0xffff  }
0xf0: {  	v3 =	vmul.f32 v3, v5;
	v17 =	vadd.f32 v51, v17;
	v51 =	vmul.f32 v22, v4;
	v22 =	vld.idx.msk [tilespmem:v46+s16+$0x0], $0xffff  }
0xf1: {  	v34 =	vmul.f32 v34, v10;
	v16 =	vadd.f32 v59, v16;
	v12 =	vadd.f32 v21, v12;
	v21 =	vld.idx.msk [tilespmem:v47+s16+$0x0], $0xffff  }
0xf2: {  	v60 =	vmul.f32 v15, v14;
	v63 =	vadd.s32 $0xD, v7;
	v17 =	vadd.f32 v54, v17;
	v36 =	vld.idx.msk [tilespmem:v44+s16+$0x0], $0xffff  }
0xf3: {  	v52 =	vadd.s32 $0x6, v7;
	v58 =	vadd.s32 $0x26, v7;
	v16 =	vadd.f32 v23, v16;
	v23 =	vld.idx.msk [tilespmem:v62+s16+$0x0], $0xffff  }
0xf4: {  	v49 =	vadd.s32 $0x17, v7;
	v17 =	vadd.f32 v57, v17;
	v57 =	vmul.f32 v20, v8;
	v20 =	vld.idx.msk [tilespmem:v50+s16+$0x0], $0xffff  }
0xf5: {  	v19 =	vmul.f32 v19, v13;
	v53 =	vadd.s32 $0xE, v7;
	v54 =	vadd.s32 $0x16, v7;
	v50 =	vld [tilespmem:s28+$0x800]  }
0xf6: {  	v59 =	vadd.s32 $0x2E, v7;
	v28 =	vmul.f32 v28, v1;
	v0 =	vadd.f32 v61, v17;
	v17 =	vld.idx.msk [tilespmem:v56+s16+$0x0], $0xffff  }
0xf7: {  	v40 =	vmul.f32 v40, v13;
	v9 =	vadd.f32 v51, v9;
	v46 =	vadd.s32 $0x7, v7;
	v25 =	vld.idx.msk [tilespmem:v63+s16+$0x0], $0xffff  }
0xf8: {  	v47 =	vadd.s32 $0xF, v7;
	v18 =	vmul.f32 v18, v5;
	v62 =	vadd.s32 $0x36, v7;
	v31 =	vld.idx.msk [tilespmem:v52+s16+$0x0], $0xffff  }
0xf9: {  	v3 =	vadd.f32 v3, v12;
	v16 =	vadd.f32 v45, v16;
	v45 =	vmul.f32 v33, v14;
	v33 =	vld.idx.msk [tilespmem:v58+s16+$0x0], $0xffff  }
0xfa: {  	v6 =	vadd.f32 v6, v9;
	v26 =	vmul.f32 v26, v2;
	v56 =	vadd.s32 $0x1E, v7;
	v43 =	vld.idx.msk [tilespmem:v49+s16+$0x0], $0xffff  }
0xfb: {  	v61 =	vmul.f32 v38, v8;
	v63 =	vmul.f32 v32, v13;
	v12 =	vadd.f32 v55, v3;
	v15 =	vld.idx.msk [tilespmem:v53+s16+$0x0], $0xffff  }
0xfc: {  	v51 =	vmul.f32 v37, v5;
	v52 =	vadd.s32 $0x1F, v7;
	v6 =	vadd.f32 v57, v6;
	v39 =	vld.idx.msk [tilespmem:v59+s16+$0x0], $0xffff  }
0xfd: {  	v58 =	vmul.f32 v24, v10;
	v3 =	vadd.f32 v19, v16;
	v19 =	vld.idx.msk [tilespmem:v54+s16+$0x0], $0xffff;
	v12 =	vadd.f32 v34, v12  }
0xfe: {  	v26 =	vadd.f32 v26, v28;
	v53 =	vadd.s32 $0x27, v7;
	v28 =	vld.idx.msk [tilespmem:v46+s16+$0x0], $0xffff;
	v54 =	vadd.s32 $0x2F, v7  }
0xff: {  	v34 =	vld.idx.msk [tilespmem:v62+s16+$0x0], $0xffff;
	v23 =	vmul.f32 v23, v1;
	v12 =	vadd.f32 v61, v12;
	v25 =	vmul.f32 v25, v2  }
0x100: {  	v30 =	vmul.f32 v30, v4;
	v55 =	vadd.s32 $0x37, v7;
	v32 =	vld.idx.msk [tilespmem:v56+s16+$0x0], $0xffff;
	v56 =	vadd.s32 $0x3F, v7  }
0x101: {  	v24 =	vld.idx.msk [tilespmem:v52+s16+$0x0], $0xffff;
	v48 =	vadd.f32 v45, v12;
	v23 =	vadd.f32 v25, v23;
	v12 =	vmul.u32 $0x41, v50  }
0x102: {  	v22 =	vmul.f32 v22, v4;
	v21 =	vmul.f32 v21, v10;
	v6 =	vadd.f32 v60, v6;
	v25 =	vld.idx.msk [tilespmem:v47+s16+$0x0], $0xffff  }
0x103: {  	v60 =	vmul.f32 v17, v8;
	v17 =	vld.idx.msk [tilespmem:v54+s16+$0x0], $0xffff;
	v18 =	vadd.f32 v18, v23;
	v59 =	vadd.s32 $0x8, v12  }
0x104: {  	v26 =	vadd.f32 v51, v26;
	v6 =	vadd.f32 v63, v6;
	v23 =	vld.idx.msk [tilespmem:v53+s16+$0x0], $0xffff;
	v61 =	vadd.s32 $0x10, v12  }
0x105: {  	v63 =	vmul.f32 v29, v14;
	v62 =	vadd.s32 $0x18, v12;
	v29 =	vld.idx.msk [tilespmem:v56+s16+$0x0], $0xffff;
	v18 =	vadd.f32 v22, v18  }
0x106: {  	v11 =	vmul.f32 v11, v8;
	v46 =	vmul.f32 v35, v13;
	v44 =	vadd.s32 $0x20, v12;
	v22 =	vld.idx.msk [tilespmem:v55+s16+$0x0], $0xffff  }
0x107: {  	v57 =	vadd.f32 v30, v26;
	v45 =	vadd.s32 $0x28, v12;
	v18 =	vadd.f32 v21, v18;
	v21 =	vld.idx.msk [tilespmem:v12+s17+$0x0], $0xffff  }
0x108: {  	v31 =	vmul.f32 v31, v1;
	v15 =	vmul.f32 v15, v2;
	v47 =	vadd.s32 $0x30, v12;
	v26 =	vld.idx.msk [tilespmem:v59+s17+$0x0], $0xffff  }
0x109: {  	v7 =	vadd.f32 v40, v48;
	v48 =	vmul.f32 v27, v14;
	v50 =	vadd.s32 $0x1, v12;
	v27 =	vld.idx.msk [tilespmem:v61+s17+$0x0], $0xffff  }
0x10a: {  	v20 =	vmul.f32 v20, v13;
	v9 =	vadd.f32 v58, v57;
	v51 =	vadd.s32 $0x9, v12;
	v37 =	vld.idx.msk [tilespmem:v62+s17+$0x0], $0xffff  }
0x10b: {  	v19 =	vmul.f32 v19, v5;
	v15 =	vadd.f32 v15, v31;
	v52 =	vadd.s32 $0x11, v12;
	v38 =	vld.idx.msk [tilespmem:v44+s17+$0x0], $0xffff  }
0x10c: {  	v1 =	vmul.f32 v28, v1;
	v57 =	vmul.f32 v33, v10;
	v42 =	vadd.s32 $0xA, v12;
	v31 =	vld.idx.msk [tilespmem:v45+s17+$0x0], $0xffff  }
0x10d: {  	v9 =	vadd.f32 v60, v9;
	v15 =	vadd.f32 v19, v15;
	v56 =	vadd.s32 $0x29, v12;
	v16 =	vld.idx.msk [tilespmem:v47+s17+$0x0], $0xffff  }
0x10e: {  	v54 =	vmul.f32 v32, v4;
	v55 =	vadd.s32 $0x21, v12;
	v2 =	vmul.f32 v25, v2;
	v25 =	vld.idx.msk [tilespmem:v50+s17+$0x0], $0xffff  }
0x10f: {  	v49 =	vadd.s32 $0x38, v12;
	v9 =	vadd.f32 v63, v9;
	v63 =	vadd.s32 $0x2, v12;
	v58 =	vld.idx.msk [tilespmem:v51+s17+$0x0], $0xffff  }
0x110: {  	v60 =	vmul.f32 v43, v5;
	v15 =	vadd.f32 v54, v15;
	v54 =	vadd.s32 $0x1B, v12;
	v5 =	vld.idx.msk [tilespmem:v52+s17+$0x0], $0xffff  }
0x111: {  	v53 =	vadd.s32 $0x19, v12;
	v43 =	vmul.f32 v34, v14;
	v41 =	vmul.f32 v24, v4;
	v24 =	vld.idx.msk [tilespmem:v42+s17+$0x0], $0xffff  }
0x112: {  	v40 =	vadd.s32 $0x3, v12;
	v59 =	vadd.s32 $0x31, v12;
	v11 =	vadd.f32 v11, v18;
	v28 =	vld.idx.msk [tilespmem:v56+s17+$0x0], $0xffff  }
0x113: {  	v1 =	vadd.f32 v2, v1;
	v61 =	vadd.s32 $0x39, v12;
	v15 =	vadd.f32 v57, v15;
	v4 =	vld.idx.msk [tilespmem:v55+s17+$0x0], $0xffff  }
0x114: {  	v62 =	vmul.f32 v39, v8;
	v44 =	vadd.s32 $0x12, v12;
	v50 =	vld.idx.msk [tilespmem:v63+s17+$0x0], $0xffff;
	v18 =	vadd.f32 v48, v11  }
0x115: {  	v45 =	vmul.f32 v23, v10;
	v47 =	vmul.f32 v36, v13;
	v51 =	vadd.s32 $0xB, v12;
	v19 =	vld.idx.msk [tilespmem:v54+s17+$0x0], $0xffff  }
0x116: {  	v57 =	vadd.s32 $0x23, v12;
	v11 =	vadd.f32 v46, v9;
	v9 =	vadd.f32 v20, v18;
	v20 =	vld.idx.msk [tilespmem:v49+s17+$0x0], $0xffff  }
0x117: {  	v1 =	vadd.f32 v60, v1;
	v15 =	vadd.f32 v62, v15;
	v60 =	vadd.s32 $0x2A, v12;
	v18 =	vld.idx.msk [tilespmem:v53+s17+$0x0], $0xffff  }
0x118: {  	v62 =	vmul.f32 v22, v14;
	v63 =	vadd.s32 $0x3A, v12;
	v46 =	vadd.s32 $0x1A, v12;
	v10 =	vld.idx.msk [tilespmem:v59+s17+$0x0], $0xffff  }
0x119: {  	v48 =	vadd.s32 $0x22, v12;
	v54 =	vadd.s32 $0xD, v12;
	v1 =	vadd.f32 v41, v1;
	v33 =	vld.idx.msk [tilespmem:v61+s17+$0x0], $0xffff  }
0x11a: {  	v15 =	vadd.f32 v43, v15;
	v21 =	vmul.f32 v21, v0;
	v41 =	vmul.f32 v29, v13;
	v22 =	vld.idx.msk [tilespmem:v44+s17+$0x0], $0xffff  }
0x11b: {  	v43 =	vadd.s32 $0xC, v12;
	v49 =	vmul.f32 v17, v8;
	v26 =	vmul.f32 v26, v3;
	v29 =	vld.idx.msk [tilespmem:v51+s17+$0x0], $0xffff  }
0x11c: {  	v61 =	vadd.s32 $0x32, v12;
	v39 =	vmul.f32 v27, v6;
	v52 =	vmul.f32 v37, v7;
	v17 =	vld.idx.msk [tilespmem:v60+s17+$0x0], $0xffff  }
0x11d: {  	v25 =	vmul.f32 v25, v0;
	v32 =	vmul.f32 v58, v3;
	v36 =	vadd.f32 v26, v21;
	v26 =	vld.idx.msk [tilespmem:v40+s17+$0x0], $0xffff  }
0x11e: {  	v53 =	vadd.s32 $0x13, v12;
	v56 =	vmul.f32 v38, v11;
	v58 =	vadd.s32 $0x2B, v12;
	v40 =	vld.idx.msk [tilespmem:v57+s17+$0x0], $0xffff  }
0x11f: {  	v5 =	vmul.f32 v5, v6;
	v24 =	vmul.f32 v24, v3;
	v25 =	vadd.f32 v32, v25;
	v23 =	vld.idx.msk [tilespmem:v46+s17+$0x0], $0xffff  }
0x120: {  	v1 =	vadd.f32 v45, v1;
	v14 =	vadd.f32 v47, v15;
	v45 =	vadd.s32 $0x14, v12;
	v42 =	vld.idx.msk [tilespmem:v48+s17+$0x0], $0xffff  }
0x121: {  	v47 =	vadd.s32 $0x24, v12;
	v60 =	vadd.s32 $0x33, v12;
	v38 =	vadd.f32 v5, v25;
	v25 =	vld.idx.msk [tilespmem:v43+s17+$0x0], $0xffff  }
0x122: {  	v8 =	vmul.f32 v50, v0;
	v50 =	vadd.s32 $0x34, v12;
	v21 =	vadd.f32 v39, v36;
	v2 =	vld.idx.msk [tilespmem:v61+s17+$0x0], $0xffff  }
0x123: {  	v59 =	vmul.f32 v31, v9;
	v4 =	vmul.f32 v4, v11;
	v57 =	vadd.s32 $0x1D, v12;
	v61 =	vld.idx.msk [tilespmem:v53+s17+$0x0], $0xffff  }
0x124: {  	v1 =	vadd.f32 v49, v1;
	v16 =	vmul.f32 v16, v14;
	v55 =	vadd.f32 v52, v21;
	v21 =	vld.idx.msk [tilespmem:v63+s17+$0x0], $0xffff  }
0x125: {  	v46 =	vadd.s32 $0x1C, v12;
	v48 =	vmul.f32 v28, v9;
	v51 =	vmul.f32 v10, v14;
	v10 =	vld.idx.msk [tilespmem:v45+s17+$0x0], $0xffff  }
0x126: {  	v49 =	vadd.s32 $0x2C, v12;
	v19 =	vmul.f32 v19, v7;
	v1 =	vadd.f32 v62, v1;
	v31 =	vld.idx.msk [tilespmem:v60+s17+$0x0], $0xffff  }
0x127: {  	v8 =	vadd.f32 v24, v8;
	v62 =	vadd.s32 $0x3B, v12;
	v39 =	vmul.f32 v18, v7;
	v36 =	vld.idx.msk [tilespmem:v50+s17+$0x0], $0xffff  }
0x128: {  	v22 =	vmul.f32 v22, v6;
	v53 =	vadd.s32 $0x5, v12;
	v13 =	vadd.f32 v41, v1;
	v41 =	vld.idx.msk [tilespmem:v54+s17+$0x0], $0xffff  }
0x129: {  	v29 =	vmul.f32 v29, v3;
	v63 =	vadd.s32 $0x4, v12;
	v52 =	vadd.s32 $0x3C, v12;
	v45 =	vld.idx.msk [tilespmem:v57+s17+$0x0], $0xffff  }
0x12a: {  	v5 =	vadd.f32 v39, v38;
	v8 =	vadd.f32 v22, v8;
	v26 =	vmul.f32 v26, v0;
	v24 =	vld.idx.msk [tilespmem:v46+s17+$0x0], $0xffff  }
0x12b: {  	v17 =	vmul.f32 v17, v9;
	v15 =	vadd.f32 v56, v55;
	v55 =	vmul.f32 v23, v7;
	v23 =	vld.idx.msk [tilespmem:v49+s17+$0x0], $0xffff  }
0x12c: {  	v18 =	vmul.f32 v40, v11;
	v56 =	vadd.s32 $0x15, v12;
	v44 =	vmul.f32 v20, v13;
	v20 =	vld.idx.msk [tilespmem:v58+s17+$0x0], $0xffff  }
0x12d: {  	v50 =	vadd.s32 $0x1E, v12;
	v57 =	vadd.s32 $0x3E, v12;
	v60 =	vmul.f32 v61, v6;
	v61 =	vld.idx.msk [tilespmem:v53+s17+$0x0], $0xffff  }
0x12e: {  	v46 =	vadd.s32 $0xE, v12;
	v4 =	vadd.f32 v4, v5;
	v15 =	vadd.f32 v59, v15;
	v28 =	vld.idx.msk [tilespmem:v63+s17+$0x0], $0xffff  }
0x12f: {  	v5 =	vmul.f32 v33, v13;
	v58 =	vmul.f32 v42, v11;
	v42 =	vadd.s32 $0x35, v12;
	v27 =	vld.idx.msk [tilespmem:v52+s17+$0x0], $0xffff  }
0x130: {  	v26 =	vadd.f32 v29, v26;
	v59 =	vadd.s32 $0x25, v12;
	v15 =	vadd.f32 v16, v15;
	v16 =	vld.idx.msk [tilespmem:v47+s17+$0x0], $0xffff  }
0x131: {  	v25 =	vmul.f32 v25, v3;
	v8 =	vadd.f32 v55, v8;
	v55 =	vadd.s32 $0x36, v12;
	v43 =	vld.idx.msk [tilespmem:v56+s17+$0x0], $0xffff  }
0x132: {  	v2 =	vmul.f32 v2, v14;
	v63 =	vadd.s32 $0x6, v12;
	v56 =	vmul.f32 v24, v7;
	v24 =	vld.idx.msk [tilespmem:v50+s17+$0x0], $0xffff  }
0x133: {  	v4 =	vadd.f32 v48, v4;
	v48 =	vadd.s32 $0x16, v12;
	v1 =	vadd.f32 v44, v15;
	v15 =	vld.idx.msk [tilespmem:v62+s17+$0x0], $0xffff  }
0x134: {  	v53 =	vadd.s32 $0x2E, v12;
	v26 =	vadd.f32 v60, v26;
	v49 =	vmul.f32 v20, v9;
	v20 =	vld.idx.msk [tilespmem:v42+s17+$0x0], $0xffff  }
0x135: {  	v10 =	vmul.f32 v10, v6;
	v8 =	vadd.f32 v58, v8;
	v47 =	vmul.f32 v21, v13;
	v40 =	vld.idx.msk [tilespmem:v59+s17+$0x0], $0xffff  }
0x136: {  	v22 =	vmul.f32 v41, v3;
	v41 =	vmul.f32 v23, v9;
	v19 =	vadd.f32 v19, v26;
	v23 =	vld.idx.msk [tilespmem:v55+s17+$0x0], $0xffff  }
0x137: {  	v52 =	vmul.f32 v31, v14;
	v4 =	vadd.f32 v51, v4;
	v51 =	vadd.s32 $0x26, v12;
	v31 =	vld.idx.msk [tilespmem:v63+s17+$0x0], $0xffff  }
0x138: {  	v36 =	vmul.f32 v36, v14;
	v62 =	vadd.s32 $0x2D, v12;
	v18 =	vadd.f32 v18, v19;
	v19 =	vld.idx.msk [tilespmem:v48+s17+$0x0], $0xffff  }
0x139: {  	v44 =	vadd.s32 $0x3D, v12;
	v8 =	vadd.f32 v17, v8;
	v28 =	vmul.f32 v28, v0;
	v63 =	vld [tilespmem:s28+$0xA00]  }
0x13a: {  	v42 =	vadd.s32 $0x1F, v12;
	v58 =	vmul.f32 v61, v0;
	v60 =	vmul.f32 v16, v11;
	v16 =	vld.idx.msk [tilespmem:v53+s17+$0x0], $0xffff  }
0x13b: {  	v17 =	vmul.f32 v45, v7;
	v2 =	vadd.f32 v2, v8;
	v54 =	vadd.f32 v25, v28;
	v25 =	vld.idx.msk [tilespmem:v46+s17+$0x0], $0xffff  }
0x13c: {  	v4 =	vadd.f32 v5, v4;
	v59 =	vadd.s32 $0x7, v12;
	v22 =	vadd.f32 v22, v58;
	v32 =	vld.idx.msk [tilespmem:v51+s17+$0x0], $0xffff  }
0x13d: {  	v61 =	vadd.s32 $0xF, v12;
	v18 =	vadd.f32 v49, v18;
	v2 =	vadd.f32 v47, v2;
	v21 =	vld.idx.msk [tilespmem:v62+s17+$0x0], $0xffff  }
0x13e: {  	v29 =	vmul.f32 v43, v6;
	v46 =	vadd.s32 $0x2F, v12;
	v47 =	vadd.s32 $0x37, v12;
	v35 =	vld.idx.msk [tilespmem:v44+s17+$0x0], $0xffff  }
0x13f: {  	v51 =	vmul.f32 v27, v13;
	v62 =	vadd.s32 $0x17, v12;
	v44 =	vadd.s32 $0x27, v12;
	v50 =	vld.idx.msk [tilespmem:v42+s17+$0x0], $0xffff  }
0x140: {  	v15 =	vmul.f32 v15, v13;
	v12 =	vadd.s32 $0x3F, v12;
	v43 =	vadd.f32 v29, v22;
	v22 =	vld.idx.msk [tilespmem:v57+s17+$0x0], $0xffff  }
0x141: {  	v18 =	vadd.f32 v52, v18;
	v5 =	vadd.f32 v10, v54;
	v45 =	vld.idx.msk [tilespmem:v59+s17+$0x0], $0xffff;
	v26 =	vmul.f32 v40, v11  }
0x142: {  	v34 =	vld.idx.msk [tilespmem:v61+s17+$0x0], $0xffff;
	v54 =	vmul.f32 v20, v14;
	v8 =	vmul.u32 $0x41, v63;
	v31 =	vmul.f32 v31, v0  }
0x143: {  	v19 =	vmul.f32 v19, v6;
	v5 =	vadd.f32 v56, v5;
	v17 =	vadd.f32 v17, v43;
	v20 =	vld.idx.msk [tilespmem:v46+s17+$0x0], $0xffff  }
0x144: {  	v16 =	vmul.f32 v16, v9;
	v53 =	vadd.s32 $0x8, v8;
	v55 =	vadd.s32 $0x10, v8;
	v33 =	vld.idx.msk [tilespmem:v47+s17+$0x0], $0xffff  }
0x145: {  	v25 =	vmul.f32 v25, v3;
	v56 =	vadd.s32 $0x18, v8;
	v37 =	vadd.s32 $0x20, v8;
	v30 =	vld.idx.msk [tilespmem:v62+s17+$0x0], $0xffff  }
0x146: {  	v59 =	vadd.s32 $0x28, v8;
	v61 =	vadd.s32 $0x30, v8;
	v63 =	vadd.s32 $0x38, v8;
	v52 =	vld.idx.msk [tilespmem:v44+s17+$0x0], $0xffff  }
0x147: {  	v39 =	vmul.f32 v32, v11;
	v40 =	vadd.s32 $0x9, v8;
	v57 =	vmul.f32 v35, v13;
	v35 =	vld.idx.msk [tilespmem:v12+s17+$0x0], $0xffff  }
0x148: {  	v42 =	vadd.s32 $0x11, v8;
	v43 =	vadd.s32 $0x19, v8;
	v46 =	vmul.f32 v23, v14;
	v58 =	vld.idx.msk [tilespmem:v8+s18+$0x0], $0xffff  }
0x149: {  	v5 =	vadd.f32 v60, v5;
	v48 =	vadd.f32 v26, v17;
	v49 =	vmul.f32 v21, v9;
	v60 =	vld.idx.msk [tilespmem:v53+s18+$0x0], $0xffff  }
0x14a: {  	v62 =	vmul.f32 v24, v7;
	v44 =	vmul.f32 v50, v7;
	v25 =	vadd.f32 v25, v31;
	v24 =	vld.idx.msk [tilespmem:v55+s18+$0x0], $0xffff  }
0x14b: {  	v0 =	vmul.f32 v45, v0;
	v3 =	vmul.f32 v34, v3;
	v10 =	vadd.f32 v41, v5;
	v27 =	vld.idx.msk [tilespmem:v56+s18+$0x0], $0xffff  }
0x14c: {  	v45 =	vadd.s32 $0x21, v8;
	v5 =	vadd.f32 v15, v18;
	v15 =	vadd.f32 v49, v48;
	v29 =	vld.idx.msk [tilespmem:v37+s18+$0x0], $0xffff  }
0x14d: {  	v34 =	vadd.s32 $0x1A, v8;
	v19 =	vadd.f32 v19, v25;
	v0 =	vadd.f32 v3, v0;
	v17 =	vld.idx.msk [tilespmem:v61+s18+$0x0], $0xffff  }
0x14e: {  	v48 =	vadd.s32 $0x29, v8;
	v10 =	vadd.f32 v36, v10;
	v15 =	vadd.f32 v54, v15;
	v7 =	vld.idx.msk [tilespmem:v63+s18+$0x0], $0xffff  }
0x14f: {  	v36 =	vadd.s32 $0x1, v8;
	v53 =	vld.idx.msk [tilespmem:v42+s18+$0x0], $0xffff;
	v54 =	vadd.s32 $0x39, v8;
	v55 =	vmul.f32 v20, v9  }
0x150: {  	v56 =	vld.idx.msk [tilespmem:v43+s18+$0x0], $0xffff;
	v37 =	vadd.s32 $0x2A, v8;
	v42 =	vadd.s32 $0x3A, v8;
	v43 =	vadd.s32 $0x3, v8  }
0x151: {  	v50 =	vld.idx.msk [tilespmem:v40+s18+$0x0], $0xffff;
	v19 =	vadd.f32 v62, v19;
	v41 =	vmul.f32 v30, v6;
	v49 =	vmul.f32 v52, v11  }
0x152: {  	v6 =	vld.idx.msk [tilespmem:v59+s18+$0x0], $0xffff;
	v52 =	vmul.f32 v22, v13;
	v59 =	vadd.s32 $0xA, v8;
	v62 =	vadd.s32 $0x12, v8  }
0x153: {  	v13 =	vmul.f32 v35, v13;
	v35 =	vadd.s32 $0x22, v8;
	v12 =	vadd.f32 v51, v10;
	v18 =	vld.idx.msk [tilespmem:v45+s18+$0x0], $0xffff  }
0x154: {  	v10 =	vadd.f32 v57, v15;
	v51 =	vadd.s32 $0x31, v8;
	v57 =	vadd.s32 $0x2, v8;
	v26 =	vld.idx.msk [tilespmem:v34+s18+$0x0], $0xffff  }
0x155: {  	v45 =	vadd.s32 $0xB, v8;
	v19 =	vadd.f32 v39, v19;
	v0 =	vadd.f32 v41, v0;
	v61 =	vld.idx.msk [tilespmem:v48+s18+$0x0], $0xffff  }
0x156: {  	v39 =	vadd.s32 $0x32, v8;
	v58 =	vmul.f32 v58, v1;
	v47 =	vld.idx.msk [tilespmem:v36+s18+$0x0], $0xffff;
	v15 =	vmul.f32 v60, v4  }
0x157: {  	v48 =	vadd.s32 $0x1B, v8;
	v60 =	vmul.f32 v33, v14;
	v63 =	vmul.f32 v24, v2;
	v28 =	vld.idx.msk [tilespmem:v54+s18+$0x0], $0xffff  }
0x158: {  	v16 =	vadd.f32 v16, v19;
	v36 =	vmul.f32 v27, v5;
	v11 =	vmul.f32 v50, v4;
	v50 =	vld.idx.msk [tilespmem:v43+s18+$0x0], $0xffff  }
0x159: {  	v0 =	vadd.f32 v44, v0;
	v40 =	vmul.f32 v29, v12;
	v22 =	vmul.f32 v53, v2;
	v38 =	vld.idx.msk [tilespmem:v59+s18+$0x0], $0xffff  }
0x15a: {  	v9 =	vmul.f32 v56, v5;
	v54 =	vadd.s32 $0x33, v8;
	v56 =	vadd.s32 $0x3B, v8;
	v41 =	vld.idx.msk [tilespmem:v62+s18+$0x0], $0xffff  }
0x15b: {  	v43 =	vadd.s32 $0x34, v8;
	v6 =	vmul.f32 v6, v10;
	v44 =	vld.idx.msk [tilespmem:v35+s18+$0x0], $0xffff;
	v16 =	vadd.f32 v46, v16  }
0x15c: {  	v59 =	vadd.s32 $0x4, v8;
	v0 =	vadd.f32 v49, v0;
	v15 =	vadd.f32 v15, v58;
	v33 =	vld.idx.msk [tilespmem:v51+s18+$0x0], $0xffff  }
0x15d: {  	v20 =	vld.idx.msk [tilespmem:v57+s18+$0x0], $0xffff;
	v46 =	vadd.s32 $0x13, v8;
	v49 =	vadd.s32 $0x23, v8;
	v51 =	vadd.s32 $0x2B, v8  }
0x15e: {  	v53 =	vld.idx.msk [tilespmem:v45+s18+$0x0], $0xffff;
	v45 =	vadd.s32 $0x3C, v8;
	v57 =	vmul.f32 v61, v10;
	v0 =	vadd.f32 v55, v0  }
0x15f: {  	v58 =	vld.idx.msk [tilespmem:v48+s18+$0x0], $0xffff;
	v15 =	vadd.f32 v63, v15;
	v3 =	vadd.f32 v52, v16;
	v52 =	vmul.f32 v18, v12  }
0x160: {  	v16 =	vld.idx.msk [tilespmem:v39+s18+$0x0], $0xffff;
	v63 =	vadd.s32 $0x14, v8;
	v23 =	vmul.f32 v47, v1;
	v0 =	vadd.f32 v60, v0  }
0x161: {  	v27 =	vld.idx.msk [tilespmem:v56+s18+$0x0], $0xffff;
	v15 =	vadd.f32 v36, v15;
	v47 =	vmul.f32 v17, v3;
	v36 =	vmul.f32 v41, v2  }
0x162: {  	v60 =	vadd.s32 $0xC, v8;
	v41 =	vmul.f32 v26, v5;
	v17 =	vld.idx.msk [tilespmem:v59+s18+$0x0], $0xffff;
	v19 =	vmul.f32 v44, v12  }
0x163: {  	v11 =	vadd.f32 v11, v23;
	v23 =	vld.idx.msk [tilespmem:v37+s18+$0x0], $0xffff;
	v20 =	vmul.f32 v20, v1;
	v61 =	vmul.f32 v33, v3  }
0x164: {  	v25 =	vld.idx.msk [tilespmem:v49+s18+$0x0], $0xffff;
	v18 =	vmul.f32 v53, v4;
	v53 =	vadd.s32 $0x1D, v8;
	v0 =	vadd.f32 v13, v0  }
0x165: {  	v62 =	vld.idx.msk [tilespmem:v51+s18+$0x0], $0xffff;
	v15 =	vadd.f32 v40, v15;
	v13 =	vmul.f32 v38, v4;
	v38 =	vadd.s32 $0x1C, v8  }
0x166: {  	v37 =	vld.idx.msk [tilespmem:v54+s18+$0x0], $0xffff;
	v40 =	vadd.s32 $0x24, v8;
	v14 =	vmul.f32 v58, v5;
	v58 =	vadd.s32 $0x2D, v8  }
0x167: {  	v11 =	vadd.f32 v22, v11;
	v22 =	vld.idx.msk [tilespmem:v42+s18+$0x0], $0xffff;
	v42 =	vadd.s32 $0x2C, v8;
	v16 =	vmul.f32 v16, v3  }
0x168: {  	v44 =	vld.idx.msk [tilespmem:v63+s18+$0x0], $0xffff;
	v63 =	vadd.s32 $0x3D, v8;
	v6 =	vadd.f32 v6, v15;
	v7 =	vmul.f32 v7, v0  }
0x169: {  	v55 =	vld.idx.msk [tilespmem:v46+s18+$0x0], $0xffff;
	v13 =	vadd.f32 v13, v20;
	v39 =	vmul.f32 v28, v0;
	v15 =	vmul.f32 v50, v1  }
0x16a: {  	v50 =	vadd.s32 $0xD, v8;
	v9 =	vadd.f32 v9, v11;
	v31 =	vld.idx.msk [tilespmem:v60+s18+$0x0], $0xffff;
	v17 =	vmul.f32 v17, v1  }
0x16b: {  	v6 =	vadd.f32 v47, v6;
	v13 =	vadd.f32 v36, v13;
	v54 =	vmul.f32 v25, v12;
	v25 =	vld.idx.msk [tilespmem:v45+s18+$0x0], $0xffff  }
0x16c: {  	v15 =	vadd.f32 v18, v15;
	v47 =	vadd.s32 $0x5, v8;
	v36 =	vmul.f32 v37, v3;
	v37 =	vld.idx.msk [tilespmem:v53+s18+$0x0], $0xffff  }
0x16d: {  	v48 =	vmul.f32 v23, v10;
	v59 =	vmul.f32 v62, v10;
	v53 =	vadd.s32 $0xF, v8;
	v46 =	vld.idx.msk [tilespmem:v38+s18+$0x0], $0xffff  }
0x16e: {  	v9 =	vadd.f32 v52, v9;
	v49 =	vld.idx.msk [tilespmem:v40+s18+$0x0], $0xffff;
	v52 =	vadd.s32 $0x15, v8;
	v38 =	vadd.s32 $0x6, v8  }
0x16f: {  	v40 =	vmul.f32 v27, v0;
	v6 =	vadd.f32 v7, v6;
	v13 =	vadd.f32 v41, v13;
	v51 =	vld.idx.msk [tilespmem:v42+s18+$0x0], $0xffff  }
0x170: {  	v7 =	vmul.f32 v55, v2;
	v55 =	vadd.s32 $0x25, v8;
	v20 =	vmul.f32 v44, v2;
	v28 =	vld.idx.msk [tilespmem:v63+s18+$0x0], $0xffff  }
0x171: {  	v22 =	vmul.f32 v22, v0;
	v42 =	vadd.s32 $0x16, v8;
	v9 =	vadd.f32 v57, v9;
	v60 =	vld.idx.msk [tilespmem:v50+s18+$0x0], $0xffff  }
0x172: {  	v50 =	vadd.s32 $0x7, v8;
	v13 =	vadd.f32 v19, v13;
	v7 =	vadd.f32 v7, v15;
	v19 =	vld.idx.msk [tilespmem:v43+s18+$0x0], $0xffff  }
0x173: {  	v62 =	vmul.f32 v31, v4;
	v43 =	vadd.s32 $0x1E, v8;
	v9 =	vadd.f32 v61, v9;
	v57 =	vld.idx.msk [tilespmem:v47+s18+$0x0], $0xffff  }
0x174: {  	v61 =	vadd.s32 $0x35, v8;
	v21 =	vmul.f32 v37, v5;
	v13 =	vadd.f32 v48, v13;
	v26 =	vld.idx.msk [tilespmem:v52+s18+$0x0], $0xffff  }
0x175: {  	v25 =	vmul.f32 v25, v0;
	v7 =	vadd.f32 v14, v7;
	v17 =	vadd.f32 v62, v17;
	v45 =	vld.idx.msk [tilespmem:v38+s18+$0x0], $0xffff  }
0x176: {  	v18 =	vmul.f32 v46, v5;
	v44 =	vmul.f32 v49, v12;
	v46 =	vadd.s32 $0x26, v8;
	v29 =	vld.idx.msk [tilespmem:v55+s18+$0x0], $0xffff  }
0x177: {  	v49 =	vadd.s32 $0x2E, v8;
	v62 =	vadd.s32 $0x27, v8;
	v15 =	vmul.f32 v51, v10;
	v51 =	vld [tilespmem:s28+$0xC00]  }
0x178: {  	v9 =	vadd.f32 v39, v9;
	v39 =	vadd.s32 $0xE, v8;
	v52 =	vld.idx.msk [tilespmem:v42+s18+$0x0], $0xffff;
	v56 =	vadd.f32 v16, v13  }
0x179: {  	v55 =	vadd.s32 $0x36, v8;
	v7 =	vadd.f32 v54, v7;
	v16 =	vld.idx.msk [tilespmem:v58+s18+$0x0], $0xffff;
	v17 =	vadd.f32 v20, v17  }
0x17a: {  	v24 =	vmul.f32 v60, v4;
	v58 =	vadd.s32 $0x17, v8;
	v60 =	vld.idx.msk [tilespmem:v53+s18+$0x0], $0xffff;
	v19 =	vmul.f32 v19, v3  }
0x17b: {  	v54 =	vld.idx.msk [tilespmem:v43+s18+$0x0], $0xffff;
	v7 =	vadd.f32 v59, v7;
	v13 =	vmul.f32 v57, v1;
	v17 =	vadd.f32 v18, v17  }
0x17c: {  	v41 =	vld.idx.msk [tilespmem:v61+s18+$0x0], $0xffff;
	v11 =	vadd.f32 v22, v56;
	v57 =	vadd.s32 $0x3E, v8;
	v59 =	vadd.s32 $0x1F, v8  }
0x17d: {  	v18 =	vld.idx.msk [tilespmem:v50+s18+$0x0], $0xffff;
	v47 =	vmul.f32 v26, v2;
	v23 =	vmul.f32 v45, v1;
	v7 =	vadd.f32 v36, v7  }
0x17e: {  	v56 =	vld.idx.msk [tilespmem:v46+s18+$0x0], $0xffff;
	v13 =	vadd.f32 v24, v13;
	v17 =	vadd.f32 v44, v17;
	v29 =	vmul.f32 v29, v12  }
0x17f: {  	v30 =	vld.idx.msk [tilespmem:v49+s18+$0x0], $0xffff;
	v33 =	vmul.u32 $0x9, v51;
	v24 =	vmul.f32 v52, v2;
	v36 =	vadd.s32 $0x2F, v8  }
0x180: {  	v48 =	vld.idx.msk [tilespmem:v39+s18+$0x0], $0xffff;
	v39 =	vadd.s32 $0x37, v8;
	v8 =	vadd.s32 $0x3F, v8;
	v16 =	vmul.f32 v16, v10  }
0x181: {  	v22 =	vld.idx.msk [tilespmem:v55+s18+$0x0], $0xffff;
	v13 =	vadd.f32 v47, v13;
	v7 =	vadd.f32 v40, v7;
	v61 =	vadd.s32 $0x1, v33  }
0x182: {  	v63 =	vld.idx.msk [tilespmem:v58+s18+$0x0], $0xffff;
	v15 =	vadd.f32 v15, v17;
	v14 =	vmul.f32 v54, v5;
	v34 =	vadd.s32 $0x2, v33  }
0x183: {  	v38 =	vadd.s32 $0x3, v33;
	v40 =	vld.idx.msk [tilespmem:v62+s18+$0x0], $0xffff;
	v44 =	vadd.s32 $0x5, v33;
	v53 =	vadd.s32 $0x7, v33  }
0x184: {  	v35 =	vld.idx.msk [tilespmem:v59+s18+$0x0], $0xffff;
	v1 =	vmul.f32 v18, v1;
	v20 =	vmul.f32 v41, v3;
	v41 =	vadd.s32 $0x4, v33  }
0x185: {  	v13 =	vadd.f32 v21, v13;
	v17 =	vmul.f32 v56, v12;
	v26 =	vmul.f32 v48, v4;
	v37 =	vld.idx.msk [tilespmem:v33+s19+$0x0], $0xffff  }
0x186: {  	v15 =	vadd.f32 v19, v15;
	v42 =	vmul.f32 v30, v10;
	v4 =	vmul.f32 v60, v4;
	v27 =	vld.idx.msk [tilespmem:v61+s19+$0x0], $0xffff  }
0x187: {  	v21 =	vld.idx.msk [tilespmem:v57+s18+$0x0], $0xffff;
	v56 =	vmul.f32 v28, v0;
	v48 =	vadd.s32 $0x6, v33;
	v23 =	vadd.f32 v26, v23  }
0x188: {  	v13 =	vadd.f32 v29, v13;
	v2 =	vmul.f32 v63, v2;
	v1 =	vadd.f32 v4, v1;
	v19 =	vld.idx.msk [tilespmem:v34+s19+$0x0], $0xffff  }
0x189: {  	v43 =	vld.idx.msk [tilespmem:v36+s18+$0x0], $0xffff;
	v50 =	vmul.f32 v22, v3;
	v15 =	vadd.f32 v25, v15;
	v23 =	vadd.f32 v24, v23  }
0x18a: {  	v46 =	vld.idx.msk [tilespmem:v38+s19+$0x0], $0xffff;
	v49 =	vmul.f32 v40, v12;
	v45 =	vmul.f32 v35, v5;
	v1 =	vadd.f32 v2, v1  }
0x18b: {  	v47 =	vld.idx.msk [tilespmem:v39+s18+$0x0], $0xffff;
	v14 =	vadd.f32 v14, v23;
	v6 =	vmul.f32 v37, v6;
	v9 =	vmul.f32 v27, v9  }
0x18c: {  	v13 =	vadd.f32 v16, v13;
	v51 =	vld.idx.msk [tilespmem:v41+s19+$0x0], $0xffff;
	v57 =	vmul.f32 v21, v0;
	v1 =	vadd.f32 v45, v1  }
0x18d: {  	v8 =	vld.idx.msk [tilespmem:v8+s18+$0x0], $0xffff;
	v52 =	vmul.f32 v19, v11;
	v14 =	vadd.f32 v17, v14;
	v6 =	vadd.f32 v9, v6  }
0x18e: {  	v55 =	vld.idx.msk [tilespmem:v44+s19+$0x0], $0xffff;
	v13 =	vadd.f32 v20, v13;
	v54 =	vmul.f32 v43, v10;
	v1 =	vadd.f32 v49, v1  }
0x18f: {  	v5 =	vmul.f32 v46, v7;
	v14 =	vadd.f32 v42, v14;
	v6 =	vadd.f32 v52, v6  }
0x190: {  	v58 =	vmul.f32 v47, v3;
	v59 =	vld.idx.msk [tilespmem:v48+s19+$0x0], $0xffff;
	v7 =	vadd.f32 v56, v13;
	v1 =	vadd.f32 v54, v1  }
0x191: {  	v60 =	vmul.f32 v51, v15;
	v4 =	vadd.f32 v50, v14;
	v5 =	vadd.f32 v5, v6  }
0x192: {  	v61 =	vld.idx.msk [tilespmem:v53+s19+$0x0], $0xffff;
	v0 =	vmul.f32 v8, v0;
	v1 =	vadd.f32 v58, v1  }
0x193: {  	v62 =	vmul.f32 v55, v7;
	v4 =	vadd.f32 v57, v4;
	v5 =	vadd.f32 v60, v5;
	_ =	sdelay $0x1  }
0x194: {  	v0 =	vadd.f32 v0, v1;
	v3 =	vmul.f32 v59, v4;
	v63 =	vadd.f32 v62, v5  }
0x195: {  	p0 =	sne.s32 s26, $0x1F0  }
.Ltmp0:
0x196: {  	v0 =	vmul.f32 v61, v0;
	v1 =	vadd.f32 v3, v63;
	(pc) =	sbr.rel @p0 .LBB2_2-.Ltmp0, $3  }
0x197: {  	_ = 	snop  }
0x198: {  	v0 =	vadd.f32 v0, v1;
	_ =	sdelay $0x1  }
0x199: {  	s25 =	sadd.s32 $0x10, s25;
	s26 =	sadd.s32 $0x10, s26;
	[tilespmem:s24+$0x0] =	vst v0;
	s24 =	sadd.s32 $0x10, s24  }
0x19a: {  	s23 =	sadd.s32 $0x1, s23  }
0x19b: {  	p0 =	sne.s32 s23, s12  }
.Ltmp1:
0x19c: {  	_ = 	snop;
	(pc) =	sbr.rel @p0 .LBB2_1-.Ltmp1, $4  }
0x19d: {  	[hbm4b:s11+s2] =	stream.linear.scatter [tilespmem:s21], [sflag:$0x2], $0x200, $0x38;
	[tilespmem:$0x6780] =	vst v63  }
0x19e: {  	_ =	swait.ge [sflag:s22], $0x200  }
0x19f: {  	[sflag:s22] =	ssyncset.done $0x0  }
0x1a0: {  	[sflag:s22] =	ssyncadd.s32 $0xFFFFFE00  }
0x1a1: {  	_ =	sfence.sel $0x180000  }
0x1a2: {  	[bflag:$0x0] =	sbarrier.arrive $0xFFFF  }
0x1a3: {  	p0 =	sne.s32 s0, $0x0;
	_ =	strace $0x90000047  }
0x1a4: {  	s0 =	sadd.s32 @!p0 $0x100000, s1;
	[bflag:$0x2] =	sbarrier.arrive $0xFFFF  }
0x1a5: {  	[sflag:s0] =	ssyncadd.tile.s32 @!p0 $0x1;
	_ =	shalt  }
.Lfunc_end2:
_tile_overlayer_lowered:
.L_overlay_start_2:
0x1a6: {  	(tag) =	ssettag $0x2  }
0x1a7: {  	s0 =	rddreg [dreg:$0x0];
	s2 =	stileid.u32  }
0x1a8: {  	s1 =	rddreg [dreg:$0x1];
	p0 =	sne.s32 s2, $0x0  }
0x1a9: {  	s3 =	rddreg [dreg:$0x2];
	[bflag:$0x3] =	sbarrier.arrive $0xFFFF;
	s2 =	simm.s32 @!p0 $0x1C02  }
0x1aa: {  	[timem:s3], [sflag:s2] =	dma.local @!p0 [hbm:s0], s1  }
0x1ab: {  	s0 =	simm.s32 @!p0 $0x2  }
0x1ac: {  	_ =	swait.ge @!p0 [sflag:s0], s1  }
0x1ad: {  	s1 =	ssub.s32 @!p0 $0x0, s1;
	[sflag:s0] =	ssyncset.done @!p0 $0x0  }
0x1ae: {  	[sflag:s0] =	ssyncadd.s32 @!p0 s1  }
0x1af: {  	[bflag:$0x3] =	sbarrier.arrive $0xFFFF  }
0x1b0: {  	_ =	shalt  }

</sc_bundles>
